<compile_context>
chip_gen: v7x
topology: tpu7x:2x2x1
jax: 0.10.2.dev20260603
libtpu: 0.0.44.dev20260713+nightly
codegen_flags: <defaults>
</compile_context>

<pallas_src>
import functools

import jax
import jax.numpy as jnp
from jax import lax
from jax.experimental import pallas as pl
from jax.experimental.pallas import tpu as pltpu
from jax.experimental.pallas import tpu_sc as plsc

N = 10000
E = 320000
D = 128
K = 5000
NP = 10240
NROWS = 80

NC = 2
NS = 16
NW = NC * NS
EPW = E // NW
CHUNK = 80
CH_ALL = 125
SLOTS = CH_ALL * CHUNK
RPS = NP // NS
SW = 8

_SC_MESH = dict(core_axis_name="c", subcore_axis_name="s")



def _sc_degrees(src, dst, ones_c, zeros_col):

    @functools.partial(
        pl.kernel,
        out_type=(
            jax.ShapeDtypeStruct((NC, NP, SW), jnp.float32),
            jax.ShapeDtypeStruct((NC, NP, SW), jnp.float32),
        ),
        mesh=plsc.VectorSubcoreMesh(**_SC_MESH),
        scratch_types=[
            pltpu.VMEM((CH_ALL, CHUNK), jnp.int32),
            pltpu.VMEM((CH_ALL, CHUNK), jnp.int32),
            pltpu.VMEM((CHUNK, SW), jnp.float32),
            pltpu.VMEM_SHARED((NP, SW), jnp.float32),
            pltpu.VMEM_SHARED((NP, SW), jnp.float32),
        ],
        compiler_params=pltpu.CompilerParams(use_tc_tiling_on_sc=False),
    )
    def body(src_hbm, dst_hbm, ones_hbm, zcol_hbm, dego_hbm, degi_hbm,
             srcv, dstv, onesv, acc_o, acc_i):
        cid = lax.axis_index("c")
        sid = lax.axis_index("s")
        wid = cid * NS + sid
        pltpu.sync_copy(ones_hbm, onesv)
        sl = pl.ds(sid * RPS, RPS)
        pltpu.sync_copy(zcol_hbm.at[sl], acc_o.at[sl])
        pltpu.sync_copy(zcol_hbm.at[sl], acc_i.at[sl])
        pltpu.sync_copy(src_hbm.at[wid], srcv)
        pltpu.sync_copy(dst_hbm.at[wid], dstv)
        plsc.subcore_barrier()

        def step(j, carry):
            pltpu.sync_copy(onesv, acc_o.at[srcv.at[j]], add=True)
            pltpu.sync_copy(onesv, acc_i.at[dstv.at[j]], add=True)
            return carry

        lax.fori_loop(0, CH_ALL, step, 0)
        plsc.subcore_barrier()
        pltpu.sync_copy(acc_o.at[sl], dego_hbm.at[cid, sl])
        pltpu.sync_copy(acc_i.at[sl], degi_hbm.at[cid, sl])

    return body(src, dst, ones_c, zeros_col)


def _sc_segment_sum(h, src, dst, zeros):

    @functools.partial(
        pl.kernel,
        out_type=jax.ShapeDtypeStruct((NC, NP, D), jnp.float32),
        mesh=plsc.VectorSubcoreMesh(**_SC_MESH),
        scratch_types=[
            pltpu.VMEM((CH_ALL, CHUNK), jnp.int32),
            pltpu.VMEM((CH_ALL, CHUNK), jnp.int32),
            pltpu.VMEM((CHUNK, D), jnp.float32),
            pltpu.VMEM_SHARED((NP, D), jnp.float32),
            pltpu.SemaphoreType.DMA,
        ],
    )
    def body(h_hbm, src_hbm, dst_hbm, z_hbm, out_hbm,
             srcv, dstv, rows, acc, sem):
        cid = lax.axis_index("c")
        sid = lax.axis_index("s")
        wid = cid * NS + sid
        sl = pl.ds(sid * RPS, RPS)
        pltpu.sync_copy(z_hbm.at[sl], acc.at[sl])
        pltpu.sync_copy(src_hbm.at[wid], srcv)
        pltpu.sync_copy(dst_hbm.at[wid], dstv)
        plsc.subcore_barrier()

        def step(j, carry):
            pltpu.async_copy(h_hbm.at[srcv.at[j]], rows, sem).wait()
            pltpu.sync_copy(rows, acc.at[dstv.at[j]], add=True)
            return carry

        lax.fori_loop(0, CH_ALL, step, 0)
        plsc.subcore_barrier()
        pltpu.sync_copy(acc.at[sl], out_hbm.at[cid, sl])

    return body(h, src, dst, zeros)


def _sc_segment_sum_scalar(s, src, dst, zeros_col):

    @functools.partial(
        pl.kernel,
        out_type=jax.ShapeDtypeStruct((NC, NP, SW), jnp.float32),
        mesh=plsc.VectorSubcoreMesh(**_SC_MESH),
        scratch_types=[
            pltpu.VMEM((CH_ALL, CHUNK), jnp.int32),
            pltpu.VMEM((CH_ALL, CHUNK), jnp.int32),
            pltpu.VMEM((CHUNK, SW), jnp.float32),
            pltpu.VMEM_SHARED((NP, SW), jnp.float32),
            pltpu.SemaphoreType.DMA,
        ],
        compiler_params=pltpu.CompilerParams(use_tc_tiling_on_sc=False),
    )
    def body(s_hbm, src_hbm, dst_hbm, z_hbm, out_hbm, srcv, dstv, vals, acc, sem):
        cid = lax.axis_index("c")
        sid = lax.axis_index("s")
        wid = cid * NS + sid
        sl = pl.ds(sid * RPS, RPS)
        pltpu.sync_copy(z_hbm.at[sl], acc.at[sl])
        pltpu.sync_copy(src_hbm.at[wid], srcv)
        pltpu.sync_copy(dst_hbm.at[wid], dstv)
        plsc.subcore_barrier()

        def step(j, carry):
            pltpu.async_copy(s_hbm.at[srcv.at[j]], vals, sem).wait()
            pltpu.sync_copy(vals, acc.at[dstv.at[j]], add=True)
            return carry

        lax.fori_loop(0, CH_ALL, step, 0)
        plsc.subcore_barrier()
        pltpu.sync_copy(acc.at[sl], out_hbm.at[cid, sl])

    return body(s, src, dst, zeros_col)



def _tc_prep(do0, do1, di0, di1):

    def body(a_ref, b_ref, c_ref, d_ref, ro_ref, ri_ref):
        ro_ref[...] = lax.rsqrt(jnp.maximum(a_ref[...] + b_ref[...], 1.0))
        ri_ref[...] = lax.rsqrt(jnp.maximum(c_ref[...] + d_ref[...], 1.0))

    return pl.pallas_call(
        body,
        out_shape=(
            jax.ShapeDtypeStruct((NROWS, 128), jnp.float32),
            jax.ShapeDtypeStruct((NROWS, 128), jnp.float32),
        ),
    )(do0, do1, di0, di1)


_BLK = 512
_NBLK = NP // _BLK


def _tc_scale_rows(x, r_col):

    def body(x_ref, r_ref, o_ref):
        o_ref[...] = x_ref[...] * r_ref[...]

    return pl.pallas_call(
        body,
        grid=(_NBLK,),
        in_specs=[
            pl.BlockSpec((_BLK, D), lambda i: (i, 0)),
            pl.BlockSpec((_BLK, 1), lambda i: (i, 0)),
        ],
        out_specs=pl.BlockSpec((_BLK, D), lambda i: (i, 0)),
        out_shape=jax.ShapeDtypeStruct((NP, D), jnp.float32),
    )(x, r_col)


def _tc_layer(m0, m1, r_in, r_out, W, b, Ws, s_in):

    def body(m0_ref, m1_ref, ri_ref, ro_ref, w_ref, b_ref, ws_ref, si_ref,
             f_ref, h_ref, s_ref):
        m = (m0_ref[...] + m1_ref[...]) * ri_ref[...]
        f = jnp.dot(m, w_ref[...], preferred_element_type=jnp.float32) + b_ref[...]
        h = f * ro_ref[...]
        f_ref[...] = f
        h_ref[...] = h
        s_ref[...] = si_ref[...] + jnp.dot(h, ws_ref[...],
                                           preferred_element_type=jnp.float32)

    return pl.pallas_call(
        body,
        grid=(_NBLK,),
        in_specs=[
            pl.BlockSpec((_BLK, D), lambda i: (i, 0)),
            pl.BlockSpec((_BLK, D), lambda i: (i, 0)),
            pl.BlockSpec((_BLK, 1), lambda i: (i, 0)),
            pl.BlockSpec((_BLK, 1), lambda i: (i, 0)),
            pl.BlockSpec((D, D), lambda i: (0, 0)),
            pl.BlockSpec((1, D), lambda i: (0, 0)),
            pl.BlockSpec((D, 1), lambda i: (0, 0)),
            pl.BlockSpec((_BLK, 1), lambda i: (i, 0)),
        ],
        out_specs=(
            pl.BlockSpec((_BLK, D), lambda i: (i, 0)),
            pl.BlockSpec((_BLK, D), lambda i: (i, 0)),
            pl.BlockSpec((_BLK, 1), lambda i: (i, 0)),
        ),
        out_shape=(
            jax.ShapeDtypeStruct((NP, D), jnp.float32),
            jax.ShapeDtypeStruct((NP, D), jnp.float32),
            jax.ShapeDtypeStruct((NP, 1), jnp.float32),
        ),
    )(m0, m1, r_in, r_out, W, b, Ws, s_in)


def _tc_select(sp0, sp1, ri_pad, score_b):

    def body(a_ref, b_ref, r_ref, sb_ref, w_ref, sel_ref):
        score = (a_ref[...] + b_ref[...]) * r_ref[...] + sb_ref[0, 0]
        flat = (lax.broadcasted_iota(jnp.int32, (NROWS, 128), 0) * 128
                + lax.broadcasted_iota(jnp.int32, (NROWS, 128), 1))
        valid = flat < N
        score = jnp.where(valid, score, -jnp.inf)
        u = lax.bitcast_convert_type(score, jnp.uint32)
        key = jnp.where(u >> 31 == jnp.uint32(1), ~u, u | jnp.uint32(0x80000000))

        def bstep(_, lohi):
            lo, hi = lohi
            mid = lo + ((hi - lo) >> 1)
            c = jnp.sum((key > mid).astype(jnp.int32))
            pred = c < K
            return (jnp.where(pred, lo, mid + 1), jnp.where(pred, mid, hi))

        lo, _ = lax.fori_loop(0, 32, bstep,
                              (jnp.uint32(0), jnp.uint32(0xFFFFFFFF)))
        tau = lo
        gt = key > tau
        eq = key == tau
        c_gt = jnp.sum(gt.astype(jnp.int32))
        need = (K - c_gt).astype(jnp.float32)
        eqf = eq.astype(jnp.float32)
        cj = (lax.broadcasted_iota(jnp.int32, (128, 128), 0)
              < lax.broadcasted_iota(jnp.int32, (128, 128), 1))
        in_row = jnp.dot(eqf, cj.astype(jnp.float32),
                         preferred_element_type=jnp.float32)
        rows_eq = jnp.sum(eqf, axis=1, keepdims=True)
        rq = (lax.broadcasted_iota(jnp.int32, (NROWS, NROWS), 1)
              < lax.broadcasted_iota(jnp.int32, (NROWS, NROWS), 0))
        pre_row = jnp.dot(rq.astype(jnp.float32), rows_eq,
                          preferred_element_type=jnp.float32)
        rank = pre_row + in_row
        sel = gt | (eq & (rank < need))
        w_ref[...] = jnp.where(sel, jnp.tanh(score), 0.0)
        sel_ref[...] = sel.astype(jnp.float32)

    return pl.pallas_call(
        body,
        out_shape=(
            jax.ShapeDtypeStruct((NROWS, 128), jnp.float32),
            jax.ShapeDtypeStruct((NROWS, 128), jnp.float32),
        ),
    )(sp0, sp1, ri_pad, score_b)


def _tc_head(f1, f2, f3, w_col, sel_col, l1W, l1b, l2W, l2b, l3W, l3b):

    def body(f1_ref, f2_ref, f3_ref, w_ref, sel_ref,
             l1w_ref, l1b_ref, l2w_ref, l2b_ref, l3w_ref, l3b_ref,
             logits_ref, feat_ref):
        w = w_ref[...]
        selected = sel_ref[...] > 0.0
        parts_avg = []
        parts_max = []
        for f_ref in (f1_ref, f2_ref, f3_ref):
            p = f_ref[...] * w
            parts_avg.append(jnp.sum(p, axis=0, keepdims=True) * (1.0 / K))
            parts_max.append(jnp.max(jnp.where(selected, p, -3.4e38),
                                     axis=0, keepdims=True))
        feat0 = jnp.concatenate(parts_avg + parts_max, axis=1)
        h1 = jnp.maximum(
            jnp.dot(feat0, l1w_ref[...], preferred_element_type=jnp.float32)
            + l1b_ref[...], 0.0)
        h2 = jnp.maximum(
            jnp.dot(h1, l2w_ref[...], preferred_element_type=jnp.float32)
            + l2b_ref[...], 0.0)
        z = jnp.dot(h2, l3w_ref[...], preferred_element_type=jnp.float32) \
            + l3b_ref[...]
        zm = z - jnp.max(z, axis=1, keepdims=True)
        logits_ref[...] = zm - jnp.log(jnp.sum(jnp.exp(zm), axis=1,
                                               keepdims=True))
        feat_ref[...] = h2

    return pl.pallas_call(
        body,
        out_shape=(
            jax.ShapeDtypeStruct((1, 10), jnp.float32),
            jax.ShapeDtypeStruct((1, D), jnp.float32),
        ),
    )(f1, f2, f3, w_col, sel_col, l1W, l1b, l2W, l2b, l3W, l3b)



def kernel(x, edge_index, conv_W0, conv_b0, conv_W1, conv_b1, conv_W2,
           conv_b2, score_W, score_b, lin1_W, lin1_b, lin2_W, lin2_b,
           lin3_W, lin3_b):
    src = jnp.reshape(edge_index[0].astype(jnp.int32), (NW, CH_ALL, CHUNK))
    dst = jnp.reshape(edge_index[1].astype(jnp.int32), (NW, CH_ALL, CHUNK))
    x_pad = jnp.pad(x, ((0, NP - N), (0, 0)))
    zeros = jnp.zeros((NP, D), jnp.float32)
    zeros_col = jnp.zeros((NP, 1), jnp.float32)
    zeros_sw = jnp.zeros((NP, SW), jnp.float32)
    ones_c = jnp.ones((CHUNK, SW), jnp.float32)

    dego, degi = _sc_degrees(src, dst, ones_c, zeros_sw)
    ro_pad, ri_pad = _tc_prep(
        jnp.reshape(dego[0, :, 0], (NROWS, 128)),
        jnp.reshape(dego[1, :, 0], (NROWS, 128)),
        jnp.reshape(degi[0, :, 0], (NROWS, 128)),
        jnp.reshape(degi[1, :, 0], (NROWS, 128)))
    r_out = jnp.reshape(ro_pad, (NP, 1))
    r_in = jnp.reshape(ri_pad, (NP, 1))

    h = _tc_scale_rows(x_pad, r_out)
    s = zeros_col
    feats = []
    for W, b, Ws in (
            (conv_W0, conv_b0, score_W[0:D]),
            (conv_W1, conv_b1, score_W[D:2 * D]),
            (conv_W2, conv_b2, score_W[2 * D:3 * D])):
        m = _sc_segment_sum(h, src, dst, zeros)
        f, h, s = _tc_layer(m[0], m[1], r_in, r_out, W,
                            jnp.reshape(b, (1, -1)), Ws, s)
        feats.append(f)

    sp = _sc_segment_sum_scalar(jnp.tile(s, (1, SW)), src, dst, zeros_sw)
    w_pad, sel_pad = _tc_select(
        jnp.reshape(sp[0, :, 0], (NROWS, 128)),
        jnp.reshape(sp[1, :, 0], (NROWS, 128)),
        ri_pad, jnp.reshape(score_b, (1, 1)))
    w_col = jnp.reshape(w_pad, (NP, 1))
    sel_col = jnp.reshape(sel_pad, (NP, 1))

    logits, feat = _tc_head(
        feats[0], feats[1], feats[2], w_col, sel_col,
        lin1_W, jnp.reshape(lin1_b, (1, -1)),
        lin2_W, jnp.reshape(lin2_b, (1, -1)),
        lin3_W, jnp.reshape(lin3_b, (1, -1)))
    return (logits, feat)

# --- scband reference (transcript-rebuilt; emitter-appended) ---
"""Pipeline reference for scband-sagnetwork-global-64106681860684 (READ-ONLY COPY).

The authoritative reference and input builder live on the scoring server;
editing this copy changes nothing except your own understanding.
"""

import jax, jax.numpy as jnp
import numpy as np

N = 10000
E = 320000
IN_DIM = 128
HIDDEN = 128
OUT_DIM = 10
NUM_LAYERS = 3
POOL_RATIO = 0.5
CONCAT = NUM_LAYERS * HIDDEN


def _init_linear(key, fan_in, fan_out):
    k1, k2 = jax.random.split(key)
    bound = 1.0 / np.sqrt(fan_in)
    W = jax.random.uniform(k1, (fan_in, fan_out), jnp.float32, -bound, bound)
    b = jax.random.uniform(k2, (fan_out,), jnp.float32, -bound, bound)
    return W, b


def setup_inputs(seed: int = 0) -> dict:
    key = jax.random.key(seed)
    ks = jax.random.split(key, 10)
    inp = {}
    inp["x"] = jax.random.normal(ks[0], (N, IN_DIM), jnp.float32)
    inp["edge_index"] = jax.random.randint(ks[1], (2, E), 0, N).astype(jnp.int64)
    inp["conv_W0"], inp["conv_b0"] = _init_linear(ks[2], IN_DIM, HIDDEN)
    inp["conv_W1"], inp["conv_b1"] = _init_linear(ks[3], HIDDEN, HIDDEN)
    inp["conv_W2"], inp["conv_b2"] = _init_linear(ks[4], HIDDEN, HIDDEN)
    inp["score_W"], inp["score_b"] = _init_linear(ks[5], CONCAT, 1)
    inp["lin1_W"], inp["lin1_b"] = _init_linear(ks[6], CONCAT * 2, HIDDEN)
    inp["lin2_W"], inp["lin2_b"] = _init_linear(ks[7], HIDDEN, HIDDEN)
    inp["lin3_W"], inp["lin3_b"] = _init_linear(ks[8], HIDDEN, OUT_DIM)
    return inp


def _graph_conv(x, W, b, src, dst):
    # DGL GraphConv with norm='both': h = D_in^{-1/2} A D_out^{-1/2} x W + b
    ones = jnp.ones((src.shape[0],), jnp.float32)
    deg_out = jnp.clip(jax.ops.segment_sum(ones, src, num_segments=N), 1.0, None)
    deg_in = jnp.clip(jax.ops.segment_sum(ones, dst, num_segments=N), 1.0, None)
    h = x * jax.lax.rsqrt(deg_out)[:, None]
    m = jax.ops.segment_sum(h[src], dst, num_segments=N)
    m = m * jax.lax.rsqrt(deg_in)[:, None]
    return m @ W + b


def reference(x, edge_index, conv_W0, conv_b0, conv_W1, conv_b1, conv_W2, conv_b2, score_W, score_b, lin1_W, lin1_b, lin2_W, lin2_b, lin3_W, lin3_b):
    src = edge_index[0]
    dst = edge_index[1]
    feat = x
    conv_res = []
    for (W, b) in ((conv_W0, conv_b0), (conv_W1, conv_b1), (conv_W2, conv_b2)):
        feat = _graph_conv(feat, W, b, src, dst)
        conv_res.append(feat)
    conv_res = jnp.concatenate(conv_res, axis=-1)
    # SAGPool: score via GraphConv(concat_dim -> 1), keep top ratio*N nodes
    score = _graph_conv(conv_res, score_W, score_b, src, dst)[:, 0]
    k = int(POOL_RATIO * N)
    top_scores, perm = jax.lax.top_k(score, k)
    pooled = conv_res[perm] * jnp.tanh(top_scores)[:, None]
    # Global avg + max readout over pooled nodes (single batched graph)
    avg = jnp.mean(pooled, axis=0, keepdims=True)
    mx = jnp.max(pooled, axis=0, keepdims=True)
    feat = jnp.concatenate([avg, mx], axis=-1)
    feat = jax.nn.relu(feat @ lin1_W + lin1_b)
    # dropout p=0.0 (eval) -> identity
    feat = jax.nn.relu(feat @ lin2_W + lin2_b)
    logits = jax.nn.log_softmax(feat @ lin3_W + lin3_b, axis=-1)
    return (logits, feat)

if __name__ == "__main__":
    import jax
    _d = setup_inputs()
    print(jax.jit(kernel)(*tuple(_d.values())))

</pallas_src>

<mosaic_0001>
#map = affine_map<(d0, d1) -> (0, 0, 0)>
#map1 = affine_map<(d0, d1) -> (0, 0)>
module attributes {stable_mosaic.version = 14 : i64} {
  func.func @body(%arg0: i32, %arg1: i32, %arg2: memref<32x125x80xi32, #tpu.memory_space<hbm>>, %arg3: memref<32x125x80xi32, #tpu.memory_space<hbm>>, %arg4: memref<80x8xf32, #tpu.memory_space<hbm>>, %arg5: memref<10240x8xf32, #tpu.memory_space<hbm>>, %arg6: memref<2x10240x8xf32, #tpu.memory_space<hbm>>, %arg7: memref<2x10240x8xf32, #tpu.memory_space<hbm>>, %arg8: memref<125x80xi32, #tpu.memory_space<vmem>>, %arg9: memref<125x80xi32, #tpu.memory_space<vmem>>, %arg10: memref<80x8xf32, #tpu.memory_space<vmem>>, %arg11: memref<10240x8xf32, #tpu.memory_space<vmem_shared>>, %arg12: memref<10240x8xf32, #tpu.memory_space<vmem_shared>>) attributes {dimension_semantics = [#tpu.dimension_semantics<core_parallel>, #tpu.dimension_semantics<subcore_parallel>], iteration_bounds = array<i64: 2, 16>, scalar_prefetch = 0 : i64, scratch_operands = 5 : i64, tpu.core_type = #tpu.core_type<sc_vector_subcore>, window_params = [{transform_indices = #map}, {transform_indices = #map}, {transform_indices = #map1}, {transform_indices = #map1}, {transform_indices = #map}, {transform_indices = #map}]} {
    %mul3A = arith.constant 16 : i32
    %mul3A_0 = arith.muli %arg0, %mul3A : i32
    %add3A = arith.addi %mul3A_0, %arg1 : i32
    "tpu.region"() ({
      %run_scoped3A = tpu.sem_alloc : memref<!tpu.dma_semaphore, #tpu.memory_space<semaphore_mem>>
      tpu.enqueue_dma source(%arg4 : memref<80x8xf32, #tpu.memory_space<hbm>>) target(%arg10 : memref<80x8xf32, #tpu.memory_space<vmem>>) target_semaphore(%run_scoped3A : memref<!tpu.dma_semaphore, #tpu.memory_space<semaphore_mem>>)
      tpu.wait_dma2 semaphore(%run_scoped3A : memref<!tpu.dma_semaphore, #tpu.memory_space<semaphore_mem>>) src(%arg4 : memref<80x8xf32, #tpu.memory_space<hbm>>) dst(%arg10 : memref<80x8xf32, #tpu.memory_space<vmem>>)
      tpu.yield
    }) : () -> ()
    %mul3A_1 = arith.constant 640 : i32
    %mul3A_2 = arith.muli %arg1, %mul3A_1 : i32
    "tpu.region"() ({
      %run_scoped3A = tpu.sem_alloc : memref<!tpu.dma_semaphore, #tpu.memory_space<semaphore_mem>>
      %dma_start3A = arith.constant 0 : i32
      %dma_start3A_9 = tpu.memref_slice %arg11[%mul3A_2, %dma_start3A] : memref<10240x8xf32, #tpu.memory_space<vmem_shared>> -> memref<640x8xf32, #tpu.memory_space<vmem_shared>>
      %dma_start3A_10 = arith.constant 0 : i32
      %dma_start3A_11 = tpu.memref_slice %arg5[%mul3A_2, %dma_start3A_10] : memref<10240x8xf32, #tpu.memory_space<hbm>> -> memref<640x8xf32, #tpu.memory_space<hbm>>
      tpu.enqueue_dma source(%dma_start3A_11 : memref<640x8xf32, #tpu.memory_space<hbm>>) target(%dma_start3A_9 : memref<640x8xf32, #tpu.memory_space<vmem_shared>>) target_semaphore(%run_scoped3A : memref<!tpu.dma_semaphore, #tpu.memory_space<semaphore_mem>>)
      %dma_wait3A = arith.constant 0 : i32
      %dma_wait3A_12 = tpu.memref_slice %arg11[%mul3A_2, %dma_wait3A] : memref<10240x8xf32, #tpu.memory_space<vmem_shared>> -> memref<640x8xf32, #tpu.memory_space<vmem_shared>>
      %dma_wait3A_13 = arith.constant 0 : i32
      %dma_wait3A_14 = tpu.memref_slice %arg5[%mul3A_2, %dma_wait3A_13] : memref<10240x8xf32, #tpu.memory_space<hbm>> -> memref<640x8xf32, #tpu.memory_space<hbm>>
      tpu.wait_dma2 semaphore(%run_scoped3A : memref<!tpu.dma_semaphore, #tpu.memory_space<semaphore_mem>>) src(%dma_wait3A_14 : memref<640x8xf32, #tpu.memory_space<hbm>>) dst(%dma_wait3A_12 : memref<640x8xf32, #tpu.memory_space<vmem_shared>>)
      tpu.yield
    }) : () -> ()
    "tpu.region"() ({
      %run_scoped3A = tpu.sem_alloc : memref<!tpu.dma_semaphore, #tpu.memory_space<semaphore_mem>>
      %dma_start3A = arith.constant 0 : i32
      %dma_start3A_9 = tpu.memref_slice %arg12[%mul3A_2, %dma_start3A] : memref<10240x8xf32, #tpu.memory_space<vmem_shared>> -> memref<640x8xf32, #tpu.memory_space<vmem_shared>>
      %dma_start3A_10 = arith.constant 0 : i32
      %dma_start3A_11 = tpu.memref_slice %arg5[%mul3A_2, %dma_start3A_10] : memref<10240x8xf32, #tpu.memory_space<hbm>> -> memref<640x8xf32, #tpu.memory_space<hbm>>
      tpu.enqueue_dma source(%dma_start3A_11 : memref<640x8xf32, #tpu.memory_space<hbm>>) target(%dma_start3A_9 : memref<640x8xf32, #tpu.memory_space<vmem_shared>>) target_semaphore(%run_scoped3A : memref<!tpu.dma_semaphore, #tpu.memory_space<semaphore_mem>>)
      %dma_wait3A = arith.constant 0 : i32
      %dma_wait3A_12 = tpu.memref_slice %arg12[%mul3A_2, %dma_wait3A] : memref<10240x8xf32, #tpu.memory_space<vmem_shared>> -> memref<640x8xf32, #tpu.memory_space<vmem_shared>>
      %dma_wait3A_13 = arith.constant 0 : i32
      %dma_wait3A_14 = tpu.memref_slice %arg5[%mul3A_2, %dma_wait3A_13] : memref<10240x8xf32, #tpu.memory_space<hbm>> -> memref<640x8xf32, #tpu.memory_space<hbm>>
      tpu.wait_dma2 semaphore(%run_scoped3A : memref<!tpu.dma_semaphore, #tpu.memory_space<semaphore_mem>>) src(%dma_wait3A_14 : memref<640x8xf32, #tpu.memory_space<hbm>>) dst(%dma_wait3A_12 : memref<640x8xf32, #tpu.memory_space<vmem_shared>>)
      tpu.yield
    }) : () -> ()
    "tpu.region"() ({
      %run_scoped3A = tpu.sem_alloc : memref<!tpu.dma_semaphore, #tpu.memory_space<semaphore_mem>>
      %dma_start3A = arith.constant 0 : i32
      %dma_start3A_9 = arith.constant 0 : i32
      %dma_start3A_10 = tpu.memref_slice %arg2[%add3A, %dma_start3A, %dma_start3A_9] : memref<32x125x80xi32, #tpu.memory_space<hbm>> -> memref<1x125x80xi32, #tpu.memory_space<hbm>>
      %dma_start3A_11 = tpu.memref_squeeze %dma_start3A_10 : memref<1x125x80xi32, #tpu.memory_space<hbm>> -> memref<125x80xi32, #tpu.memory_space<hbm>>
      %dma_start3A_12 = arith.constant 0 : i32
      %dma_start3A_13 = arith.constant 0 : i32
      %dma_start3A_14 = tpu.memref_slice %arg2[%add3A, %dma_start3A_12, %dma_start3A_13] : memref<32x125x80xi32, #tpu.memory_space<hbm>> -> memref<1x125x80xi32, #tpu.memory_space<hbm>>
      %dma_start3A_15 = tpu.memref_squeeze %dma_start3A_14 : memref<1x125x80xi32, #tpu.memory_space<hbm>> -> memref<125x80xi32, #tpu.memory_space<hbm>>
      tpu.enqueue_dma source(%dma_start3A_15 : memref<125x80xi32, #tpu.memory_space<hbm>>) target(%arg8 : memref<125x80xi32, #tpu.memory_space<vmem>>) target_semaphore(%run_scoped3A : memref<!tpu.dma_semaphore, #tpu.memory_space<semaphore_mem>>)
      %dma_wait3A = arith.constant 0 : i32
      %dma_wait3A_16 = arith.constant 0 : i32
      %dma_wait3A_17 = tpu.memref_slice %arg2[%add3A, %dma_wait3A, %dma_wait3A_16] : memref<32x125x80xi32, #tpu.memory_space<hbm>> -> memref<1x125x80xi32, #tpu.memory_space<hbm>>
      %dma_wait3A_18 = tpu.memref_squeeze %dma_wait3A_17 : memref<1x125x80xi32, #tpu.memory_space<hbm>> -> memref<125x80xi32, #tpu.memory_space<hbm>>
      %dma_wait3A_19 = arith.constant 0 : i32
      %dma_wait3A_20 = arith.constant 0 : i32
      %dma_wait3A_21 = tpu.memref_slice %arg2[%add3A, %dma_wait3A_19, %dma_wait3A_20] : memref<32x125x80xi32, #tpu.memory_space<hbm>> -> memref<1x125x80xi32, #tpu.memory_space<hbm>>
      %dma_wait3A_22 = tpu.memref_squeeze %dma_wait3A_21 : memref<1x125x80xi32, #tpu.memory_space<hbm>> -> memref<125x80xi32, #tpu.memory_space<hbm>>
      tpu.wait_dma2 semaphore(%run_scoped3A : memref<!tpu.dma_semaphore, #tpu.memory_space<semaphore_mem>>) src(%dma_wait3A_22 : memref<125x80xi32, #tpu.memory_space<hbm>>) dst(%arg8 : memref<125x80xi32, #tpu.memory_space<vmem>>)
      tpu.yield
    }) : () -> ()
    "tpu.region"() ({
      %run_scoped3A = tpu.sem_alloc : memref<!tpu.dma_semaphore, #tpu.memory_space<semaphore_mem>>
      %dma_start3A = arith.constant 0 : i32
      %dma_start3A_9 = arith.constant 0 : i32
      %dma_start3A_10 = tpu.memref_slice %arg3[%add3A, %dma_start3A, %dma_start3A_9] : memref<32x125x80xi32, #tpu.memory_space<hbm>> -> memref<1x125x80xi32, #tpu.memory_space<hbm>>
      %dma_start3A_11 = tpu.memref_squeeze %dma_start3A_10 : memref<1x125x80xi32, #tpu.memory_space<hbm>> -> memref<125x80xi32, #tpu.memory_space<hbm>>
      %dma_start3A_12 = arith.constant 0 : i32
      %dma_start3A_13 = arith.constant 0 : i32
      %dma_start3A_14 = tpu.memref_slice %arg3[%add3A, %dma_start3A_12, %dma_start3A_13] : memref<32x125x80xi32, #tpu.memory_space<hbm>> -> memref<1x125x80xi32, #tpu.memory_space<hbm>>
      %dma_start3A_15 = tpu.memref_squeeze %dma_start3A_14 : memref<1x125x80xi32, #tpu.memory_space<hbm>> -> memref<125x80xi32, #tpu.memory_space<hbm>>
      tpu.enqueue_dma source(%dma_start3A_15 : memref<125x80xi32, #tpu.memory_space<hbm>>) target(%arg9 : memref<125x80xi32, #tpu.memory_space<vmem>>) target_semaphore(%run_scoped3A : memref<!tpu.dma_semaphore, #tpu.memory_space<semaphore_mem>>)
      %dma_wait3A = arith.constant 0 : i32
      %dma_wait3A_16 = arith.constant 0 : i32
      %dma_wait3A_17 = tpu.memref_slice %arg3[%add3A, %dma_wait3A, %dma_wait3A_16] : memref<32x125x80xi32, #tpu.memory_space<hbm>> -> memref<1x125x80xi32, #tpu.memory_space<hbm>>
      %dma_wait3A_18 = tpu.memref_squeeze %dma_wait3A_17 : memref<1x125x80xi32, #tpu.memory_space<hbm>> -> memref<125x80xi32, #tpu.memory_space<hbm>>
      %dma_wait3A_19 = arith.constant 0 : i32
      %dma_wait3A_20 = arith.constant 0 : i32
      %dma_wait3A_21 = tpu.memref_slice %arg3[%add3A, %dma_wait3A_19, %dma_wait3A_20] : memref<32x125x80xi32, #tpu.memory_space<hbm>> -> memref<1x125x80xi32, #tpu.memory_space<hbm>>
      %dma_wait3A_22 = tpu.memref_squeeze %dma_wait3A_21 : memref<1x125x80xi32, #tpu.memory_space<hbm>> -> memref<125x80xi32, #tpu.memory_space<hbm>>
      tpu.wait_dma2 semaphore(%run_scoped3A : memref<!tpu.dma_semaphore, #tpu.memory_space<semaphore_mem>>) src(%dma_wait3A_22 : memref<125x80xi32, #tpu.memory_space<hbm>>) dst(%arg9 : memref<125x80xi32, #tpu.memory_space<vmem>>)
      tpu.yield
    }) : () -> ()
    %barrier3A = arith.constant 0 : index
    tpu.barrier barrier_id(%barrier3A)
    %scan3A = arith.constant 0 : i32
    %scan3A_3 = arith.constant 0 : i32
    %scan3A_4 = arith.constant 125 : i32
    %scan3A_5 = arith.addi %scan3A_3, %scan3A_4 : i32
    %scan3A_6 = arith.constant 1 : i32
    scf.for %scan3A_9 = %scan3A_3 to %scan3A_5 step %scan3A_6  : i32 {
      "tpu.region"() ({
        %run_scoped3A = tpu.sem_alloc : memref<!tpu.dma_semaphore, #tpu.memory_space<semaphore_mem>>
        %dma_start3A = arith.constant 0 : i32
        %dma_start3A_10 = tpu.memref_slice %arg8[%scan3A_9, %dma_start3A] : memref<125x80xi32, #tpu.memory_space<vmem>> -> memref<1x80xi32, #tpu.memory_space<vmem>>
        %dma_start3A_11 = tpu.memref_squeeze %dma_start3A_10 : memref<1x80xi32, #tpu.memory_space<vmem>> -> memref<80xi32, #tpu.memory_space<vmem>>
        %dma_start3A_12 = arith.constant 0 : i32
        %dma_start3A_13 = arith.constant 0 : i32
        %dma_start3A_14 = tpu.memref_slice %arg11[%dma_start3A_12, %dma_start3A_13] : memref<10240x8xf32, #tpu.memory_space<vmem_shared>> -> memref<10240x8xf32, #tpu.memory_space<vmem_shared>>
        tpu.enqueue_indirect_dma source(%arg10 : memref<80x8xf32, #tpu.memory_space<vmem>>) target(%dma_start3A_14 : memref<10240x8xf32, #tpu.memory_space<vmem_shared>>) offsets(%dma_start3A_11 : memref<80xi32, #tpu.memory_space<vmem>>) semaphore(%run_scoped3A : memref<!tpu.dma_semaphore, #tpu.memory_space<semaphore_mem>>) {add = true}
        %dma_wait3A = arith.constant 0 : i32
        %dma_wait3A_15 = tpu.memref_slice %arg8[%scan3A_9, %dma_wait3A] : memref<125x80xi32, #tpu.memory_space<vmem>> -> memref<1x80xi32, #tpu.memory_space<vmem>>
        %dma_wait3A_16 = tpu.memref_squeeze %dma_wait3A_15 : memref<1x80xi32, #tpu.memory_space<vmem>> -> memref<80xi32, #tpu.memory_space<vmem>>
        %dma_wait3A_17 = arith.constant 0 : i32
        %dma_wait3A_18 = arith.constant 0 : i32
        %dma_wait3A_19 = tpu.memref_slice %arg11[%dma_wait3A_17, %dma_wait3A_18] : memref<10240x8xf32, #tpu.memory_space<vmem_shared>> -> memref<10240x8xf32, #tpu.memory_space<vmem_shared>>
        tpu.wait_indirect_dma semaphore(%run_scoped3A : memref<!tpu.dma_semaphore, #tpu.memory_space<semaphore_mem>>) src(%arg10 : memref<80x8xf32, #tpu.memory_space<vmem>>) dst(%dma_wait3A_19 : memref<10240x8xf32, #tpu.memory_space<vmem_shared>>)
        tpu.yield
      }) : () -> ()
      "tpu.region"() ({
        %run_scoped3A = tpu.sem_alloc : memref<!tpu.dma_semaphore, #tpu.memory_space<semaphore_mem>>
        %dma_start3A = arith.constant 0 : i32
        %dma_start3A_10 = tpu.memref_slice %arg9[%scan3A_9, %dma_start3A] : memref<125x80xi32, #tpu.memory_space<vmem>> -> memref<1x80xi32, #tpu.memory_space<vmem>>
        %dma_start3A_11 = tpu.memref_squeeze %dma_start3A_10 : memref<1x80xi32, #tpu.memory_space<vmem>> -> memref<80xi32, #tpu.memory_space<vmem>>
        %dma_start3A_12 = arith.constant 0 : i32
        %dma_start3A_13 = arith.constant 0 : i32
        %dma_start3A_14 = tpu.memref_slice %arg12[%dma_start3A_12, %dma_start3A_13] : memref<10240x8xf32, #tpu.memory_space<vmem_shared>> -> memref<10240x8xf32, #tpu.memory_space<vmem_shared>>
        tpu.enqueue_indirect_dma source(%arg10 : memref<80x8xf32, #tpu.memory_space<vmem>>) target(%dma_start3A_14 : memref<10240x8xf32, #tpu.memory_space<vmem_shared>>) offsets(%dma_start3A_11 : memref<80xi32, #tpu.memory_space<vmem>>) semaphore(%run_scoped3A : memref<!tpu.dma_semaphore, #tpu.memory_space<semaphore_mem>>) {add = true}
        %dma_wait3A = arith.constant 0 : i32
        %dma_wait3A_15 = tpu.memref_slice %arg9[%scan3A_9, %dma_wait3A] : memref<125x80xi32, #tpu.memory_space<vmem>> -> memref<1x80xi32, #tpu.memory_space<vmem>>
        %dma_wait3A_16 = tpu.memref_squeeze %dma_wait3A_15 : memref<1x80xi32, #tpu.memory_space<vmem>> -> memref<80xi32, #tpu.memory_space<vmem>>
        %dma_wait3A_17 = arith.constant 0 : i32
        %dma_wait3A_18 = arith.constant 0 : i32
        %dma_wait3A_19 = tpu.memref_slice %arg12[%dma_wait3A_17, %dma_wait3A_18] : memref<10240x8xf32, #tpu.memory_space<vmem_shared>> -> memref<10240x8xf32, #tpu.memory_space<vmem_shared>>
        tpu.wait_indirect_dma semaphore(%run_scoped3A : memref<!tpu.dma_semaphore, #tpu.memory_space<semaphore_mem>>) src(%arg10 : memref<80x8xf32, #tpu.memory_space<vmem>>) dst(%dma_wait3A_19 : memref<10240x8xf32, #tpu.memory_space<vmem_shared>>)
        tpu.yield
      }) : () -> ()
    }
    %scan3A_7 = arith.constant 125 : i32
    %barrier3A_8 = arith.constant 0 : index
    tpu.barrier barrier_id(%barrier3A_8)
    "tpu.region"() ({
      %run_scoped3A = tpu.sem_alloc : memref<!tpu.dma_semaphore, #tpu.memory_space<semaphore_mem>>
      %dma_start3A = arith.constant 0 : i32
      %dma_start3A_9 = tpu.memref_slice %arg6[%arg0, %mul3A_2, %dma_start3A] : memref<2x10240x8xf32, #tpu.memory_space<hbm>> -> memref<1x640x8xf32, #tpu.memory_space<hbm>>
      %dma_start3A_10 = tpu.memref_squeeze %dma_start3A_9 : memref<1x640x8xf32, #tpu.memory_space<hbm>> -> memref<640x8xf32, #tpu.memory_space<hbm>>
      %dma_start3A_11 = arith.constant 0 : i32
      %dma_start3A_12 = tpu.memref_slice %arg11[%mul3A_2, %dma_start3A_11] : memref<10240x8xf32, #tpu.memory_space<vmem_shared>> -> memref<640x8xf32, #tpu.memory_space<vmem_shared>>
      tpu.enqueue_dma source(%dma_start3A_12 : memref<640x8xf32, #tpu.memory_space<vmem_shared>>) target(%dma_start3A_10 : memref<640x8xf32, #tpu.memory_space<hbm>>) target_semaphore(%run_scoped3A : memref<!tpu.dma_semaphore, #tpu.memory_space<semaphore_mem>>)
      %dma_wait3A = arith.constant 0 : i32
      %dma_wait3A_13 = tpu.memref_slice %arg6[%arg0, %mul3A_2, %dma_wait3A] : memref<2x10240x8xf32, #tpu.memory_space<hbm>> -> memref<1x640x8xf32, #tpu.memory_space<hbm>>
      %dma_wait3A_14 = tpu.memref_squeeze %dma_wait3A_13 : memref<1x640x8xf32, #tpu.memory_space<hbm>> -> memref<640x8xf32, #tpu.memory_space<hbm>>
      %dma_wait3A_15 = arith.constant 0 : i32
      %dma_wait3A_16 = tpu.memref_slice %arg11[%mul3A_2, %dma_wait3A_15] : memref<10240x8xf32, #tpu.memory_space<vmem_shared>> -> memref<640x8xf32, #tpu.memory_space<vmem_shared>>
      tpu.wait_dma2 semaphore(%run_scoped3A : memref<!tpu.dma_semaphore, #tpu.memory_space<semaphore_mem>>) src(%dma_wait3A_16 : memref<640x8xf32, #tpu.memory_space<vmem_shared>>) dst(%dma_wait3A_14 : memref<640x8xf32, #tpu.memory_space<hbm>>)
      tpu.yield
    }) : () -> ()
    "tpu.region"() ({
      %run_scoped3A = tpu.sem_alloc : memref<!tpu.dma_semaphore, #tpu.memory_space<semaphore_mem>>
      %dma_start3A = arith.constant 0 : i32
      %dma_start3A_9 = tpu.memref_slice %arg7[%arg0, %mul3A_2, %dma_start3A] : memref<2x10240x8xf32, #tpu.memory_space<hbm>> -> memref<1x640x8xf32, #tpu.memory_space<hbm>>
      %dma_start3A_10 = tpu.memref_squeeze %dma_start3A_9 : memref<1x640x8xf32, #tpu.memory_space<hbm>> -> memref<640x8xf32, #tpu.memory_space<hbm>>
      %dma_start3A_11 = arith.constant 0 : i32
      %dma_start3A_12 = tpu.memref_slice %arg12[%mul3A_2, %dma_start3A_11] : memref<10240x8xf32, #tpu.memory_space<vmem_shared>> -> memref<640x8xf32, #tpu.memory_space<vmem_shared>>
      tpu.enqueue_dma source(%dma_start3A_12 : memref<640x8xf32, #tpu.memory_space<vmem_shared>>) target(%dma_start3A_10 : memref<640x8xf32, #tpu.memory_space<hbm>>) target_semaphore(%run_scoped3A : memref<!tpu.dma_semaphore, #tpu.memory_space<semaphore_mem>>)
      %dma_wait3A = arith.constant 0 : i32
      %dma_wait3A_13 = tpu.memref_slice %arg7[%arg0, %mul3A_2, %dma_wait3A] : memref<2x10240x8xf32, #tpu.memory_space<hbm>> -> memref<1x640x8xf32, #tpu.memory_space<hbm>>
      %dma_wait3A_14 = tpu.memref_squeeze %dma_wait3A_13 : memref<1x640x8xf32, #tpu.memory_space<hbm>> -> memref<640x8xf32, #tpu.memory_space<hbm>>
      %dma_wait3A_15 = arith.constant 0 : i32
      %dma_wait3A_16 = tpu.memref_slice %arg12[%mul3A_2, %dma_wait3A_15] : memref<10240x8xf32, #tpu.memory_space<vmem_shared>> -> memref<640x8xf32, #tpu.memory_space<vmem_shared>>
      tpu.wait_dma2 semaphore(%run_scoped3A : memref<!tpu.dma_semaphore, #tpu.memory_space<semaphore_mem>>) src(%dma_wait3A_16 : memref<640x8xf32, #tpu.memory_space<vmem_shared>>) dst(%dma_wait3A_14 : memref<640x8xf32, #tpu.memory_space<hbm>>)
      tpu.yield
    }) : () -> ()
    return
  }
}

#map = affine_map<(d0, d1) -> (0, 0)>
#map1 = affine_map<(d0, d1) -> (0, 0, 0)>
module attributes {stable_mosaic.version = 14 : i64} {
  func.func @body(%arg0: i32, %arg1: i32, %arg2: memref<10240x128xf32, #tpu.memory_space<hbm>>, %arg3: memref<32x125x80xi32, #tpu.memory_space<hbm>>, %arg4: memref<32x125x80xi32, #tpu.memory_space<hbm>>, %arg5: memref<10240x128xf32, #tpu.memory_space<hbm>>, %arg6: memref<2x10240x128xf32, #tpu.memory_space<hbm>>, %arg7: memref<125x80xi32, #tpu.memory_space<vmem>>, %arg8: memref<125x80xi32, #tpu.memory_space<vmem>>, %arg9: memref<80x128xf32, #tpu.memory_space<vmem>>, %arg10: memref<10240x128xf32, #tpu.memory_space<vmem_shared>>, %arg11: memref<!tpu.dma_semaphore, #tpu.memory_space<semaphore_mem>>) attributes {dimension_semantics = [#tpu.dimension_semantics<core_parallel>, #tpu.dimension_semantics<subcore_parallel>], iteration_bounds = array<i64: 2, 16>, scalar_prefetch = 0 : i64, scratch_operands = 5 : i64, tpu.core_type = #tpu.core_type<sc_vector_subcore>, window_params = [{transform_indices = #map}, {transform_indices = #map1}, {transform_indices = #map1}, {transform_indices = #map}, {transform_indices = #map1}]} {
    %mul3A = arith.constant 16 : i32
    %mul3A_0 = arith.muli %arg0, %mul3A : i32
    %add3A = arith.addi %mul3A_0, %arg1 : i32
    %mul3A_1 = arith.constant 640 : i32
    %mul3A_2 = arith.muli %arg1, %mul3A_1 : i32
    "tpu.region"() ({
      %run_scoped3A = tpu.sem_alloc : memref<!tpu.dma_semaphore, #tpu.memory_space<semaphore_mem>>
      %dma_start3A = arith.constant 0 : i32
      %dma_start3A_9 = tpu.memref_slice %arg10[%mul3A_2, %dma_start3A] : memref<10240x128xf32, #tpu.memory_space<vmem_shared>> -> memref<640x128xf32, #tpu.memory_space<vmem_shared>>
      %dma_start3A_10 = arith.constant 0 : i32
      %dma_start3A_11 = tpu.memref_slice %arg5[%mul3A_2, %dma_start3A_10] : memref<10240x128xf32, #tpu.memory_space<hbm>> -> memref<640x128xf32, #tpu.memory_space<hbm>>
      tpu.enqueue_dma source(%dma_start3A_11 : memref<640x128xf32, #tpu.memory_space<hbm>>) target(%dma_start3A_9 : memref<640x128xf32, #tpu.memory_space<vmem_shared>>) target_semaphore(%run_scoped3A : memref<!tpu.dma_semaphore, #tpu.memory_space<semaphore_mem>>)
      %dma_wait3A = arith.constant 0 : i32
      %dma_wait3A_12 = tpu.memref_slice %arg10[%mul3A_2, %dma_wait3A] : memref<10240x128xf32, #tpu.memory_space<vmem_shared>> -> memref<640x128xf32, #tpu.memory_space<vmem_shared>>
      %dma_wait3A_13 = arith.constant 0 : i32
      %dma_wait3A_14 = tpu.memref_slice %arg5[%mul3A_2, %dma_wait3A_13] : memref<10240x128xf32, #tpu.memory_space<hbm>> -> memref<640x128xf32, #tpu.memory_space<hbm>>
      tpu.wait_dma2 semaphore(%run_scoped3A : memref<!tpu.dma_semaphore, #tpu.memory_space<semaphore_mem>>) src(%dma_wait3A_14 : memref<640x128xf32, #tpu.memory_space<hbm>>) dst(%dma_wait3A_12 : memref<640x128xf32, #tpu.memory_space<vmem_shared>>)
      tpu.yield
    }) : () -> ()
    "tpu.region"() ({
      %run_scoped3A = tpu.sem_alloc : memref<!tpu.dma_semaphore, #tpu.memory_space<semaphore_mem>>
      %dma_start3A = arith.constant 0 : i32
      %dma_start3A_9 = arith.constant 0 : i32
      %dma_start3A_10 = tpu.memref_slice %arg3[%add3A, %dma_start3A, %dma_start3A_9] : memref<32x125x80xi32, #tpu.memory_space<hbm>> -> memref<1x125x80xi32, #tpu.memory_space<hbm>>
      %dma_start3A_11 = tpu.memref_squeeze %dma_start3A_10 : memref<1x125x80xi32, #tpu.memory_space<hbm>> -> memref<125x80xi32, #tpu.memory_space<hbm>>
      %dma_start3A_12 = arith.constant 0 : i32
      %dma_start3A_13 = arith.constant 0 : i32
      %dma_start3A_14 = tpu.memref_slice %arg3[%add3A, %dma_start3A_12, %dma_start3A_13] : memref<32x125x80xi32, #tpu.memory_space<hbm>> -> memref<1x125x80xi32, #tpu.memory_space<hbm>>
      %dma_start3A_15 = tpu.memref_squeeze %dma_start3A_14 : memref<1x125x80xi32, #tpu.memory_space<hbm>> -> memref<125x80xi32, #tpu.memory_space<hbm>>
      tpu.enqueue_dma source(%dma_start3A_15 : memref<125x80xi32, #tpu.memory_space<hbm>>) target(%arg7 : memref<125x80xi32, #tpu.memory_space<vmem>>) target_semaphore(%run_scoped3A : memref<!tpu.dma_semaphore, #tpu.memory_space<semaphore_mem>>)
      %dma_wait3A = arith.constant 0 : i32
      %dma_wait3A_16 = arith.constant 0 : i32
      %dma_wait3A_17 = tpu.memref_slice %arg3[%add3A, %dma_wait3A, %dma_wait3A_16] : memref<32x125x80xi32, #tpu.memory_space<hbm>> -> memref<1x125x80xi32, #tpu.memory_space<hbm>>
      %dma_wait3A_18 = tpu.memref_squeeze %dma_wait3A_17 : memref<1x125x80xi32, #tpu.memory_space<hbm>> -> memref<125x80xi32, #tpu.memory_space<hbm>>
      %dma_wait3A_19 = arith.constant 0 : i32
      %dma_wait3A_20 = arith.constant 0 : i32
      %dma_wait3A_21 = tpu.memref_slice %arg3[%add3A, %dma_wait3A_19, %dma_wait3A_20] : memref<32x125x80xi32, #tpu.memory_space<hbm>> -> memref<1x125x80xi32, #tpu.memory_space<hbm>>
      %dma_wait3A_22 = tpu.memref_squeeze %dma_wait3A_21 : memref<1x125x80xi32, #tpu.memory_space<hbm>> -> memref<125x80xi32, #tpu.memory_space<hbm>>
      tpu.wait_dma2 semaphore(%run_scoped3A : memref<!tpu.dma_semaphore, #tpu.memory_space<semaphore_mem>>) src(%dma_wait3A_22 : memref<125x80xi32, #tpu.memory_space<hbm>>) dst(%arg7 : memref<125x80xi32, #tpu.memory_space<vmem>>)
      tpu.yield
    }) : () -> ()
    "tpu.region"() ({
      %run_scoped3A = tpu.sem_alloc : memref<!tpu.dma_semaphore, #tpu.memory_space<semaphore_mem>>
      %dma_start3A = arith.constant 0 : i32
      %dma_start3A_9 = arith.constant 0 : i32
      %dma_start3A_10 = tpu.memref_slice %arg4[%add3A, %dma_start3A, %dma_start3A_9] : memref<32x125x80xi32, #tpu.memory_space<hbm>> -> memref<1x125x80xi32, #tpu.memory_space<hbm>>
      %dma_start3A_11 = tpu.memref_squeeze %dma_start3A_10 : memref<1x125x80xi32, #tpu.memory_space<hbm>> -> memref<125x80xi32, #tpu.memory_space<hbm>>
      %dma_start3A_12 = arith.constant 0 : i32
      %dma_start3A_13 = arith.constant 0 : i32
      %dma_start3A_14 = tpu.memref_slice %arg4[%add3A, %dma_start3A_12, %dma_start3A_13] : memref<32x125x80xi32, #tpu.memory_space<hbm>> -> memref<1x125x80xi32, #tpu.memory_space<hbm>>
      %dma_start3A_15 = tpu.memref_squeeze %dma_start3A_14 : memref<1x125x80xi32, #tpu.memory_space<hbm>> -> memref<125x80xi32, #tpu.memory_space<hbm>>
      tpu.enqueue_dma source(%dma_start3A_15 : memref<125x80xi32, #tpu.memory_space<hbm>>) target(%arg8 : memref<125x80xi32, #tpu.memory_space<vmem>>) target_semaphore(%run_scoped3A : memref<!tpu.dma_semaphore, #tpu.memory_space<semaphore_mem>>)
      %dma_wait3A = arith.constant 0 : i32
      %dma_wait3A_16 = arith.constant 0 : i32
      %dma_wait3A_17 = tpu.memref_slice %arg4[%add3A, %dma_wait3A, %dma_wait3A_16] : memref<32x125x80xi32, #tpu.memory_space<hbm>> -> memref<1x125x80xi32, #tpu.memory_space<hbm>>
      %dma_wait3A_18 = tpu.memref_squeeze %dma_wait3A_17 : memref<1x125x80xi32, #tpu.memory_space<hbm>> -> memref<125x80xi32, #tpu.memory_space<hbm>>
      %dma_wait3A_19 = arith.constant 0 : i32
      %dma_wait3A_20 = arith.constant 0 : i32
      %dma_wait3A_21 = tpu.memref_slice %arg4[%add3A, %dma_wait3A_19, %dma_wait3A_20] : memref<32x125x80xi32, #tpu.memory_space<hbm>> -> memref<1x125x80xi32, #tpu.memory_space<hbm>>
      %dma_wait3A_22 = tpu.memref_squeeze %dma_wait3A_21 : memref<1x125x80xi32, #tpu.memory_space<hbm>> -> memref<125x80xi32, #tpu.memory_space<hbm>>
      tpu.wait_dma2 semaphore(%run_scoped3A : memref<!tpu.dma_semaphore, #tpu.memory_space<semaphore_mem>>) src(%dma_wait3A_22 : memref<125x80xi32, #tpu.memory_space<hbm>>) dst(%arg8 : memref<125x80xi32, #tpu.memory_space<vmem>>)
      tpu.yield
    }) : () -> ()
    %barrier3A = arith.constant 0 : index
    tpu.barrier barrier_id(%barrier3A)
    %scan3A = arith.constant 0 : i32
    %scan3A_3 = arith.constant 0 : i32
    %scan3A_4 = arith.constant 125 : i32
    %scan3A_5 = arith.addi %scan3A_3, %scan3A_4 : i32
    %scan3A_6 = arith.constant 1 : i32
    scf.for %scan3A_9 = %scan3A_3 to %scan3A_5 step %scan3A_6  : i32 {
      %dma_start3A = arith.constant 0 : i32
      %dma_start3A_10 = tpu.memref_slice %arg7[%scan3A_9, %dma_start3A] : memref<125x80xi32, #tpu.memory_space<vmem>> -> memref<1x80xi32, #tpu.memory_space<vmem>>
      %dma_start3A_11 = tpu.memref_squeeze %dma_start3A_10 : memref<1x80xi32, #tpu.memory_space<vmem>> -> memref<80xi32, #tpu.memory_space<vmem>>
      %dma_start3A_12 = arith.constant 0 : i32
      %dma_start3A_13 = arith.constant 0 : i32
      %dma_start3A_14 = tpu.memref_slice %arg2[%dma_start3A_12, %dma_start3A_13] : memref<10240x128xf32, #tpu.memory_space<hbm>> -> memref<10240x128xf32, #tpu.memory_space<hbm>>
      tpu.enqueue_indirect_dma source(%dma_start3A_14 : memref<10240x128xf32, #tpu.memory_space<hbm>>) target(%arg9 : memref<80x128xf32, #tpu.memory_space<vmem>>) offsets(%dma_start3A_11 : memref<80xi32, #tpu.memory_space<vmem>>) semaphore(%arg11 : memref<!tpu.dma_semaphore, #tpu.memory_space<semaphore_mem>>)
      %dma_wait3A = arith.constant 0 : i32
      %dma_wait3A_15 = tpu.memref_slice %arg7[%scan3A_9, %dma_wait3A] : memref<125x80xi32, #tpu.memory_space<vmem>> -> memref<1x80xi32, #tpu.memory_space<vmem>>
      %dma_wait3A_16 = tpu.memref_squeeze %dma_wait3A_15 : memref<1x80xi32, #tpu.memory_space<vmem>> -> memref<80xi32, #tpu.memory_space<vmem>>
      %dma_wait3A_17 = arith.constant 0 : i32
      %dma_wait3A_18 = arith.constant 0 : i32
      %dma_wait3A_19 = tpu.memref_slice %arg2[%dma_wait3A_17, %dma_wait3A_18] : memref<10240x128xf32, #tpu.memory_space<hbm>> -> memref<10240x128xf32, #tpu.memory_space<hbm>>
      tpu.wait_indirect_dma semaphore(%arg11 : memref<!tpu.dma_semaphore, #tpu.memory_space<semaphore_mem>>) src(%dma_wait3A_19 : memref<10240x128xf32, #tpu.memory_space<hbm>>) dst(%arg9 : memref<80x128xf32, #tpu.memory_space<vmem>>)
      "tpu.region"() ({
        %run_scoped3A = tpu.sem_alloc : memref<!tpu.dma_semaphore, #tpu.memory_space<semaphore_mem>>
        %dma_start3A_20 = arith.constant 0 : i32
        %dma_start3A_21 = tpu.memref_slice %arg8[%scan3A_9, %dma_start3A_20] : memref<125x80xi32, #tpu.memory_space<vmem>> -> memref<1x80xi32, #tpu.memory_space<vmem>>
        %dma_start3A_22 = tpu.memref_squeeze %dma_start3A_21 : memref<1x80xi32, #tpu.memory_space<vmem>> -> memref<80xi32, #tpu.memory_space<vmem>>
        %dma_start3A_23 = arith.constant 0 : i32
        %dma_start3A_24 = arith.constant 0 : i32
        %dma_start3A_25 = tpu.memref_slice %arg10[%dma_start3A_23, %dma_start3A_24] : memref<10240x128xf32, #tpu.memory_space<vmem_shared>> -> memref<10240x128xf32, #tpu.memory_space<vmem_shared>>
        tpu.enqueue_indirect_dma source(%arg9 : memref<80x128xf32, #tpu.memory_space<vmem>>) target(%dma_start3A_25 : memref<10240x128xf32, #tpu.memory_space<vmem_shared>>) offsets(%dma_start3A_22 : memref<80xi32, #tpu.memory_space<vmem>>) semaphore(%run_scoped3A : memref<!tpu.dma_semaphore, #tpu.memory_space<semaphore_mem>>) {add = true}
        %dma_wait3A_26 = arith.constant 0 : i32
        %dma_wait3A_27 = tpu.memref_slice %arg8[%scan3A_9, %dma_wait3A_26] : memref<125x80xi32, #tpu.memory_space<vmem>> -> memref<1x80xi32, #tpu.memory_space<vmem>>
        %dma_wait3A_28 = tpu.memref_squeeze %dma_wait3A_27 : memref<1x80xi32, #tpu.memory_space<vmem>> -> memref<80xi32, #tpu.memory_space<vmem>>
        %dma_wait3A_29 = arith.constant 0 : i32
        %dma_wait3A_30 = arith.constant 0 : i32
        %dma_wait3A_31 = tpu.memref_slice %arg10[%dma_wait3A_29, %dma_wait3A_30] : memref<10240x128xf32, #tpu.memory_space<vmem_shared>> -> memref<10240x128xf32, #tpu.memory_space<vmem_shared>>
        tpu.wait_indirect_dma semaphore(%run_scoped3A : memref<!tpu.dma_semaphore, #tpu.memory_space<semaphore_mem>>) src(%arg9 : memref<80x128xf32, #tpu.memory_space<vmem>>) dst(%dma_wait3A_31 : memref<10240x128xf32, #tpu.memory_space<vmem_shared>>)
        tpu.yield
      }) : () -> ()
    }
    %scan3A_7 = arith.constant 125 : i32
    %barrier3A_8 = arith.constant 0 : index
    tpu.barrier barrier_id(%barrier3A_8)
    "tpu.region"() ({
      %run_scoped3A = tpu.sem_alloc : memref<!tpu.dma_semaphore, #tpu.memory_space<semaphore_mem>>
      %dma_start3A = arith.constant 0 : i32
      %dma_start3A_9 = tpu.memref_slice %arg6[%arg0, %mul3A_2, %dma_start3A] : memref<2x10240x128xf32, #tpu.memory_space<hbm>> -> memref<1x640x128xf32, #tpu.memory_space<hbm>>
      %dma_start3A_10 = tpu.memref_squeeze %dma_start3A_9 : memref<1x640x128xf32, #tpu.memory_space<hbm>> -> memref<640x128xf32, #tpu.memory_space<hbm>>
      %dma_start3A_11 = arith.constant 0 : i32
      %dma_start3A_12 = tpu.memref_slice %arg10[%mul3A_2, %dma_start3A_11] : memref<10240x128xf32, #tpu.memory_space<vmem_shared>> -> memref<640x128xf32, #tpu.memory_space<vmem_shared>>
      tpu.enqueue_dma source(%dma_start3A_12 : memref<640x128xf32, #tpu.memory_space<vmem_shared>>) target(%dma_start3A_10 : memref<640x128xf32, #tpu.memory_space<hbm>>) target_semaphore(%run_scoped3A : memref<!tpu.dma_semaphore, #tpu.memory_space<semaphore_mem>>)
      %dma_wait3A = arith.constant 0 : i32
      %dma_wait3A_13 = tpu.memref_slice %arg6[%arg0, %mul3A_2, %dma_wait3A] : memref<2x10240x128xf32, #tpu.memory_space<hbm>> -> memref<1x640x128xf32, #tpu.memory_space<hbm>>
      %dma_wait3A_14 = tpu.memref_squeeze %dma_wait3A_13 : memref<1x640x128xf32, #tpu.memory_space<hbm>> -> memref<640x128xf32, #tpu.memory_space<hbm>>
      %dma_wait3A_15 = arith.constant 0 : i32
      %dma_wait3A_16 = tpu.memref_slice %arg10[%mul3A_2, %dma_wait3A_15] : memref<10240x128xf32, #tpu.memory_space<vmem_shared>> -> memref<640x128xf32, #tpu.memory_space<vmem_shared>>
      tpu.wait_dma2 semaphore(%run_scoped3A : memref<!tpu.dma_semaphore, #tpu.memory_space<semaphore_mem>>) src(%dma_wait3A_16 : memref<640x128xf32, #tpu.memory_space<vmem_shared>>) dst(%dma_wait3A_14 : memref<640x128xf32, #tpu.memory_space<hbm>>)
      tpu.yield
    }) : () -> ()
    return
  }
}

#map = affine_map<(d0, d1) -> (0, 0)>
#map1 = affine_map<(d0, d1) -> (0, 0, 0)>
module attributes {stable_mosaic.version = 14 : i64} {
  func.func @body(%arg0: i32, %arg1: i32, %arg2: memref<10240x128xf32, #tpu.memory_space<hbm>>, %arg3: memref<32x125x80xi32, #tpu.memory_space<hbm>>, %arg4: memref<32x125x80xi32, #tpu.memory_space<hbm>>, %arg5: memref<10240x128xf32, #tpu.memory_space<hbm>>, %arg6: memref<2x10240x128xf32, #tpu.memory_space<hbm>>, %arg7: memref<125x80xi32, #tpu.memory_space<vmem>>, %arg8: memref<125x80xi32, #tpu.memory_space<vmem>>, %arg9: memref<80x128xf32, #tpu.memory_space<vmem>>, %arg10: memref<10240x128xf32, #tpu.memory_space<vmem_shared>>, %arg11: memref<!tpu.dma_semaphore, #tpu.memory_space<semaphore_mem>>) attributes {dimension_semantics = [#tpu.dimension_semantics<core_parallel>, #tpu.dimension_semantics<subcore_parallel>], iteration_bounds = array<i64: 2, 16>, scalar_prefetch = 0 : i64, scratch_operands = 5 : i64, tpu.core_type = #tpu.core_type<sc_vector_subcore>, window_params = [{transform_indices = #map}, {transform_indices = #map1}, {transform_indices = #map1}, {transform_indices = #map}, {transform_indices = #map1}]} {
    %mul3A = arith.constant 16 : i32
    %mul3A_0 = arith.muli %arg0, %mul3A : i32
    %add3A = arith.addi %mul3A_0, %arg1 : i32
    %mul3A_1 = arith.constant 640 : i32
    %mul3A_2 = arith.muli %arg1, %mul3A_1 : i32
    "tpu.region"() ({
      %run_scoped3A = tpu.sem_alloc : memref<!tpu.dma_semaphore, #tpu.memory_space<semaphore_mem>>
      %dma_start3A = arith.constant 0 : i32
      %dma_start3A_9 = tpu.memref_slice %arg10[%mul3A_2, %dma_start3A] : memref<10240x128xf32, #tpu.memory_space<vmem_shared>> -> memref<640x128xf32, #tpu.memory_space<vmem_shared>>
      %dma_start3A_10 = arith.constant 0 : i32
      %dma_start3A_11 = tpu.memref_slice %arg5[%mul3A_2, %dma_start3A_10] : memref<10240x128xf32, #tpu.memory_space<hbm>> -> memref<640x128xf32, #tpu.memory_space<hbm>>
      tpu.enqueue_dma source(%dma_start3A_11 : memref<640x128xf32, #tpu.memory_space<hbm>>) target(%dma_start3A_9 : memref<640x128xf32, #tpu.memory_space<vmem_shared>>) target_semaphore(%run_scoped3A : memref<!tpu.dma_semaphore, #tpu.memory_space<semaphore_mem>>)
      %dma_wait3A = arith.constant 0 : i32
      %dma_wait3A_12 = tpu.memref_slice %arg10[%mul3A_2, %dma_wait3A] : memref<10240x128xf32, #tpu.memory_space<vmem_shared>> -> memref<640x128xf32, #tpu.memory_space<vmem_shared>>
      %dma_wait3A_13 = arith.constant 0 : i32
      %dma_wait3A_14 = tpu.memref_slice %arg5[%mul3A_2, %dma_wait3A_13] : memref<10240x128xf32, #tpu.memory_space<hbm>> -> memref<640x128xf32, #tpu.memory_space<hbm>>
      tpu.wait_dma2 semaphore(%run_scoped3A : memref<!tpu.dma_semaphore, #tpu.memory_space<semaphore_mem>>) src(%dma_wait3A_14 : memref<640x128xf32, #tpu.memory_space<hbm>>) dst(%dma_wait3A_12 : memref<640x128xf32, #tpu.memory_space<vmem_shared>>)
      tpu.yield
    }) : () -> ()
    "tpu.region"() ({
      %run_scoped3A = tpu.sem_alloc : memref<!tpu.dma_semaphore, #tpu.memory_space<semaphore_mem>>
      %dma_start3A = arith.constant 0 : i32
      %dma_start3A_9 = arith.constant 0 : i32
      %dma_start3A_10 = tpu.memref_slice %arg3[%add3A, %dma_start3A, %dma_start3A_9] : memref<32x125x80xi32, #tpu.memory_space<hbm>> -> memref<1x125x80xi32, #tpu.memory_space<hbm>>
      %dma_start3A_11 = tpu.memref_squeeze %dma_start3A_10 : memref<1x125x80xi32, #tpu.memory_space<hbm>> -> memref<125x80xi32, #tpu.memory_space<hbm>>
      %dma_start3A_12 = arith.constant 0 : i32
      %dma_start3A_13 = arith.constant 0 : i32
      %dma_start3A_14 = tpu.memref_slice %arg3[%add3A, %dma_start3A_12, %dma_start3A_13] : memref<32x125x80xi32, #tpu.memory_space<hbm>> -> memref<1x125x80xi32, #tpu.memory_space<hbm>>
      %dma_start3A_15 = tpu.memref_squeeze %dma_start3A_14 : memref<1x125x80xi32, #tpu.memory_space<hbm>> -> memref<125x80xi32, #tpu.memory_space<hbm>>
      tpu.enqueue_dma source(%dma_start3A_15 : memref<125x80xi32, #tpu.memory_space<hbm>>) target(%arg7 : memref<125x80xi32, #tpu.memory_space<vmem>>) target_semaphore(%run_scoped3A : memref<!tpu.dma_semaphore, #tpu.memory_space<semaphore_mem>>)
      %dma_wait3A = arith.constant 0 : i32
      %dma_wait3A_16 = arith.constant 0 : i32
      %dma_wait3A_17 = tpu.memref_slice %arg3[%add3A, %dma_wait3A, %dma_wait3A_16] : memref<32x125x80xi32, #tpu.memory_space<hbm>> -> memref<1x125x80xi32, #tpu.memory_space<hbm>>
      %dma_wait3A_18 = tpu.memref_squeeze %dma_wait3A_17 : memref<1x125x80xi32, #tpu.memory_space<hbm>> -> memref<125x80xi32, #tpu.memory_space<hbm>>
      %dma_wait3A_19 = arith.constant 0 : i32
      %dma_wait3A_20 = arith.constant 0 : i32
      %dma_wait3A_21 = tpu.memref_slice %arg3[%add3A, %dma_wait3A_19, %dma_wait3A_20] : memref<32x125x80xi32, #tpu.memory_space<hbm>> -> memref<1x125x80xi32, #tpu.memory_space<hbm>>
      %dma_wait3A_22 = tpu.memref_squeeze %dma_wait3A_21 : memref<1x125x80xi32, #tpu.memory_space<hbm>> -> memref<125x80xi32, #tpu.memory_space<hbm>>
      tpu.wait_dma2 semaphore(%run_scoped3A : memref<!tpu.dma_semaphore, #tpu.memory_space<semaphore_mem>>) src(%dma_wait3A_22 : memref<125x80xi32, #tpu.memory_space<hbm>>) dst(%arg7 : memref<125x80xi32, #tpu.memory_space<vmem>>)
      tpu.yield
    }) : () -> ()
    "tpu.region"() ({
      %run_scoped3A = tpu.sem_alloc : memref<!tpu.dma_semaphore, #tpu.memory_space<semaphore_mem>>
      %dma_start3A = arith.constant 0 : i32
      %dma_start3A_9 = arith.constant 0 : i32
      %dma_start3A_10 = tpu.memref_slice %arg4[%add3A, %dma_start3A, %dma_start3A_9] : memref<32x125x80xi32, #tpu.memory_space<hbm>> -> memref<1x125x80xi32, #tpu.memory_space<hbm>>
      %dma_start3A_11 = tpu.memref_squeeze %dma_start3A_10 : memref<1x125x80xi32, #tpu.memory_space<hbm>> -> memref<125x80xi32, #tpu.memory_space<hbm>>
      %dma_start3A_12 = arith.constant 0 : i32
      %dma_start3A_13 = arith.constant 0 : i32
      %dma_start3A_14 = tpu.memref_slice %arg4[%add3A, %dma_start3A_12, %dma_start3A_13] : memref<32x125x80xi32, #tpu.memory_space<hbm>> -> memref<1x125x80xi32, #tpu.memory_space<hbm>>
      %dma_start3A_15 = tpu.memref_squeeze %dma_start3A_14 : memref<1x125x80xi32, #tpu.memory_space<hbm>> -> memref<125x80xi32, #tpu.memory_space<hbm>>
      tpu.enqueue_dma source(%dma_start3A_15 : memref<125x80xi32, #tpu.memory_space<hbm>>) target(%arg8 : memref<125x80xi32, #tpu.memory_space<vmem>>) target_semaphore(%run_scoped3A : memref<!tpu.dma_semaphore, #tpu.memory_space<semaphore_mem>>)
      %dma_wait3A = arith.constant 0 : i32
      %dma_wait3A_16 = arith.constant 0 : i32
      %dma_wait3A_17 = tpu.memref_slice %arg4[%add3A, %dma_wait3A, %dma_wait3A_16] : memref<32x125x80xi32, #tpu.memory_space<hbm>> -> memref<1x125x80xi32, #tpu.memory_space<hbm>>
      %dma_wait3A_18 = tpu.memref_squeeze %dma_wait3A_17 : memref<1x125x80xi32, #tpu.memory_space<hbm>> -> memref<125x80xi32, #tpu.memory_space<hbm>>
      %dma_wait3A_19 = arith.constant 0 : i32
      %dma_wait3A_20 = arith.constant 0 : i32
      %dma_wait3A_21 = tpu.memref_slice %arg4[%add3A, %dma_wait3A_19, %dma_wait3A_20] : memref<32x125x80xi32, #tpu.memory_space<hbm>> -> memref<1x125x80xi32, #tpu.memory_space<hbm>>
      %dma_wait3A_22 = tpu.memref_squeeze %dma_wait3A_21 : memref<1x125x80xi32, #tpu.memory_space<hbm>> -> memref<125x80xi32, #tpu.memory_space<hbm>>
      tpu.wait_dma2 semaphore(%run_scoped3A : memref<!tpu.dma_semaphore, #tpu.memory_space<semaphore_mem>>) src(%dma_wait3A_22 : memref<125x80xi32, #tpu.memory_space<hbm>>) dst(%arg8 : memref<125x80xi32, #tpu.memory_space<vmem>>)
      tpu.yield
    }) : () -> ()
    %barrier3A = arith.constant 0 : index
    tpu.barrier barrier_id(%barrier3A)
    %scan3A = arith.constant 0 : i32
    %scan3A_3 = arith.constant 0 : i32
    %scan3A_4 = arith.constant 125 : i32
    %scan3A_5 = arith.addi %scan3A_3, %scan3A_4 : i32
    %scan3A_6 = arith.constant 1 : i32
    scf.for %scan3A_9 = %scan3A_3 to %scan3A_5 step %scan3A_6  : i32 {
      %dma_start3A = arith.constant 0 : i32
      %dma_start3A_10 = tpu.memref_slice %arg7[%scan3A_9, %dma_start3A] : memref<125x80xi32, #tpu.memory_space<vmem>> -> memref<1x80xi32, #tpu.memory_space<vmem>>
      %dma_start3A_11 = tpu.memref_squeeze %dma_start3A_10 : memref<1x80xi32, #tpu.memory_space<vmem>> -> memref<80xi32, #tpu.memory_space<vmem>>
      %dma_start3A_12 = arith.constant 0 : i32
      %dma_start3A_13 = arith.constant 0 : i32
      %dma_start3A_14 = tpu.memref_slice %arg2[%dma_start3A_12, %dma_start3A_13] : memref<10240x128xf32, #tpu.memory_space<hbm>> -> memref<10240x128xf32, #tpu.memory_space<hbm>>
      tpu.enqueue_indirect_dma source(%dma_start3A_14 : memref<10240x128xf32, #tpu.memory_space<hbm>>) target(%arg9 : memref<80x128xf32, #tpu.memory_space<vmem>>) offsets(%dma_start3A_11 : memref<80xi32, #tpu.memory_space<vmem>>) semaphore(%arg11 : memref<!tpu.dma_semaphore, #tpu.memory_space<semaphore_mem>>)
      %dma_wait3A = arith.constant 0 : i32
      %dma_wait3A_15 = tpu.memref_slice %arg7[%scan3A_9, %dma_wait3A] : memref<125x80xi32, #tpu.memory_space<vmem>> -> memref<1x80xi32, #tpu.memory_space<vmem>>
      %dma_wait3A_16 = tpu.memref_squeeze %dma_wait3A_15 : memref<1x80xi32, #tpu.memory_space<vmem>> -> memref<80xi32, #tpu.memory_space<vmem>>
      %dma_wait3A_17 = arith.constant 0 : i32
      %dma_wait3A_18 = arith.constant 0 : i32
      %dma_wait3A_19 = tpu.memref_slice %arg2[%dma_wait3A_17, %dma_wait3A_18] : memref<10240x128xf32, #tpu.memory_space<hbm>> -> memref<10240x128xf32, #tpu.memory_space<hbm>>
      tpu.wait_indirect_dma semaphore(%arg11 : memref<!tpu.dma_semaphore, #tpu.memory_space<semaphore_mem>>) src(%dma_wait3A_19 : memref<10240x128xf32, #tpu.memory_space<hbm>>) dst(%arg9 : memref<80x128xf32, #tpu.memory_space<vmem>>)
      "tpu.region"() ({
        %run_scoped3A = tpu.sem_alloc : memref<!tpu.dma_semaphore, #tpu.memory_space<semaphore_mem>>
        %dma_start3A_20 = arith.constant 0 : i32
        %dma_start3A_21 = tpu.memref_slice %arg8[%scan3A_9, %dma_start3A_20] : memref<125x80xi32, #tpu.memory_space<vmem>> -> memref<1x80xi32, #tpu.memory_space<vmem>>
        %dma_start3A_22 = tpu.memref_squeeze %dma_start3A_21 : memref<1x80xi32, #tpu.memory_space<vmem>> -> memref<80xi32, #tpu.memory_space<vmem>>
        %dma_start3A_23 = arith.constant 0 : i32
        %dma_start3A_24 = arith.constant 0 : i32
        %dma_start3A_25 = tpu.memref_slice %arg10[%dma_start3A_23, %dma_start3A_24] : memref<10240x128xf32, #tpu.memory_space<vmem_shared>> -> memref<10240x128xf32, #tpu.memory_space<vmem_shared>>
        tpu.enqueue_indirect_dma source(%arg9 : memref<80x128xf32, #tpu.memory_space<vmem>>) target(%dma_start3A_25 : memref<10240x128xf32, #tpu.memory_space<vmem_shared>>) offsets(%dma_start3A_22 : memref<80xi32, #tpu.memory_space<vmem>>) semaphore(%run_scoped3A : memref<!tpu.dma_semaphore, #tpu.memory_space<semaphore_mem>>) {add = true}
        %dma_wait3A_26 = arith.constant 0 : i32
        %dma_wait3A_27 = tpu.memref_slice %arg8[%scan3A_9, %dma_wait3A_26] : memref<125x80xi32, #tpu.memory_space<vmem>> -> memref<1x80xi32, #tpu.memory_space<vmem>>
        %dma_wait3A_28 = tpu.memref_squeeze %dma_wait3A_27 : memref<1x80xi32, #tpu.memory_space<vmem>> -> memref<80xi32, #tpu.memory_space<vmem>>
        %dma_wait3A_29 = arith.constant 0 : i32
        %dma_wait3A_30 = arith.constant 0 : i32
        %dma_wait3A_31 = tpu.memref_slice %arg10[%dma_wait3A_29, %dma_wait3A_30] : memref<10240x128xf32, #tpu.memory_space<vmem_shared>> -> memref<10240x128xf32, #tpu.memory_space<vmem_shared>>
        tpu.wait_indirect_dma semaphore(%run_scoped3A : memref<!tpu.dma_semaphore, #tpu.memory_space<semaphore_mem>>) src(%arg9 : memref<80x128xf32, #tpu.memory_space<vmem>>) dst(%dma_wait3A_31 : memref<10240x128xf32, #tpu.memory_space<vmem_shared>>)
        tpu.yield
      }) : () -> ()
    }
    %scan3A_7 = arith.constant 125 : i32
    %barrier3A_8 = arith.constant 0 : index
    tpu.barrier barrier_id(%barrier3A_8)
    "tpu.region"() ({
      %run_scoped3A = tpu.sem_alloc : memref<!tpu.dma_semaphore, #tpu.memory_space<semaphore_mem>>
      %dma_start3A = arith.constant 0 : i32
      %dma_start3A_9 = tpu.memref_slice %arg6[%arg0, %mul3A_2, %dma_start3A] : memref<2x10240x128xf32, #tpu.memory_space<hbm>> -> memref<1x640x128xf32, #tpu.memory_space<hbm>>
      %dma_start3A_10 = tpu.memref_squeeze %dma_start3A_9 : memref<1x640x128xf32, #tpu.memory_space<hbm>> -> memref<640x128xf32, #tpu.memory_space<hbm>>
      %dma_start3A_11 = arith.constant 0 : i32
      %dma_start3A_12 = tpu.memref_slice %arg10[%mul3A_2, %dma_start3A_11] : memref<10240x128xf32, #tpu.memory_space<vmem_shared>> -> memref<640x128xf32, #tpu.memory_space<vmem_shared>>
      tpu.enqueue_dma source(%dma_start3A_12 : memref<640x128xf32, #tpu.memory_space<vmem_shared>>) target(%dma_start3A_10 : memref<640x128xf32, #tpu.memory_space<hbm>>) target_semaphore(%run_scoped3A : memref<!tpu.dma_semaphore, #tpu.memory_space<semaphore_mem>>)
      %dma_wait3A = arith.constant 0 : i32
      %dma_wait3A_13 = tpu.memref_slice %arg6[%arg0, %mul3A_2, %dma_wait3A] : memref<2x10240x128xf32, #tpu.memory_space<hbm>> -> memref<1x640x128xf32, #tpu.memory_space<hbm>>
      %dma_wait3A_14 = tpu.memref_squeeze %dma_wait3A_13 : memref<1x640x128xf32, #tpu.memory_space<hbm>> -> memref<640x128xf32, #tpu.memory_space<hbm>>
      %dma_wait3A_15 = arith.constant 0 : i32
      %dma_wait3A_16 = tpu.memref_slice %arg10[%mul3A_2, %dma_wait3A_15] : memref<10240x128xf32, #tpu.memory_space<vmem_shared>> -> memref<640x128xf32, #tpu.memory_space<vmem_shared>>
      tpu.wait_dma2 semaphore(%run_scoped3A : memref<!tpu.dma_semaphore, #tpu.memory_space<semaphore_mem>>) src(%dma_wait3A_16 : memref<640x128xf32, #tpu.memory_space<vmem_shared>>) dst(%dma_wait3A_14 : memref<640x128xf32, #tpu.memory_space<hbm>>)
      tpu.yield
    }) : () -> ()
    return
  }
}

#map = affine_map<(d0, d1) -> (0, 0)>
#map1 = affine_map<(d0, d1) -> (0, 0, 0)>
module attributes {stable_mosaic.version = 14 : i64} {
  func.func @body(%arg0: i32, %arg1: i32, %arg2: memref<10240x128xf32, #tpu.memory_space<hbm>>, %arg3: memref<32x125x80xi32, #tpu.memory_space<hbm>>, %arg4: memref<32x125x80xi32, #tpu.memory_space<hbm>>, %arg5: memref<10240x128xf32, #tpu.memory_space<hbm>>, %arg6: memref<2x10240x128xf32, #tpu.memory_space<hbm>>, %arg7: memref<125x80xi32, #tpu.memory_space<vmem>>, %arg8: memref<125x80xi32, #tpu.memory_space<vmem>>, %arg9: memref<80x128xf32, #tpu.memory_space<vmem>>, %arg10: memref<10240x128xf32, #tpu.memory_space<vmem_shared>>, %arg11: memref<!tpu.dma_semaphore, #tpu.memory_space<semaphore_mem>>) attributes {dimension_semantics = [#tpu.dimension_semantics<core_parallel>, #tpu.dimension_semantics<subcore_parallel>], iteration_bounds = array<i64: 2, 16>, scalar_prefetch = 0 : i64, scratch_operands = 5 : i64, tpu.core_type = #tpu.core_type<sc_vector_subcore>, window_params = [{transform_indices = #map}, {transform_indices = #map1}, {transform_indices = #map1}, {transform_indices = #map}, {transform_indices = #map1}]} {
    %mul3A = arith.constant 16 : i32
    %mul3A_0 = arith.muli %arg0, %mul3A : i32
    %add3A = arith.addi %mul3A_0, %arg1 : i32
    %mul3A_1 = arith.constant 640 : i32
    %mul3A_2 = arith.muli %arg1, %mul3A_1 : i32
    "tpu.region"() ({
      %run_scoped3A = tpu.sem_alloc : memref<!tpu.dma_semaphore, #tpu.memory_space<semaphore_mem>>
      %dma_start3A = arith.constant 0 : i32
      %dma_start3A_9 = tpu.memref_slice %arg10[%mul3A_2, %dma_start3A] : memref<10240x128xf32, #tpu.memory_space<vmem_shared>> -> memref<640x128xf32, #tpu.memory_space<vmem_shared>>
      %dma_start3A_10 = arith.constant 0 : i32
      %dma_start3A_11 = tpu.memref_slice %arg5[%mul3A_2, %dma_start3A_10] : memref<10240x128xf32, #tpu.memory_space<hbm>> -> memref<640x128xf32, #tpu.memory_space<hbm>>
      tpu.enqueue_dma source(%dma_start3A_11 : memref<640x128xf32, #tpu.memory_space<hbm>>) target(%dma_start3A_9 : memref<640x128xf32, #tpu.memory_space<vmem_shared>>) target_semaphore(%run_scoped3A : memref<!tpu.dma_semaphore, #tpu.memory_space<semaphore_mem>>)
      %dma_wait3A = arith.constant 0 : i32
      %dma_wait3A_12 = tpu.memref_slice %arg10[%mul3A_2, %dma_wait3A] : memref<10240x128xf32, #tpu.memory_space<vmem_shared>> -> memref<640x128xf32, #tpu.memory_space<vmem_shared>>
      %dma_wait3A_13 = arith.constant 0 : i32
      %dma_wait3A_14 = tpu.memref_slice %arg5[%mul3A_2, %dma_wait3A_13] : memref<10240x128xf32, #tpu.memory_space<hbm>> -> memref<640x128xf32, #tpu.memory_space<hbm>>
      tpu.wait_dma2 semaphore(%run_scoped3A : memref<!tpu.dma_semaphore, #tpu.memory_space<semaphore_mem>>) src(%dma_wait3A_14 : memref<640x128xf32, #tpu.memory_space<hbm>>) dst(%dma_wait3A_12 : memref<640x128xf32, #tpu.memory_space<vmem_shared>>)
      tpu.yield
    }) : () -> ()
    "tpu.region"() ({
      %run_scoped3A = tpu.sem_alloc : memref<!tpu.dma_semaphore, #tpu.memory_space<semaphore_mem>>
      %dma_start3A = arith.constant 0 : i32
      %dma_start3A_9 = arith.constant 0 : i32
      %dma_start3A_10 = tpu.memref_slice %arg3[%add3A, %dma_start3A, %dma_start3A_9] : memref<32x125x80xi32, #tpu.memory_space<hbm>> -> memref<1x125x80xi32, #tpu.memory_space<hbm>>
      %dma_start3A_11 = tpu.memref_squeeze %dma_start3A_10 : memref<1x125x80xi32, #tpu.memory_space<hbm>> -> memref<125x80xi32, #tpu.memory_space<hbm>>
      %dma_start3A_12 = arith.constant 0 : i32
      %dma_start3A_13 = arith.constant 0 : i32
      %dma_start3A_14 = tpu.memref_slice %arg3[%add3A, %dma_start3A_12, %dma_start3A_13] : memref<32x125x80xi32, #tpu.memory_space<hbm>> -> memref<1x125x80xi32, #tpu.memory_space<hbm>>
      %dma_start3A_15 = tpu.memref_squeeze %dma_start3A_14 : memref<1x125x80xi32, #tpu.memory_space<hbm>> -> memref<125x80xi32, #tpu.memory_space<hbm>>
      tpu.enqueue_dma source(%dma_start3A_15 : memref<125x80xi32, #tpu.memory_space<hbm>>) target(%arg7 : memref<125x80xi32, #tpu.memory_space<vmem>>) target_semaphore(%run_scoped3A : memref<!tpu.dma_semaphore, #tpu.memory_space<semaphore_mem>>)
      %dma_wait3A = arith.constant 0 : i32
      %dma_wait3A_16 = arith.constant 0 : i32
      %dma_wait3A_17 = tpu.memref_slice %arg3[%add3A, %dma_wait3A, %dma_wait3A_16] : memref<32x125x80xi32, #tpu.memory_space<hbm>> -> memref<1x125x80xi32, #tpu.memory_space<hbm>>
      %dma_wait3A_18 = tpu.memref_squeeze %dma_wait3A_17 : memref<1x125x80xi32, #tpu.memory_space<hbm>> -> memref<125x80xi32, #tpu.memory_space<hbm>>
      %dma_wait3A_19 = arith.constant 0 : i32
      %dma_wait3A_20 = arith.constant 0 : i32
      %dma_wait3A_21 = tpu.memref_slice %arg3[%add3A, %dma_wait3A_19, %dma_wait3A_20] : memref<32x125x80xi32, #tpu.memory_space<hbm>> -> memref<1x125x80xi32, #tpu.memory_space<hbm>>
      %dma_wait3A_22 = tpu.memref_squeeze %dma_wait3A_21 : memref<1x125x80xi32, #tpu.memory_space<hbm>> -> memref<125x80xi32, #tpu.memory_space<hbm>>
      tpu.wait_dma2 semaphore(%run_scoped3A : memref<!tpu.dma_semaphore, #tpu.memory_space<semaphore_mem>>) src(%dma_wait3A_22 : memref<125x80xi32, #tpu.memory_space<hbm>>) dst(%arg7 : memref<125x80xi32, #tpu.memory_space<vmem>>)
      tpu.yield
    }) : () -> ()
    "tpu.region"() ({
      %run_scoped3A = tpu.sem_alloc : memref<!tpu.dma_semaphore, #tpu.memory_space<semaphore_mem>>
      %dma_start3A = arith.constant 0 : i32
      %dma_start3A_9 = arith.constant 0 : i32
      %dma_start3A_10 = tpu.memref_slice %arg4[%add3A, %dma_start3A, %dma_start3A_9] : memref<32x125x80xi32, #tpu.memory_space<hbm>> -> memref<1x125x80xi32, #tpu.memory_space<hbm>>
      %dma_start3A_11 = tpu.memref_squeeze %dma_start3A_10 : memref<1x125x80xi32, #tpu.memory_space<hbm>> -> memref<125x80xi32, #tpu.memory_space<hbm>>
      %dma_start3A_12 = arith.constant 0 : i32
      %dma_start3A_13 = arith.constant 0 : i32
      %dma_start3A_14 = tpu.memref_slice %arg4[%add3A, %dma_start3A_12, %dma_start3A_13] : memref<32x125x80xi32, #tpu.memory_space<hbm>> -> memref<1x125x80xi32, #tpu.memory_space<hbm>>
      %dma_start3A_15 = tpu.memref_squeeze %dma_start3A_14 : memref<1x125x80xi32, #tpu.memory_space<hbm>> -> memref<125x80xi32, #tpu.memory_space<hbm>>
      tpu.enqueue_dma source(%dma_start3A_15 : memref<125x80xi32, #tpu.memory_space<hbm>>) target(%arg8 : memref<125x80xi32, #tpu.memory_space<vmem>>) target_semaphore(%run_scoped3A : memref<!tpu.dma_semaphore, #tpu.memory_space<semaphore_mem>>)
      %dma_wait3A = arith.constant 0 : i32
      %dma_wait3A_16 = arith.constant 0 : i32
      %dma_wait3A_17 = tpu.memref_slice %arg4[%add3A, %dma_wait3A, %dma_wait3A_16] : memref<32x125x80xi32, #tpu.memory_space<hbm>> -> memref<1x125x80xi32, #tpu.memory_space<hbm>>
      %dma_wait3A_18 = tpu.memref_squeeze %dma_wait3A_17 : memref<1x125x80xi32, #tpu.memory_space<hbm>> -> memref<125x80xi32, #tpu.memory_space<hbm>>
      %dma_wait3A_19 = arith.constant 0 : i32
      %dma_wait3A_20 = arith.constant 0 : i32
      %dma_wait3A_21 = tpu.memref_slice %arg4[%add3A, %dma_wait3A_19, %dma_wait3A_20] : memref<32x125x80xi32, #tpu.memory_space<hbm>> -> memref<1x125x80xi32, #tpu.memory_space<hbm>>
      %dma_wait3A_22 = tpu.memref_squeeze %dma_wait3A_21 : memref<1x125x80xi32, #tpu.memory_space<hbm>> -> memref<125x80xi32, #tpu.memory_space<hbm>>
      tpu.wait_dma2 semaphore(%run_scoped3A : memref<!tpu.dma_semaphore, #tpu.memory_space<semaphore_mem>>) src(%dma_wait3A_22 : memref<125x80xi32, #tpu.memory_space<hbm>>) dst(%arg8 : memref<125x80xi32, #tpu.memory_space<vmem>>)
      tpu.yield
    }) : () -> ()
    %barrier3A = arith.constant 0 : index
    tpu.barrier barrier_id(%barrier3A)
    %scan3A = arith.constant 0 : i32
    %scan3A_3 = arith.constant 0 : i32
    %scan3A_4 = arith.constant 125 : i32
    %scan3A_5 = arith.addi %scan3A_3, %scan3A_4 : i32
    %scan3A_6 = arith.constant 1 : i32
    scf.for %scan3A_9 = %scan3A_3 to %scan3A_5 step %scan3A_6  : i32 {
      %dma_start3A = arith.constant 0 : i32
      %dma_start3A_10 = tpu.memref_slice %arg7[%scan3A_9, %dma_start3A] : memref<125x80xi32, #tpu.memory_space<vmem>> -> memref<1x80xi32, #tpu.memory_space<vmem>>
      %dma_start3A_11 = tpu.memref_squeeze %dma_start3A_10 : memref<1x80xi32, #tpu.memory_space<vmem>> -> memref<80xi32, #tpu.memory_space<vmem>>
      %dma_start3A_12 = arith.constant 0 : i32
      %dma_start3A_13 = arith.constant 0 : i32
      %dma_start3A_14 = tpu.memref_slice %arg2[%dma_start3A_12, %dma_start3A_13] : memref<10240x128xf32, #tpu.memory_space<hbm>> -> memref<10240x128xf32, #tpu.memory_space<hbm>>
      tpu.enqueue_indirect_dma source(%dma_start3A_14 : memref<10240x128xf32, #tpu.memory_space<hbm>>) target(%arg9 : memref<80x128xf32, #tpu.memory_space<vmem>>) offsets(%dma_start3A_11 : memref<80xi32, #tpu.memory_space<vmem>>) semaphore(%arg11 : memref<!tpu.dma_semaphore, #tpu.memory_space<semaphore_mem>>)
      %dma_wait3A = arith.constant 0 : i32
      %dma_wait3A_15 = tpu.memref_slice %arg7[%scan3A_9, %dma_wait3A] : memref<125x80xi32, #tpu.memory_space<vmem>> -> memref<1x80xi32, #tpu.memory_space<vmem>>
      %dma_wait3A_16 = tpu.memref_squeeze %dma_wait3A_15 : memref<1x80xi32, #tpu.memory_space<vmem>> -> memref<80xi32, #tpu.memory_space<vmem>>
      %dma_wait3A_17 = arith.constant 0 : i32
      %dma_wait3A_18 = arith.constant 0 : i32
      %dma_wait3A_19 = tpu.memref_slice %arg2[%dma_wait3A_17, %dma_wait3A_18] : memref<10240x128xf32, #tpu.memory_space<hbm>> -> memref<10240x128xf32, #tpu.memory_space<hbm>>
      tpu.wait_indirect_dma semaphore(%arg11 : memref<!tpu.dma_semaphore, #tpu.memory_space<semaphore_mem>>) src(%dma_wait3A_19 : memref<10240x128xf32, #tpu.memory_space<hbm>>) dst(%arg9 : memref<80x128xf32, #tpu.memory_space<vmem>>)
      "tpu.region"() ({
        %run_scoped3A = tpu.sem_alloc : memref<!tpu.dma_semaphore, #tpu.memory_space<semaphore_mem>>
        %dma_start3A_20 = arith.constant 0 : i32
        %dma_start3A_21 = tpu.memref_slice %arg8[%scan3A_9, %dma_start3A_20] : memref<125x80xi32, #tpu.memory_space<vmem>> -> memref<1x80xi32, #tpu.memory_space<vmem>>
        %dma_start3A_22 = tpu.memref_squeeze %dma_start3A_21 : memref<1x80xi32, #tpu.memory_space<vmem>> -> memref<80xi32, #tpu.memory_space<vmem>>
        %dma_start3A_23 = arith.constant 0 : i32
        %dma_start3A_24 = arith.constant 0 : i32
        %dma_start3A_25 = tpu.memref_slice %arg10[%dma_start3A_23, %dma_start3A_24] : memref<10240x128xf32, #tpu.memory_space<vmem_shared>> -> memref<10240x128xf32, #tpu.memory_space<vmem_shared>>
        tpu.enqueue_indirect_dma source(%arg9 : memref<80x128xf32, #tpu.memory_space<vmem>>) target(%dma_start3A_25 : memref<10240x128xf32, #tpu.memory_space<vmem_shared>>) offsets(%dma_start3A_22 : memref<80xi32, #tpu.memory_space<vmem>>) semaphore(%run_scoped3A : memref<!tpu.dma_semaphore, #tpu.memory_space<semaphore_mem>>) {add = true}
        %dma_wait3A_26 = arith.constant 0 : i32
        %dma_wait3A_27 = tpu.memref_slice %arg8[%scan3A_9, %dma_wait3A_26] : memref<125x80xi32, #tpu.memory_space<vmem>> -> memref<1x80xi32, #tpu.memory_space<vmem>>
        %dma_wait3A_28 = tpu.memref_squeeze %dma_wait3A_27 : memref<1x80xi32, #tpu.memory_space<vmem>> -> memref<80xi32, #tpu.memory_space<vmem>>
        %dma_wait3A_29 = arith.constant 0 : i32
        %dma_wait3A_30 = arith.constant 0 : i32
        %dma_wait3A_31 = tpu.memref_slice %arg10[%dma_wait3A_29, %dma_wait3A_30] : memref<10240x128xf32, #tpu.memory_space<vmem_shared>> -> memref<10240x128xf32, #tpu.memory_space<vmem_shared>>
        tpu.wait_indirect_dma semaphore(%run_scoped3A : memref<!tpu.dma_semaphore, #tpu.memory_space<semaphore_mem>>) src(%arg9 : memref<80x128xf32, #tpu.memory_space<vmem>>) dst(%dma_wait3A_31 : memref<10240x128xf32, #tpu.memory_space<vmem_shared>>)
        tpu.yield
      }) : () -> ()
    }
    %scan3A_7 = arith.constant 125 : i32
    %barrier3A_8 = arith.constant 0 : index
    tpu.barrier barrier_id(%barrier3A_8)
    "tpu.region"() ({
      %run_scoped3A = tpu.sem_alloc : memref<!tpu.dma_semaphore, #tpu.memory_space<semaphore_mem>>
      %dma_start3A = arith.constant 0 : i32
      %dma_start3A_9 = tpu.memref_slice %arg6[%arg0, %mul3A_2, %dma_start3A] : memref<2x10240x128xf32, #tpu.memory_space<hbm>> -> memref<1x640x128xf32, #tpu.memory_space<hbm>>
      %dma_start3A_10 = tpu.memref_squeeze %dma_start3A_9 : memref<1x640x128xf32, #tpu.memory_space<hbm>> -> memref<640x128xf32, #tpu.memory_space<hbm>>
      %dma_start3A_11 = arith.constant 0 : i32
      %dma_start3A_12 = tpu.memref_slice %arg10[%mul3A_2, %dma_start3A_11] : memref<10240x128xf32, #tpu.memory_space<vmem_shared>> -> memref<640x128xf32, #tpu.memory_space<vmem_shared>>
      tpu.enqueue_dma source(%dma_start3A_12 : memref<640x128xf32, #tpu.memory_space<vmem_shared>>) target(%dma_start3A_10 : memref<640x128xf32, #tpu.memory_space<hbm>>) target_semaphore(%run_scoped3A : memref<!tpu.dma_semaphore, #tpu.memory_space<semaphore_mem>>)
      %dma_wait3A = arith.constant 0 : i32
      %dma_wait3A_13 = tpu.memref_slice %arg6[%arg0, %mul3A_2, %dma_wait3A] : memref<2x10240x128xf32, #tpu.memory_space<hbm>> -> memref<1x640x128xf32, #tpu.memory_space<hbm>>
      %dma_wait3A_14 = tpu.memref_squeeze %dma_wait3A_13 : memref<1x640x128xf32, #tpu.memory_space<hbm>> -> memref<640x128xf32, #tpu.memory_space<hbm>>
      %dma_wait3A_15 = arith.constant 0 : i32
      %dma_wait3A_16 = tpu.memref_slice %arg10[%mul3A_2, %dma_wait3A_15] : memref<10240x128xf32, #tpu.memory_space<vmem_shared>> -> memref<640x128xf32, #tpu.memory_space<vmem_shared>>
      tpu.wait_dma2 semaphore(%run_scoped3A : memref<!tpu.dma_semaphore, #tpu.memory_space<semaphore_mem>>) src(%dma_wait3A_16 : memref<640x128xf32, #tpu.memory_space<vmem_shared>>) dst(%dma_wait3A_14 : memref<640x128xf32, #tpu.memory_space<hbm>>)
      tpu.yield
    }) : () -> ()
    return
  }
}

#map = affine_map<(d0, d1) -> (0, 0)>
#map1 = affine_map<(d0, d1) -> (0, 0, 0)>
module attributes {stable_mosaic.version = 14 : i64} {
  func.func @body(%arg0: i32, %arg1: i32, %arg2: memref<10240x8xf32, #tpu.memory_space<hbm>>, %arg3: memref<32x125x80xi32, #tpu.memory_space<hbm>>, %arg4: memref<32x125x80xi32, #tpu.memory_space<hbm>>, %arg5: memref<10240x8xf32, #tpu.memory_space<hbm>>, %arg6: memref<2x10240x8xf32, #tpu.memory_space<hbm>>, %arg7: memref<125x80xi32, #tpu.memory_space<vmem>>, %arg8: memref<125x80xi32, #tpu.memory_space<vmem>>, %arg9: memref<80x8xf32, #tpu.memory_space<vmem>>, %arg10: memref<10240x8xf32, #tpu.memory_space<vmem_shared>>, %arg11: memref<!tpu.dma_semaphore, #tpu.memory_space<semaphore_mem>>) attributes {dimension_semantics = [#tpu.dimension_semantics<core_parallel>, #tpu.dimension_semantics<subcore_parallel>], iteration_bounds = array<i64: 2, 16>, scalar_prefetch = 0 : i64, scratch_operands = 5 : i64, tpu.core_type = #tpu.core_type<sc_vector_subcore>, window_params = [{transform_indices = #map}, {transform_indices = #map1}, {transform_indices = #map1}, {transform_indices = #map}, {transform_indices = #map1}]} {
    %mul3A = arith.constant 16 : i32
    %mul3A_0 = arith.muli %arg0, %mul3A : i32
    %add3A = arith.addi %mul3A_0, %arg1 : i32
    %mul3A_1 = arith.constant 640 : i32
    %mul3A_2 = arith.muli %arg1, %mul3A_1 : i32
    "tpu.region"() ({
      %run_scoped3A = tpu.sem_alloc : memref<!tpu.dma_semaphore, #tpu.memory_space<semaphore_mem>>
      %dma_start3A = arith.constant 0 : i32
      %dma_start3A_9 = tpu.memref_slice %arg10[%mul3A_2, %dma_start3A] : memref<10240x8xf32, #tpu.memory_space<vmem_shared>> -> memref<640x8xf32, #tpu.memory_space<vmem_shared>>
      %dma_start3A_10 = arith.constant 0 : i32
      %dma_start3A_11 = tpu.memref_slice %arg5[%mul3A_2, %dma_start3A_10] : memref<10240x8xf32, #tpu.memory_space<hbm>> -> memref<640x8xf32, #tpu.memory_space<hbm>>
      tpu.enqueue_dma source(%dma_start3A_11 : memref<640x8xf32, #tpu.memory_space<hbm>>) target(%dma_start3A_9 : memref<640x8xf32, #tpu.memory_space<vmem_shared>>) target_semaphore(%run_scoped3A : memref<!tpu.dma_semaphore, #tpu.memory_space<semaphore_mem>>)
      %dma_wait3A = arith.constant 0 : i32
      %dma_wait3A_12 = tpu.memref_slice %arg10[%mul3A_2, %dma_wait3A] : memref<10240x8xf32, #tpu.memory_space<vmem_shared>> -> memref<640x8xf32, #tpu.memory_space<vmem_shared>>
      %dma_wait3A_13 = arith.constant 0 : i32
      %dma_wait3A_14 = tpu.memref_slice %arg5[%mul3A_2, %dma_wait3A_13] : memref<10240x8xf32, #tpu.memory_space<hbm>> -> memref<640x8xf32, #tpu.memory_space<hbm>>
      tpu.wait_dma2 semaphore(%run_scoped3A : memref<!tpu.dma_semaphore, #tpu.memory_space<semaphore_mem>>) src(%dma_wait3A_14 : memref<640x8xf32, #tpu.memory_space<hbm>>) dst(%dma_wait3A_12 : memref<640x8xf32, #tpu.memory_space<vmem_shared>>)
      tpu.yield
    }) : () -> ()
    "tpu.region"() ({
      %run_scoped3A = tpu.sem_alloc : memref<!tpu.dma_semaphore, #tpu.memory_space<semaphore_mem>>
      %dma_start3A = arith.constant 0 : i32
      %dma_start3A_9 = arith.constant 0 : i32
      %dma_start3A_10 = tpu.memref_slice %arg3[%add3A, %dma_start3A, %dma_start3A_9] : memref<32x125x80xi32, #tpu.memory_space<hbm>> -> memref<1x125x80xi32, #tpu.memory_space<hbm>>
      %dma_start3A_11 = tpu.memref_squeeze %dma_start3A_10 : memref<1x125x80xi32, #tpu.memory_space<hbm>> -> memref<125x80xi32, #tpu.memory_space<hbm>>
      %dma_start3A_12 = arith.constant 0 : i32
      %dma_start3A_13 = arith.constant 0 : i32
      %dma_start3A_14 = tpu.memref_slice %arg3[%add3A, %dma_start3A_12, %dma_start3A_13] : memref<32x125x80xi32, #tpu.memory_space<hbm>> -> memref<1x125x80xi32, #tpu.memory_space<hbm>>
      %dma_start3A_15 = tpu.memref_squeeze %dma_start3A_14 : memref<1x125x80xi32, #tpu.memory_space<hbm>> -> memref<125x80xi32, #tpu.memory_space<hbm>>
      tpu.enqueue_dma source(%dma_start3A_15 : memref<125x80xi32, #tpu.memory_space<hbm>>) target(%arg7 : memref<125x80xi32, #tpu.memory_space<vmem>>) target_semaphore(%run_scoped3A : memref<!tpu.dma_semaphore, #tpu.memory_space<semaphore_mem>>)
      %dma_wait3A = arith.constant 0 : i32
      %dma_wait3A_16 = arith.constant 0 : i32
      %dma_wait3A_17 = tpu.memref_slice %arg3[%add3A, %dma_wait3A, %dma_wait3A_16] : memref<32x125x80xi32, #tpu.memory_space<hbm>> -> memref<1x125x80xi32, #tpu.memory_space<hbm>>
      %dma_wait3A_18 = tpu.memref_squeeze %dma_wait3A_17 : memref<1x125x80xi32, #tpu.memory_space<hbm>> -> memref<125x80xi32, #tpu.memory_space<hbm>>
      %dma_wait3A_19 = arith.constant 0 : i32
      %dma_wait3A_20 = arith.constant 0 : i32
      %dma_wait3A_21 = tpu.memref_slice %arg3[%add3A, %dma_wait3A_19, %dma_wait3A_20] : memref<32x125x80xi32, #tpu.memory_space<hbm>> -> memref<1x125x80xi32, #tpu.memory_space<hbm>>
      %dma_wait3A_22 = tpu.memref_squeeze %dma_wait3A_21 : memref<1x125x80xi32, #tpu.memory_space<hbm>> -> memref<125x80xi32, #tpu.memory_space<hbm>>
      tpu.wait_dma2 semaphore(%run_scoped3A : memref<!tpu.dma_semaphore, #tpu.memory_space<semaphore_mem>>) src(%dma_wait3A_22 : memref<125x80xi32, #tpu.memory_space<hbm>>) dst(%arg7 : memref<125x80xi32, #tpu.memory_space<vmem>>)
      tpu.yield
    }) : () -> ()
    "tpu.region"() ({
      %run_scoped3A = tpu.sem_alloc : memref<!tpu.dma_semaphore, #tpu.memory_space<semaphore_mem>>
      %dma_start3A = arith.constant 0 : i32
      %dma_start3A_9 = arith.constant 0 : i32
      %dma_start3A_10 = tpu.memref_slice %arg4[%add3A, %dma_start3A, %dma_start3A_9] : memref<32x125x80xi32, #tpu.memory_space<hbm>> -> memref<1x125x80xi32, #tpu.memory_space<hbm>>
      %dma_start3A_11 = tpu.memref_squeeze %dma_start3A_10 : memref<1x125x80xi32, #tpu.memory_space<hbm>> -> memref<125x80xi32, #tpu.memory_space<hbm>>
      %dma_start3A_12 = arith.constant 0 : i32
      %dma_start3A_13 = arith.constant 0 : i32
      %dma_start3A_14 = tpu.memref_slice %arg4[%add3A, %dma_start3A_12, %dma_start3A_13] : memref<32x125x80xi32, #tpu.memory_space<hbm>> -> memref<1x125x80xi32, #tpu.memory_space<hbm>>
      %dma_start3A_15 = tpu.memref_squeeze %dma_start3A_14 : memref<1x125x80xi32, #tpu.memory_space<hbm>> -> memref<125x80xi32, #tpu.memory_space<hbm>>
      tpu.enqueue_dma source(%dma_start3A_15 : memref<125x80xi32, #tpu.memory_space<hbm>>) target(%arg8 : memref<125x80xi32, #tpu.memory_space<vmem>>) target_semaphore(%run_scoped3A : memref<!tpu.dma_semaphore, #tpu.memory_space<semaphore_mem>>)
      %dma_wait3A = arith.constant 0 : i32
      %dma_wait3A_16 = arith.constant 0 : i32
      %dma_wait3A_17 = tpu.memref_slice %arg4[%add3A, %dma_wait3A, %dma_wait3A_16] : memref<32x125x80xi32, #tpu.memory_space<hbm>> -> memref<1x125x80xi32, #tpu.memory_space<hbm>>
      %dma_wait3A_18 = tpu.memref_squeeze %dma_wait3A_17 : memref<1x125x80xi32, #tpu.memory_space<hbm>> -> memref<125x80xi32, #tpu.memory_space<hbm>>
      %dma_wait3A_19 = arith.constant 0 : i32
      %dma_wait3A_20 = arith.constant 0 : i32
      %dma_wait3A_21 = tpu.memref_slice %arg4[%add3A, %dma_wait3A_19, %dma_wait3A_20] : memref<32x125x80xi32, #tpu.memory_space<hbm>> -> memref<1x125x80xi32, #tpu.memory_space<hbm>>
      %dma_wait3A_22 = tpu.memref_squeeze %dma_wait3A_21 : memref<1x125x80xi32, #tpu.memory_space<hbm>> -> memref<125x80xi32, #tpu.memory_space<hbm>>
      tpu.wait_dma2 semaphore(%run_scoped3A : memref<!tpu.dma_semaphore, #tpu.memory_space<semaphore_mem>>) src(%dma_wait3A_22 : memref<125x80xi32, #tpu.memory_space<hbm>>) dst(%arg8 : memref<125x80xi32, #tpu.memory_space<vmem>>)
      tpu.yield
    }) : () -> ()
    %barrier3A = arith.constant 0 : index
    tpu.barrier barrier_id(%barrier3A)
    %scan3A = arith.constant 0 : i32
    %scan3A_3 = arith.constant 0 : i32
    %scan3A_4 = arith.constant 125 : i32
    %scan3A_5 = arith.addi %scan3A_3, %scan3A_4 : i32
    %scan3A_6 = arith.constant 1 : i32
    scf.for %scan3A_9 = %scan3A_3 to %scan3A_5 step %scan3A_6  : i32 {
      %dma_start3A = arith.constant 0 : i32
      %dma_start3A_10 = tpu.memref_slice %arg7[%scan3A_9, %dma_start3A] : memref<125x80xi32, #tpu.memory_space<vmem>> -> memref<1x80xi32, #tpu.memory_space<vmem>>
      %dma_start3A_11 = tpu.memref_squeeze %dma_start3A_10 : memref<1x80xi32, #tpu.memory_space<vmem>> -> memref<80xi32, #tpu.memory_space<vmem>>
      %dma_start3A_12 = arith.constant 0 : i32
      %dma_start3A_13 = arith.constant 0 : i32
      %dma_start3A_14 = tpu.memref_slice %arg2[%dma_start3A_12, %dma_start3A_13] : memref<10240x8xf32, #tpu.memory_space<hbm>> -> memref<10240x8xf32, #tpu.memory_space<hbm>>
      tpu.enqueue_indirect_dma source(%dma_start3A_14 : memref<10240x8xf32, #tpu.memory_space<hbm>>) target(%arg9 : memref<80x8xf32, #tpu.memory_space<vmem>>) offsets(%dma_start3A_11 : memref<80xi32, #tpu.memory_space<vmem>>) semaphore(%arg11 : memref<!tpu.dma_semaphore, #tpu.memory_space<semaphore_mem>>)
      %dma_wait3A = arith.constant 0 : i32
      %dma_wait3A_15 = tpu.memref_slice %arg7[%scan3A_9, %dma_wait3A] : memref<125x80xi32, #tpu.memory_space<vmem>> -> memref<1x80xi32, #tpu.memory_space<vmem>>
      %dma_wait3A_16 = tpu.memref_squeeze %dma_wait3A_15 : memref<1x80xi32, #tpu.memory_space<vmem>> -> memref<80xi32, #tpu.memory_space<vmem>>
      %dma_wait3A_17 = arith.constant 0 : i32
      %dma_wait3A_18 = arith.constant 0 : i32
      %dma_wait3A_19 = tpu.memref_slice %arg2[%dma_wait3A_17, %dma_wait3A_18] : memref<10240x8xf32, #tpu.memory_space<hbm>> -> memref<10240x8xf32, #tpu.memory_space<hbm>>
      tpu.wait_indirect_dma semaphore(%arg11 : memref<!tpu.dma_semaphore, #tpu.memory_space<semaphore_mem>>) src(%dma_wait3A_19 : memref<10240x8xf32, #tpu.memory_space<hbm>>) dst(%arg9 : memref<80x8xf32, #tpu.memory_space<vmem>>)
      "tpu.region"() ({
        %run_scoped3A = tpu.sem_alloc : memref<!tpu.dma_semaphore, #tpu.memory_space<semaphore_mem>>
        %dma_start3A_20 = arith.constant 0 : i32
        %dma_start3A_21 = tpu.memref_slice %arg8[%scan3A_9, %dma_start3A_20] : memref<125x80xi32, #tpu.memory_space<vmem>> -> memref<1x80xi32, #tpu.memory_space<vmem>>
        %dma_start3A_22 = tpu.memref_squeeze %dma_start3A_21 : memref<1x80xi32, #tpu.memory_space<vmem>> -> memref<80xi32, #tpu.memory_space<vmem>>
        %dma_start3A_23 = arith.constant 0 : i32
        %dma_start3A_24 = arith.constant 0 : i32
        %dma_start3A_25 = tpu.memref_slice %arg10[%dma_start3A_23, %dma_start3A_24] : memref<10240x8xf32, #tpu.memory_space<vmem_shared>> -> memref<10240x8xf32, #tpu.memory_space<vmem_shared>>
        tpu.enqueue_indirect_dma source(%arg9 : memref<80x8xf32, #tpu.memory_space<vmem>>) target(%dma_start3A_25 : memref<10240x8xf32, #tpu.memory_space<vmem_shared>>) offsets(%dma_start3A_22 : memref<80xi32, #tpu.memory_space<vmem>>) semaphore(%run_scoped3A : memref<!tpu.dma_semaphore, #tpu.memory_space<semaphore_mem>>) {add = true}
        %dma_wait3A_26 = arith.constant 0 : i32
        %dma_wait3A_27 = tpu.memref_slice %arg8[%scan3A_9, %dma_wait3A_26] : memref<125x80xi32, #tpu.memory_space<vmem>> -> memref<1x80xi32, #tpu.memory_space<vmem>>
        %dma_wait3A_28 = tpu.memref_squeeze %dma_wait3A_27 : memref<1x80xi32, #tpu.memory_space<vmem>> -> memref<80xi32, #tpu.memory_space<vmem>>
        %dma_wait3A_29 = arith.constant 0 : i32
        %dma_wait3A_30 = arith.constant 0 : i32
        %dma_wait3A_31 = tpu.memref_slice %arg10[%dma_wait3A_29, %dma_wait3A_30] : memref<10240x8xf32, #tpu.memory_space<vmem_shared>> -> memref<10240x8xf32, #tpu.memory_space<vmem_shared>>
        tpu.wait_indirect_dma semaphore(%run_scoped3A : memref<!tpu.dma_semaphore, #tpu.memory_space<semaphore_mem>>) src(%arg9 : memref<80x8xf32, #tpu.memory_space<vmem>>) dst(%dma_wait3A_31 : memref<10240x8xf32, #tpu.memory_space<vmem_shared>>)
        tpu.yield
      }) : () -> ()
    }
    %scan3A_7 = arith.constant 125 : i32
    %barrier3A_8 = arith.constant 0 : index
    tpu.barrier barrier_id(%barrier3A_8)
    "tpu.region"() ({
      %run_scoped3A = tpu.sem_alloc : memref<!tpu.dma_semaphore, #tpu.memory_space<semaphore_mem>>
      %dma_start3A = arith.constant 0 : i32
      %dma_start3A_9 = tpu.memref_slice %arg6[%arg0, %mul3A_2, %dma_start3A] : memref<2x10240x8xf32, #tpu.memory_space<hbm>> -> memref<1x640x8xf32, #tpu.memory_space<hbm>>
      %dma_start3A_10 = tpu.memref_squeeze %dma_start3A_9 : memref<1x640x8xf32, #tpu.memory_space<hbm>> -> memref<640x8xf32, #tpu.memory_space<hbm>>
      %dma_start3A_11 = arith.constant 0 : i32
      %dma_start3A_12 = tpu.memref_slice %arg10[%mul3A_2, %dma_start3A_11] : memref<10240x8xf32, #tpu.memory_space<vmem_shared>> -> memref<640x8xf32, #tpu.memory_space<vmem_shared>>
      tpu.enqueue_dma source(%dma_start3A_12 : memref<640x8xf32, #tpu.memory_space<vmem_shared>>) target(%dma_start3A_10 : memref<640x8xf32, #tpu.memory_space<hbm>>) target_semaphore(%run_scoped3A : memref<!tpu.dma_semaphore, #tpu.memory_space<semaphore_mem>>)
      %dma_wait3A = arith.constant 0 : i32
      %dma_wait3A_13 = tpu.memref_slice %arg6[%arg0, %mul3A_2, %dma_wait3A] : memref<2x10240x8xf32, #tpu.memory_space<hbm>> -> memref<1x640x8xf32, #tpu.memory_space<hbm>>
      %dma_wait3A_14 = tpu.memref_squeeze %dma_wait3A_13 : memref<1x640x8xf32, #tpu.memory_space<hbm>> -> memref<640x8xf32, #tpu.memory_space<hbm>>
      %dma_wait3A_15 = arith.constant 0 : i32
      %dma_wait3A_16 = tpu.memref_slice %arg10[%mul3A_2, %dma_wait3A_15] : memref<10240x8xf32, #tpu.memory_space<vmem_shared>> -> memref<640x8xf32, #tpu.memory_space<vmem_shared>>
      tpu.wait_dma2 semaphore(%run_scoped3A : memref<!tpu.dma_semaphore, #tpu.memory_space<semaphore_mem>>) src(%dma_wait3A_16 : memref<640x8xf32, #tpu.memory_space<vmem_shared>>) dst(%dma_wait3A_14 : memref<640x8xf32, #tpu.memory_space<hbm>>)
      tpu.yield
    }) : () -> ()
    return
  }
}

module attributes {stable_mosaic.version = 14 : i64} {
  func.func @body(%arg0: memref<80x128xf32, #tpu.memory_space<vmem>>, %arg1: memref<80x128xf32, #tpu.memory_space<vmem>>, %arg2: memref<80x128xf32, #tpu.memory_space<vmem>>, %arg3: memref<80x128xf32, #tpu.memory_space<vmem>>, %arg4: memref<80x128xf32, #tpu.memory_space<vmem>>, %arg5: memref<80x128xf32, #tpu.memory_space<vmem>>) attributes {dimension_semantics = [], scalar_prefetch = 0 : i64, scratch_operands = 0 : i64, tpu.core_type = #tpu.core_type<tc>} {
    %get3A = arith.constant 0 : index
    %get3A_0 = arith.constant 0 : index
    %get3A_1 = vector.load %arg0[%get3A, %get3A_0] : memref<80x128xf32, #tpu.memory_space<vmem>>, vector<80x128xf32>
    %get3A_2 = arith.constant 0 : index
    %get3A_3 = arith.constant 0 : index
    %get3A_4 = vector.load %arg1[%get3A_2, %get3A_3] : memref<80x128xf32, #tpu.memory_space<vmem>>, vector<80x128xf32>
    %add3A = arith.addf %get3A_1, %get3A_4 : vector<80x128xf32>
    %max3A = arith.constant 1.000000e+00 : f32
    %max3A_5 = vector.broadcast %max3A : f32 to vector<80x128xf32>
    %max3A_6 = arith.maximumf %add3A, %max3A_5 : vector<80x128xf32>
    %rsqrt3A = math.rsqrt %max3A_6 : vector<80x128xf32>
    %swap3A = arith.constant 0 : index
    %swap3A_7 = arith.constant 0 : index
    %swap3A_8 = vector.load %arg4[%swap3A, %swap3A_7] : memref<80x128xf32, #tpu.memory_space<vmem>>, vector<80x128xf32>
    tpu.vector_store %arg4[%swap3A, %swap3A_7], %rsqrt3A {strides = array<i32>} : memref<80x128xf32, #tpu.memory_space<vmem>>, vector<80x128xf32>,
    %get3A_9 = arith.constant 0 : index
    %get3A_10 = arith.constant 0 : index
    %get3A_11 = vector.load %arg2[%get3A_9, %get3A_10] : memref<80x128xf32, #tpu.memory_space<vmem>>, vector<80x128xf32>
    %get3A_12 = arith.constant 0 : index
    %get3A_13 = arith.constant 0 : index
    %get3A_14 = vector.load %arg3[%get3A_12, %get3A_13] : memref<80x128xf32, #tpu.memory_space<vmem>>, vector<80x128xf32>
    %add3A_15 = arith.addf %get3A_11, %get3A_14 : vector<80x128xf32>
    %max3A_16 = arith.constant 1.000000e+00 : f32
    %max3A_17 = vector.broadcast %max3A_16 : f32 to vector<80x128xf32>
    %max3A_18 = arith.maximumf %add3A_15, %max3A_17 : vector<80x128xf32>
    %rsqrt3A_19 = math.rsqrt %max3A_18 : vector<80x128xf32>
    %swap3A_20 = arith.constant 0 : index
    %swap3A_21 = arith.constant 0 : index
    %swap3A_22 = vector.load %arg5[%swap3A_20, %swap3A_21] : memref<80x128xf32, #tpu.memory_space<vmem>>, vector<80x128xf32>
    tpu.vector_store %arg5[%swap3A_20, %swap3A_21], %rsqrt3A_19 {strides = array<i32>} : memref<80x128xf32, #tpu.memory_space<vmem>>, vector<80x128xf32>,
    return
  }
}

module attributes {stable_mosaic.version = 14 : i64} {
  func.func @body(%arg0: i32, %arg1: memref<512x128xf32, #tpu.memory_space<vmem>>, %arg2: memref<512x1xf32, #tpu.memory_space<vmem>>, %arg3: memref<512x128xf32, #tpu.memory_space<vmem>>) attributes {dimension_semantics = [#tpu.dimension_semantics<arbitrary>], iteration_bounds = array<i64: 20>, scalar_prefetch = 0 : i64, scratch_operands = 0 : i64, tpu.core_type = #tpu.core_type<tc>, window_params = [{transform_indices = @transform_0, window_bounds = array<i64: 512, 128>}, {transform_indices = @transform_1, window_bounds = array<i64: 512, 1>}, {transform_indices = @transform_2, window_bounds = array<i64: 512, 128>}]} {
    %get3A = arith.constant 0 : index
    %get3A_0 = arith.constant 0 : index
    %get3A_1 = vector.load %arg1[%get3A, %get3A_0] : memref<512x128xf32, #tpu.memory_space<vmem>>, vector<512x128xf32>
    %get3A_2 = arith.constant 0 : index
    %get3A_3 = arith.constant 0 : index
    %get3A_4 = vector.load %arg2[%get3A_2, %get3A_3] : memref<512x1xf32, #tpu.memory_space<vmem>>, vector<512x1xf32>
    %mul3A = vector.broadcast %get3A_4 : vector<512x1xf32> to vector<512x128xf32>
    %mul3A_5 = arith.mulf %get3A_1, %mul3A : vector<512x128xf32>
    %swap3A = arith.constant 0 : index
    %swap3A_6 = arith.constant 0 : index
    %swap3A_7 = vector.load %arg3[%swap3A, %swap3A_6] : memref<512x128xf32, #tpu.memory_space<vmem>>, vector<512x128xf32>
    tpu.vector_store %arg3[%swap3A, %swap3A_6], %mul3A_5 {strides = array<i32>} : memref<512x128xf32, #tpu.memory_space<vmem>>, vector<512x128xf32>,
    return
  }
  func.func @transform_0(%arg0: i32) -> (i32, i32) {
    %c0_i32 = arith.constant 0 : i32
    %c0_i32_0 = arith.constant 0 : i32
    return %arg0, %c0_i32 : i32, i32
  }
  func.func @transform_1(%arg0: i32) -> (i32, i32) {
    %c0_i32 = arith.constant 0 : i32
    %c0_i32_0 = arith.constant 0 : i32
    return %arg0, %c0_i32 : i32, i32
  }
  func.func @transform_2(%arg0: i32) -> (i32, i32) {
    %c0_i32 = arith.constant 0 : i32
    %c0_i32_0 = arith.constant 0 : i32
    return %arg0, %c0_i32 : i32, i32
  }
}

module attributes {stable_mosaic.version = 14 : i64} {
  func.func @body(%arg0: i32, %arg1: memref<512x128xf32, #tpu.memory_space<vmem>>, %arg2: memref<512x128xf32, #tpu.memory_space<vmem>>, %arg3: memref<512x1xf32, #tpu.memory_space<vmem>>, %arg4: memref<512x1xf32, #tpu.memory_space<vmem>>, %arg5: memref<128x128xf32, #tpu.memory_space<vmem>>, %arg6: memref<1x128xf32, #tpu.memory_space<vmem>>, %arg7: memref<128x1xf32, #tpu.memory_space<vmem>>, %arg8: memref<512x1xf32, #tpu.memory_space<vmem>>, %arg9: memref<512x128xf32, #tpu.memory_space<vmem>>, %arg10: memref<512x128xf32, #tpu.memory_space<vmem>>, %arg11: memref<512x1xf32, #tpu.memory_space<vmem>>) attributes {dimension_semantics = [#tpu.dimension_semantics<arbitrary>], iteration_bounds = array<i64: 20>, scalar_prefetch = 0 : i64, scratch_operands = 0 : i64, tpu.core_type = #tpu.core_type<tc>, window_params = [{transform_indices = @transform_0, window_bounds = array<i64: 512, 128>}, {transform_indices = @transform_1, window_bounds = array<i64: 512, 128>}, {transform_indices = @transform_2, window_bounds = array<i64: 512, 1>}, {transform_indices = @transform_3, window_bounds = array<i64: 512, 1>}, {pipeline_mode = #tpu.pipeline_mode<synchronous>, transform_indices = @transform_4, window_bounds = array<i64: 128, 128>}, {pipeline_mode = #tpu.pipeline_mode<synchronous>, transform_indices = @transform_5, window_bounds = array<i64: 1, 128>}, {pipeline_mode = #tpu.pipeline_mode<synchronous>, transform_indices = @transform_6, window_bounds = array<i64: 128, 1>}, {transform_indices = @transform_7, window_bounds = array<i64: 512, 1>}, {transform_indices = @transform_8, window_bounds = array<i64: 512, 128>}, {transform_indices = @transform_9, window_bounds = array<i64: 512, 128>}, {transform_indices = @transform_10, window_bounds = array<i64: 512, 1>}]} {
    %get3A = arith.constant 0 : index
    %get3A_0 = arith.constant 0 : index
    %get3A_1 = vector.load %arg1[%get3A, %get3A_0] : memref<512x128xf32, #tpu.memory_space<vmem>>, vector<512x128xf32>
    %get3A_2 = arith.constant 0 : index
    %get3A_3 = arith.constant 0 : index
    %get3A_4 = vector.load %arg2[%get3A_2, %get3A_3] : memref<512x128xf32, #tpu.memory_space<vmem>>, vector<512x128xf32>
    %add3A = arith.addf %get3A_1, %get3A_4 : vector<512x128xf32>
    %get3A_5 = arith.constant 0 : index
    %get3A_6 = arith.constant 0 : index
    %get3A_7 = vector.load %arg3[%get3A_5, %get3A_6] : memref<512x1xf32, #tpu.memory_space<vmem>>, vector<512x1xf32>
    %mul3A = vector.broadcast %get3A_7 : vector<512x1xf32> to vector<512x128xf32>
    %mul3A_8 = arith.mulf %add3A, %mul3A : vector<512x128xf32>
    %get3A_9 = arith.constant 0 : index
    %get3A_10 = arith.constant 0 : index
    %get3A_11 = vector.load %arg5[%get3A_9, %get3A_10] : memref<128x128xf32, #tpu.memory_space<vmem>>, vector<128x128xf32>
    %dot_general3A = arith.constant dense<0.000000e+00> : vector<512x128xf32>
    %dot_general3A_12 = tpu.matmul %mul3A_8, %get3A_11, %dot_general3A {dimension_numbers = #tpu.dot_dimension_numbers<[1], [0], [0], [1], [0, 0, 1, 1], [], []>, transpose_lhs_hint = false} : vector<512x128xf32>, vector<128x128xf32>, vector<512x128xf32> -> vector<512x128xf32>
    %get3A_13 = arith.constant 0 : index
    %get3A_14 = arith.constant 0 : index
    %get3A_15 = vector.load %arg6[%get3A_13, %get3A_14] : memref<1x128xf32, #tpu.memory_space<vmem>>, vector<1x128xf32>
    %add3A_16 = vector.broadcast %get3A_15 : vector<1x128xf32> to vector<512x128xf32>
    %add3A_17 = arith.addf %dot_general3A_12, %add3A_16 : vector<512x128xf32>
    %get3A_18 = arith.constant 0 : index
    %get3A_19 = arith.constant 0 : index
    %get3A_20 = vector.load %arg4[%get3A_18, %get3A_19] : memref<512x1xf32, #tpu.memory_space<vmem>>, vector<512x1xf32>
    %mul3A_21 = vector.broadcast %get3A_20 : vector<512x1xf32> to vector<512x128xf32>
    %mul3A_22 = arith.mulf %add3A_17, %mul3A_21 : vector<512x128xf32>
    %swap3A = arith.constant 0 : index
    %swap3A_23 = arith.constant 0 : index
    %swap3A_24 = vector.load %arg9[%swap3A, %swap3A_23] : memref<512x128xf32, #tpu.memory_space<vmem>>, vector<512x128xf32>
    tpu.vector_store %arg9[%swap3A, %swap3A_23], %add3A_17 {strides = array<i32>} : memref<512x128xf32, #tpu.memory_space<vmem>>, vector<512x128xf32>,
    %swap3A_25 = arith.constant 0 : index
    %swap3A_26 = arith.constant 0 : index
    %swap3A_27 = vector.load %arg10[%swap3A_25, %swap3A_26] : memref<512x128xf32, #tpu.memory_space<vmem>>, vector<512x128xf32>
    tpu.vector_store %arg10[%swap3A_25, %swap3A_26], %mul3A_22 {strides = array<i32>} : memref<512x128xf32, #tpu.memory_space<vmem>>, vector<512x128xf32>,
    %get3A_28 = arith.constant 0 : index
    %get3A_29 = arith.constant 0 : index
    %get3A_30 = vector.load %arg8[%get3A_28, %get3A_29] : memref<512x1xf32, #tpu.memory_space<vmem>>, vector<512x1xf32>
    %get3A_31 = arith.constant 0 : index
    %get3A_32 = arith.constant 0 : index
    %get3A_33 = vector.load %arg7[%get3A_31, %get3A_32] : memref<128x1xf32, #tpu.memory_space<vmem>>, vector<128x1xf32>
    %dot_general3A_34 = arith.constant dense<0.000000e+00> : vector<512x1xf32>
    %dot_general3A_35 = tpu.matmul %mul3A_22, %get3A_33, %dot_general3A_34 {dimension_numbers = #tpu.dot_dimension_numbers<[1], [0], [0], [1], [0, 0, 1, 1], [], []>, transpose_lhs_hint = false} : vector<512x128xf32>, vector<128x1xf32>, vector<512x1xf32> -> vector<512x1xf32>
    %add3A_36 = arith.addf %get3A_30, %dot_general3A_35 : vector<512x1xf32>
    %swap3A_37 = arith.constant 0 : index
    %swap3A_38 = arith.constant 0 : index
    %swap3A_39 = vector.load %arg11[%swap3A_37, %swap3A_38] : memref<512x1xf32, #tpu.memory_space<vmem>>, vector<512x1xf32>
    tpu.vector_store %arg11[%swap3A_37, %swap3A_38], %add3A_36 {strides = array<i32>} : memref<512x1xf32, #tpu.memory_space<vmem>>, vector<512x1xf32>,
    return
  }
  func.func @transform_0(%arg0: i32) -> (i32, i32) {
    %c0_i32 = arith.constant 0 : i32
    %c0_i32_0 = arith.constant 0 : i32
    return %arg0, %c0_i32 : i32, i32
  }
  func.func @transform_1(%arg0: i32) -> (i32, i32) {
    %c0_i32 = arith.constant 0 : i32
    %c0_i32_0 = arith.constant 0 : i32
    return %arg0, %c0_i32 : i32, i32
  }
  func.func @transform_2(%arg0: i32) -> (i32, i32) {
    %c0_i32 = arith.constant 0 : i32
    %c0_i32_0 = arith.constant 0 : i32
    return %arg0, %c0_i32 : i32, i32
  }
  func.func @transform_3(%arg0: i32) -> (i32, i32) {
    %c0_i32 = arith.constant 0 : i32
    %c0_i32_0 = arith.constant 0 : i32
    return %arg0, %c0_i32 : i32, i32
  }
  func.func @transform_4(%arg0: i32) -> (i32, i32) {
    %c0_i32 = arith.constant 0 : i32
    %c0_i32_0 = arith.constant 0 : i32
    %c0_i32_1 = arith.constant 0 : i32
    return %c0_i32, %c0_i32_0 : i32, i32
  }
  func.func @transform_5(%arg0: i32) -> (i32, i32) {
    %c0_i32 = arith.constant 0 : i32
    %c0_i32_0 = arith.constant 0 : i32
    %c0_i32_1 = arith.constant 0 : i32
    return %c0_i32, %c0_i32_0 : i32, i32
  }
  func.func @transform_6(%arg0: i32) -> (i32, i32) {
    %c0_i32 = arith.constant 0 : i32
    %c0_i32_0 = arith.constant 0 : i32
    %c0_i32_1 = arith.constant 0 : i32
    return %c0_i32, %c0_i32_0 : i32, i32
  }
  func.func @transform_7(%arg0: i32) -> (i32, i32) {
    %c0_i32 = arith.constant 0 : i32
    %c0_i32_0 = arith.constant 0 : i32
    return %arg0, %c0_i32 : i32, i32
  }
  func.func @transform_8(%arg0: i32) -> (i32, i32) {
    %c0_i32 = arith.constant 0 : i32
    %c0_i32_0 = arith.constant 0 : i32
    return %arg0, %c0_i32 : i32, i32
  }
  func.func @transform_9(%arg0: i32) -> (i32, i32) {
    %c0_i32 = arith.constant 0 : i32
    %c0_i32_0 = arith.constant 0 : i32
    return %arg0, %c0_i32 : i32, i32
  }
  func.func @transform_10(%arg0: i32) -> (i32, i32) {
    %c0_i32 = arith.constant 0 : i32
    %c0_i32_0 = arith.constant 0 : i32
    return %arg0, %c0_i32 : i32, i32
  }
}

module attributes {stable_mosaic.version = 14 : i64} {
  func.func @body(%arg0: i32, %arg1: memref<512x128xf32, #tpu.memory_space<vmem>>, %arg2: memref<512x128xf32, #tpu.memory_space<vmem>>, %arg3: memref<512x1xf32, #tpu.memory_space<vmem>>, %arg4: memref<512x1xf32, #tpu.memory_space<vmem>>, %arg5: memref<128x128xf32, #tpu.memory_space<vmem>>, %arg6: memref<1x128xf32, #tpu.memory_space<vmem>>, %arg7: memref<128x1xf32, #tpu.memory_space<vmem>>, %arg8: memref<512x1xf32, #tpu.memory_space<vmem>>, %arg9: memref<512x128xf32, #tpu.memory_space<vmem>>, %arg10: memref<512x128xf32, #tpu.memory_space<vmem>>, %arg11: memref<512x1xf32, #tpu.memory_space<vmem>>) attributes {dimension_semantics = [#tpu.dimension_semantics<arbitrary>], iteration_bounds = array<i64: 20>, scalar_prefetch = 0 : i64, scratch_operands = 0 : i64, tpu.core_type = #tpu.core_type<tc>, window_params = [{transform_indices = @transform_0, window_bounds = array<i64: 512, 128>}, {transform_indices = @transform_1, window_bounds = array<i64: 512, 128>}, {transform_indices = @transform_2, window_bounds = array<i64: 512, 1>}, {transform_indices = @transform_3, window_bounds = array<i64: 512, 1>}, {pipeline_mode = #tpu.pipeline_mode<synchronous>, transform_indices = @transform_4, window_bounds = array<i64: 128, 128>}, {pipeline_mode = #tpu.pipeline_mode<synchronous>, transform_indices = @transform_5, window_bounds = array<i64: 1, 128>}, {pipeline_mode = #tpu.pipeline_mode<synchronous>, transform_indices = @transform_6, window_bounds = array<i64: 128, 1>}, {transform_indices = @transform_7, window_bounds = array<i64: 512, 1>}, {transform_indices = @transform_8, window_bounds = array<i64: 512, 128>}, {transform_indices = @transform_9, window_bounds = array<i64: 512, 128>}, {transform_indices = @transform_10, window_bounds = array<i64: 512, 1>}]} {
    %get3A = arith.constant 0 : index
    %get3A_0 = arith.constant 0 : index
    %get3A_1 = vector.load %arg1[%get3A, %get3A_0] : memref<512x128xf32, #tpu.memory_space<vmem>>, vector<512x128xf32>
    %get3A_2 = arith.constant 0 : index
    %get3A_3 = arith.constant 0 : index
    %get3A_4 = vector.load %arg2[%get3A_2, %get3A_3] : memref<512x128xf32, #tpu.memory_space<vmem>>, vector<512x128xf32>
    %add3A = arith.addf %get3A_1, %get3A_4 : vector<512x128xf32>
    %get3A_5 = arith.constant 0 : index
    %get3A_6 = arith.constant 0 : index
    %get3A_7 = vector.load %arg3[%get3A_5, %get3A_6] : memref<512x1xf32, #tpu.memory_space<vmem>>, vector<512x1xf32>
    %mul3A = vector.broadcast %get3A_7 : vector<512x1xf32> to vector<512x128xf32>
    %mul3A_8 = arith.mulf %add3A, %mul3A : vector<512x128xf32>
    %get3A_9 = arith.constant 0 : index
    %get3A_10 = arith.constant 0 : index
    %get3A_11 = vector.load %arg5[%get3A_9, %get3A_10] : memref<128x128xf32, #tpu.memory_space<vmem>>, vector<128x128xf32>
    %dot_general3A = arith.constant dense<0.000000e+00> : vector<512x128xf32>
    %dot_general3A_12 = tpu.matmul %mul3A_8, %get3A_11, %dot_general3A {dimension_numbers = #tpu.dot_dimension_numbers<[1], [0], [0], [1], [0, 0, 1, 1], [], []>, transpose_lhs_hint = false} : vector<512x128xf32>, vector<128x128xf32>, vector<512x128xf32> -> vector<512x128xf32>
    %get3A_13 = arith.constant 0 : index
    %get3A_14 = arith.constant 0 : index
    %get3A_15 = vector.load %arg6[%get3A_13, %get3A_14] : memref<1x128xf32, #tpu.memory_space<vmem>>, vector<1x128xf32>
    %add3A_16 = vector.broadcast %get3A_15 : vector<1x128xf32> to vector<512x128xf32>
    %add3A_17 = arith.addf %dot_general3A_12, %add3A_16 : vector<512x128xf32>
    %get3A_18 = arith.constant 0 : index
    %get3A_19 = arith.constant 0 : index
    %get3A_20 = vector.load %arg4[%get3A_18, %get3A_19] : memref<512x1xf32, #tpu.memory_space<vmem>>, vector<512x1xf32>
    %mul3A_21 = vector.broadcast %get3A_20 : vector<512x1xf32> to vector<512x128xf32>
    %mul3A_22 = arith.mulf %add3A_17, %mul3A_21 : vector<512x128xf32>
    %swap3A = arith.constant 0 : index
    %swap3A_23 = arith.constant 0 : index
    %swap3A_24 = vector.load %arg9[%swap3A, %swap3A_23] : memref<512x128xf32, #tpu.memory_space<vmem>>, vector<512x128xf32>
    tpu.vector_store %arg9[%swap3A, %swap3A_23], %add3A_17 {strides = array<i32>} : memref<512x128xf32, #tpu.memory_space<vmem>>, vector<512x128xf32>,
    %swap3A_25 = arith.constant 0 : index
    %swap3A_26 = arith.constant 0 : index
    %swap3A_27 = vector.load %arg10[%swap3A_25, %swap3A_26] : memref<512x128xf32, #tpu.memory_space<vmem>>, vector<512x128xf32>
    tpu.vector_store %arg10[%swap3A_25, %swap3A_26], %mul3A_22 {strides = array<i32>} : memref<512x128xf32, #tpu.memory_space<vmem>>, vector<512x128xf32>,
    %get3A_28 = arith.constant 0 : index
    %get3A_29 = arith.constant 0 : index
    %get3A_30 = vector.load %arg8[%get3A_28, %get3A_29] : memref<512x1xf32, #tpu.memory_space<vmem>>, vector<512x1xf32>
    %get3A_31 = arith.constant 0 : index
    %get3A_32 = arith.constant 0 : index
    %get3A_33 = vector.load %arg7[%get3A_31, %get3A_32] : memref<128x1xf32, #tpu.memory_space<vmem>>, vector<128x1xf32>
    %dot_general3A_34 = arith.constant dense<0.000000e+00> : vector<512x1xf32>
    %dot_general3A_35 = tpu.matmul %mul3A_22, %get3A_33, %dot_general3A_34 {dimension_numbers = #tpu.dot_dimension_numbers<[1], [0], [0], [1], [0, 0, 1, 1], [], []>, transpose_lhs_hint = false} : vector<512x128xf32>, vector<128x1xf32>, vector<512x1xf32> -> vector<512x1xf32>
    %add3A_36 = arith.addf %get3A_30, %dot_general3A_35 : vector<512x1xf32>
    %swap3A_37 = arith.constant 0 : index
    %swap3A_38 = arith.constant 0 : index
    %swap3A_39 = vector.load %arg11[%swap3A_37, %swap3A_38] : memref<512x1xf32, #tpu.memory_space<vmem>>, vector<512x1xf32>
    tpu.vector_store %arg11[%swap3A_37, %swap3A_38], %add3A_36 {strides = array<i32>} : memref<512x1xf32, #tpu.memory_space<vmem>>, vector<512x1xf32>,
    return
  }
  func.func @transform_0(%arg0: i32) -> (i32, i32) {
    %c0_i32 = arith.constant 0 : i32
    %c0_i32_0 = arith.constant 0 : i32
    return %arg0, %c0_i32 : i32, i32
  }
  func.func @transform_1(%arg0: i32) -> (i32, i32) {
    %c0_i32 = arith.constant 0 : i32
    %c0_i32_0 = arith.constant 0 : i32
    return %arg0, %c0_i32 : i32, i32
  }
  func.func @transform_2(%arg0: i32) -> (i32, i32) {
    %c0_i32 = arith.constant 0 : i32
    %c0_i32_0 = arith.constant 0 : i32
    return %arg0, %c0_i32 : i32, i32
  }
  func.func @transform_3(%arg0: i32) -> (i32, i32) {
    %c0_i32 = arith.constant 0 : i32
    %c0_i32_0 = arith.constant 0 : i32
    return %arg0, %c0_i32 : i32, i32
  }
  func.func @transform_4(%arg0: i32) -> (i32, i32) {
    %c0_i32 = arith.constant 0 : i32
    %c0_i32_0 = arith.constant 0 : i32
    %c0_i32_1 = arith.constant 0 : i32
    return %c0_i32, %c0_i32_0 : i32, i32
  }
  func.func @transform_5(%arg0: i32) -> (i32, i32) {
    %c0_i32 = arith.constant 0 : i32
    %c0_i32_0 = arith.constant 0 : i32
    %c0_i32_1 = arith.constant 0 : i32
    return %c0_i32, %c0_i32_0 : i32, i32
  }
  func.func @transform_6(%arg0: i32) -> (i32, i32) {
    %c0_i32 = arith.constant 0 : i32
    %c0_i32_0 = arith.constant 0 : i32
    %c0_i32_1 = arith.constant 0 : i32
    return %c0_i32, %c0_i32_0 : i32, i32
  }
  func.func @transform_7(%arg0: i32) -> (i32, i32) {
    %c0_i32 = arith.constant 0 : i32
    %c0_i32_0 = arith.constant 0 : i32
    return %arg0, %c0_i32 : i32, i32
  }
  func.func @transform_8(%arg0: i32) -> (i32, i32) {
    %c0_i32 = arith.constant 0 : i32
    %c0_i32_0 = arith.constant 0 : i32
    return %arg0, %c0_i32 : i32, i32
  }
  func.func @transform_9(%arg0: i32) -> (i32, i32) {
    %c0_i32 = arith.constant 0 : i32
    %c0_i32_0 = arith.constant 0 : i32
    return %arg0, %c0_i32 : i32, i32
  }
  func.func @transform_10(%arg0: i32) -> (i32, i32) {
    %c0_i32 = arith.constant 0 : i32
    %c0_i32_0 = arith.constant 0 : i32
    return %arg0, %c0_i32 : i32, i32
  }
}

module attributes {stable_mosaic.version = 14 : i64} {
  func.func @body(%arg0: memref<80x128xf32, #tpu.memory_space<vmem>>, %arg1: memref<80x128xf32, #tpu.memory_space<vmem>>, %arg2: memref<80x128xf32, #tpu.memory_space<vmem>>, %arg3: memref<1x1xf32, #tpu.memory_space<vmem>>, %arg4: memref<80x128xf32, #tpu.memory_space<vmem>>, %arg5: memref<80x128xf32, #tpu.memory_space<vmem>>) attributes {dimension_semantics = [], scalar_prefetch = 0 : i64, scratch_operands = 0 : i64, tpu.core_type = #tpu.core_type<tc>} {
    %get3A = arith.constant 0 : index
    %get3A_0 = arith.constant 0 : index
    %get3A_1 = vector.load %arg0[%get3A, %get3A_0] : memref<80x128xf32, #tpu.memory_space<vmem>>, vector<80x128xf32>
    %get3A_2 = arith.constant 0 : index
    %get3A_3 = arith.constant 0 : index
    %get3A_4 = vector.load %arg1[%get3A_2, %get3A_3] : memref<80x128xf32, #tpu.memory_space<vmem>>, vector<80x128xf32>
    %add3A = arith.addf %get3A_1, %get3A_4 : vector<80x128xf32>
    %get3A_5 = arith.constant 0 : index
    %get3A_6 = arith.constant 0 : index
    %get3A_7 = vector.load %arg2[%get3A_5, %get3A_6] : memref<80x128xf32, #tpu.memory_space<vmem>>, vector<80x128xf32>
    %mul3A = arith.mulf %add3A, %get3A_7 : vector<80x128xf32>
    %get3A_8 = arith.constant 0 : index
    %get3A_9 = arith.constant 0 : index
    %get3A_10 = vector.load %arg3[%get3A_8, %get3A_9] : memref<1x1xf32, #tpu.memory_space<vmem>>, vector<1x1xf32>
    %get3A_11 = vector.extract %get3A_10[0, 0] : f32 from vector<1x1xf32>
    %add3A_12 = vector.broadcast %get3A_11 : f32 to vector<80x128xf32>
    %add3A_13 = arith.addf %mul3A, %add3A_12 : vector<80x128xf32>
    %iota3A = tpu.iota {dimensions = array<i32: 0>} : vector<80x128xi32>
    %mul3A_14 = arith.constant 128 : i32
    %mul3A_15 = vector.broadcast %mul3A_14 : i32 to vector<80x128xi32>
    %mul3A_16 = arith.muli %iota3A, %mul3A_15 : vector<80x128xi32>
    %iota3A_17 = tpu.iota {dimensions = array<i32: 1>} : vector<80x128xi32>
    %add3A_18 = arith.addi %mul3A_16, %iota3A_17 : vector<80x128xi32>
    %lt3A = arith.constant 10000 : i32
    %lt3A_19 = vector.broadcast %lt3A : i32 to vector<80x128xi32>
    %lt3A_20 = arith.cmpi slt, %add3A_18, %lt3A_19 : vector<80x128xi32>
    %jit3A = arith.constant 0xFF800000 : f32
    %broadcast_in_dim3A = vector.broadcast %jit3A : f32 to vector<80x128xf32>
    %select_n3A = arith.select %lt3A_20, %add3A_13, %broadcast_in_dim3A : vector<80x128xi1>, vector<80x128xf32>
    %bitcast_convert_type3A = tpu.bitcast %select_n3A : vector<80x128xf32> -> vector<80x128xi32>
    %shift_right_logical3A = arith.constant 31 : i32
    %shift_right_logical3A_21 = vector.broadcast %shift_right_logical3A : i32 to vector<80x128xi32>
    %shift_right_logical3A_22 = arith.shrui %bitcast_convert_type3A, %shift_right_logical3A_21 : vector<80x128xi32>
    %eq3A = arith.constant 1 : i32
    %eq3A_23 = vector.broadcast %eq3A : i32 to vector<80x128xi32>
    %eq3A_24 = arith.cmpi eq, %shift_right_logical3A_22, %eq3A_23 : vector<80x128xi32>
    %not3A = arith.constant dense<-1> : vector<80x128xi32>
    %not3A_25 = arith.xori %bitcast_convert_type3A, %not3A : vector<80x128xi32>
    %or3A = arith.constant -2147483648 : i32
    %or3A_26 = vector.broadcast %or3A : i32 to vector<80x128xi32>
    %or3A_27 = arith.ori %bitcast_convert_type3A, %or3A_26 : vector<80x128xi32>
    %select_n3A_28 = arith.select %eq3A_24, %not3A_25, %or3A_27 : vector<80x128xi1>, vector<80x128xi32>
    %scan3A = arith.constant 0 : i32
    %scan3A_29 = arith.constant -1 : i32
    %scan3A_30 = arith.constant 0 : i32
    %scan3A_31 = arith.constant 32 : i32
    %scan3A_32 = arith.addi %scan3A_30, %scan3A_31 : i32
    %scan3A_33 = arith.constant 1 : i32
    %scan3A_34:2 = scf.for %scan3A_77 = %scan3A_30 to %scan3A_32 step %scan3A_33 iter_args(%scan3A_78 = %scan3A, %scan3A_79 = %scan3A_29) -> (i32, i32)  : i32 {
      %sub3A_80 = arith.subi %scan3A_79, %scan3A_78 : i32
      %shift_right_logical3A_81 = arith.constant 1 : i32
      %shift_right_logical3A_82 = arith.shrui %sub3A_80, %shift_right_logical3A_81 : i32
      %add3A_83 = arith.addi %scan3A_78, %shift_right_logical3A_82 : i32
      %gt3A_84 = vector.broadcast %add3A_83 : i32 to vector<80x128xi32>
      %gt3A_85 = arith.cmpi ugt, %select_n3A_28, %gt3A_84 : vector<80x128xi32>
      %convert_element_type3A_86 = arith.extui %gt3A_85 : vector<80x128xi1> to vector<80x128xi32>
      %reduce_sum3A_87 = vector.shape_cast %convert_element_type3A_86 : vector<80x128xi32> to vector<1x80x128xi32>
      %reduce_sum3A_88 = arith.constant dense<0> : vector<1xi32>
      %reduce_sum3A_89 = vector.multi_reduction <add>, %reduce_sum3A_87, %reduce_sum3A_88 [1, 2] : vector<1x80x128xi32> to vector<1xi32>
      %reduce_sum3A_90 = vector.shape_cast %reduce_sum3A_89 : vector<1xi32> to vector<1x1x1xi32>
      %reduce_sum3A_91 = vector.extract %reduce_sum3A_90[0, 0, 0] : i32 from vector<1x1x1xi32>
      %lt3A_92 = arith.constant 5000 : i32
      %lt3A_93 = arith.cmpi slt, %reduce_sum3A_91, %lt3A_92 : i32
      %add3A_94 = arith.constant 1 : i32
      %add3A_95 = arith.addi %add3A_83, %add3A_94 : i32
      %select_n3A_96 = arith.select %lt3A_93, %scan3A_78, %add3A_95 : i32
      %select_n3A_97 = arith.select %lt3A_93, %add3A_83, %scan3A_79 : i32
      scf.yield %select_n3A_96, %select_n3A_97 : i32, i32
    }
    %gt3A = vector.broadcast %scan3A_34#0 : i32 to vector<80x128xi32>
    %gt3A_35 = arith.cmpi ugt, %select_n3A_28, %gt3A : vector<80x128xi32>
    %eq3A_36 = vector.broadcast %scan3A_34#0 : i32 to vector<80x128xi32>
    %eq3A_37 = arith.cmpi eq, %select_n3A_28, %eq3A_36 : vector<80x128xi32>
    %convert_element_type3A = arith.extui %gt3A_35 : vector<80x128xi1> to vector<80x128xi32>
    %reduce_sum3A = vector.shape_cast %convert_element_type3A : vector<80x128xi32> to vector<1x80x128xi32>
    %reduce_sum3A_38 = arith.constant dense<0> : vector<1xi32>
    %reduce_sum3A_39 = vector.multi_reduction <add>, %reduce_sum3A, %reduce_sum3A_38 [1, 2] : vector<1x80x128xi32> to vector<1xi32>
    %reduce_sum3A_40 = vector.shape_cast %reduce_sum3A_39 : vector<1xi32> to vector<1x1x1xi32>
    %reduce_sum3A_41 = vector.extract %reduce_sum3A_40[0, 0, 0] : i32 from vector<1x1x1xi32>
    %sub3A = arith.constant 5000 : i32
    %sub3A_42 = arith.subi %sub3A, %reduce_sum3A_41 : i32
    %convert_element_type3A_43 = arith.sitofp %sub3A_42 : i32 to f32
    %convert_element_type3A_44 = arith.extui %eq3A_37 : vector<80x128xi1> to vector<80x128xi32>
    %convert_element_type3A_45 = arith.sitofp %convert_element_type3A_44 : vector<80x128xi32> to vector<80x128xf32>
    %iota3A_46 = tpu.iota {dimensions = array<i32: 0>} : vector<128x128xi32>
    %iota3A_47 = tpu.iota {dimensions = array<i32: 1>} : vector<128x128xi32>
    %lt3A_48 = arith.cmpi slt, %iota3A_46, %iota3A_47 : vector<128x128xi32>
    %convert_element_type3A_49 = arith.extui %lt3A_48 : vector<128x128xi1> to vector<128x128xi32>
    %convert_element_type3A_50 = arith.sitofp %convert_element_type3A_49 : vector<128x128xi32> to vector<128x128xf32>
    %dot_general3A = arith.constant dense<0.000000e+00> : vector<80x128xf32>
    %dot_general3A_51 = tpu.matmul %convert_element_type3A_45, %convert_element_type3A_50, %dot_general3A {dimension_numbers = #tpu.dot_dimension_numbers<[1], [0], [0], [1], [0, 0, 1, 1], [], []>, transpose_lhs_hint = false} : vector<80x128xf32>, vector<128x128xf32>, vector<80x128xf32> -> vector<80x128xf32>
    %reduce_sum3A_52 = arith.constant dense<0.000000e+00> : vector<80xf32>
    %reduce_sum3A_53 = vector.multi_reduction <add>, %convert_element_type3A_45, %reduce_sum3A_52 [1] : vector<80x128xf32> to vector<80xf32>
    %broadcast_in_dim3A_54 = vector.shape_cast %reduce_sum3A_53 : vector<80xf32> to vector<80x1xf32>
    %iota3A_55 = tpu.iota {dimensions = array<i32: 1>} : vector<80x80xi32>
    %iota3A_56 = tpu.iota {dimensions = array<i32: 0>} : vector<80x80xi32>
    %lt3A_57 = arith.cmpi slt, %iota3A_55, %iota3A_56 : vector<80x80xi32>
    %convert_element_type3A_58 = arith.extui %lt3A_57 : vector<80x80xi1> to vector<80x80xi32>
    %convert_element_type3A_59 = arith.sitofp %convert_element_type3A_58 : vector<80x80xi32> to vector<80x80xf32>
    %dot_general3A_60 = arith.constant dense<0.000000e+00> : vector<80x1xf32>
    %dot_general3A_61 = tpu.matmul %convert_element_type3A_59, %broadcast_in_dim3A_54, %dot_general3A_60 {dimension_numbers = #tpu.dot_dimension_numbers<[1], [0], [0], [1], [0, 0, 1, 1], [], []>, transpose_lhs_hint = false} : vector<80x80xf32>, vector<80x1xf32>, vector<80x1xf32> -> vector<80x1xf32>
    %add3A_62 = vector.broadcast %dot_general3A_61 : vector<80x1xf32> to vector<80x128xf32>
    %add3A_63 = arith.addf %add3A_62, %dot_general3A_51 : vector<80x128xf32>
    %lt3A_64 = vector.broadcast %convert_element_type3A_43 : f32 to vector<80x128xf32>
    %lt3A_65 = arith.cmpf olt, %add3A_63, %lt3A_64 : vector<80x128xf32>
    %and3A = arith.andi %eq3A_37, %lt3A_65 : vector<80x128xi1>
    %or3A_66 = arith.ori %gt3A_35, %and3A : vector<80x128xi1>
    %tanh3A = math.tanh %select_n3A : vector<80x128xf32>
    %jit3A_67 = arith.constant 0.000000e+00 : f32
    %broadcast_in_dim3A_68 = vector.broadcast %jit3A_67 : f32 to vector<80x128xf32>
    %select_n3A_69 = arith.select %or3A_66, %tanh3A, %broadcast_in_dim3A_68 : vector<80x128xi1>, vector<80x128xf32>
    %swap3A = arith.constant 0 : index
    %swap3A_70 = arith.constant 0 : index
    %swap3A_71 = vector.load %arg4[%swap3A, %swap3A_70] : memref<80x128xf32, #tpu.memory_space<vmem>>, vector<80x128xf32>
    tpu.vector_store %arg4[%swap3A, %swap3A_70], %select_n3A_69 {strides = array<i32>} : memref<80x128xf32, #tpu.memory_space<vmem>>, vector<80x128xf32>,
    %convert_element_type3A_72 = arith.extui %or3A_66 : vector<80x128xi1> to vector<80x128xi32>
    %convert_element_type3A_73 = arith.sitofp %convert_element_type3A_72 : vector<80x128xi32> to vector<80x128xf32>
    %swap3A_74 = arith.constant 0 : index
    %swap3A_75 = arith.constant 0 : index
    %swap3A_76 = vector.load %arg5[%swap3A_74, %swap3A_75] : memref<80x128xf32, #tpu.memory_space<vmem>>, vector<80x128xf32>
    tpu.vector_store %arg5[%swap3A_74, %swap3A_75], %convert_element_type3A_73 {strides = array<i32>} : memref<80x128xf32, #tpu.memory_space<vmem>>, vector<80x128xf32>,
    return
  }
}

module attributes {stable_mosaic.version = 14 : i64} {
  func.func @body(%arg0: memref<10240x128xf32, #tpu.memory_space<vmem>>, %arg1: memref<10240x128xf32, #tpu.memory_space<vmem>>, %arg2: memref<10240x128xf32, #tpu.memory_space<vmem>>, %arg3: memref<10240x1xf32, #tpu.memory_space<vmem>>, %arg4: memref<10240x1xf32, #tpu.memory_space<vmem>>, %arg5: memref<768x128xf32, #tpu.memory_space<vmem>>, %arg6: memref<1x128xf32, #tpu.memory_space<vmem>>, %arg7: memref<128x128xf32, #tpu.memory_space<vmem>>, %arg8: memref<1x128xf32, #tpu.memory_space<vmem>>, %arg9: memref<128x10xf32, #tpu.memory_space<vmem>>, %arg10: memref<1x10xf32, #tpu.memory_space<vmem>>, %arg11: memref<1x10xf32, #tpu.memory_space<vmem>>, %arg12: memref<1x128xf32, #tpu.memory_space<vmem>>) attributes {dimension_semantics = [], scalar_prefetch = 0 : i64, scratch_operands = 0 : i64, tpu.core_type = #tpu.core_type<tc>} {
    %get3A = arith.constant 0 : index
    %get3A_0 = arith.constant 0 : index
    %get3A_1 = vector.load %arg3[%get3A, %get3A_0] : memref<10240x1xf32, #tpu.memory_space<vmem>>, vector<10240x1xf32>
    %get3A_2 = arith.constant 0 : index
    %get3A_3 = arith.constant 0 : index
    %get3A_4 = vector.load %arg4[%get3A_2, %get3A_3] : memref<10240x1xf32, #tpu.memory_space<vmem>>, vector<10240x1xf32>
    %gt3A = arith.constant 0.000000e+00 : f32
    %gt3A_5 = vector.broadcast %gt3A : f32 to vector<10240x1xf32>
    %gt3A_6 = arith.cmpf ogt, %get3A_4, %gt3A_5 : vector<10240x1xf32>
    %get3A_7 = arith.constant 0 : index
    %get3A_8 = arith.constant 0 : index
    %get3A_9 = vector.load %arg0[%get3A_7, %get3A_8] : memref<10240x128xf32, #tpu.memory_space<vmem>>, vector<10240x128xf32>
    %mul3A = vector.broadcast %get3A_1 : vector<10240x1xf32> to vector<10240x128xf32>
    %mul3A_10 = arith.mulf %get3A_9, %mul3A : vector<10240x128xf32>
    %reduce_sum3A = arith.constant dense<0.000000e+00> : vector<128xf32>
    %reduce_sum3A_11 = vector.multi_reduction <add>, %mul3A_10, %reduce_sum3A [0] : vector<10240x128xf32> to vector<128xf32>
    %broadcast_in_dim3A = vector.shape_cast %reduce_sum3A_11 : vector<128xf32> to vector<1x128xf32>
    %mul3A_12 = arith.constant 2.000000e-04 : f32
    %mul3A_13 = vector.broadcast %mul3A_12 : f32 to vector<1x128xf32>
    %mul3A_14 = arith.mulf %broadcast_in_dim3A, %mul3A_13 : vector<1x128xf32>
    %jit3A = arith.constant -3.400000e+38 : f32
    %broadcast_in_dim3A_15 = vector.shape_cast %gt3A_6 : vector<10240x1xi1> to vector<10240x1xi1>
    %broadcast_in_dim3A_16 = vector.broadcast %broadcast_in_dim3A_15 : vector<10240x1xi1> to vector<10240x128xi1>
    %broadcast_in_dim3A_17 = vector.broadcast %jit3A : f32 to vector<10240x128xf32>
    %select_n3A = arith.select %broadcast_in_dim3A_16, %mul3A_10, %broadcast_in_dim3A_17 : vector<10240x128xi1>, vector<10240x128xf32>
    %reduce_max3A = arith.constant dense<0xFF800000> : vector<128xf32>
    %reduce_max3A_18 = vector.multi_reduction <maximumf>, %select_n3A, %reduce_max3A [0] : vector<10240x128xf32> to vector<128xf32>
    %broadcast_in_dim3A_19 = vector.shape_cast %reduce_max3A_18 : vector<128xf32> to vector<1x128xf32>
    %get3A_20 = arith.constant 0 : index
    %get3A_21 = arith.constant 0 : index
    %get3A_22 = vector.load %arg1[%get3A_20, %get3A_21] : memref<10240x128xf32, #tpu.memory_space<vmem>>, vector<10240x128xf32>
    %mul3A_23 = vector.broadcast %get3A_1 : vector<10240x1xf32> to vector<10240x128xf32>
    %mul3A_24 = arith.mulf %get3A_22, %mul3A_23 : vector<10240x128xf32>
    %reduce_sum3A_25 = arith.constant dense<0.000000e+00> : vector<128xf32>
    %reduce_sum3A_26 = vector.multi_reduction <add>, %mul3A_24, %reduce_sum3A_25 [0] : vector<10240x128xf32> to vector<128xf32>
    %broadcast_in_dim3A_27 = vector.shape_cast %reduce_sum3A_26 : vector<128xf32> to vector<1x128xf32>
    %mul3A_28 = arith.constant 2.000000e-04 : f32
    %mul3A_29 = vector.broadcast %mul3A_28 : f32 to vector<1x128xf32>
    %mul3A_30 = arith.mulf %broadcast_in_dim3A_27, %mul3A_29 : vector<1x128xf32>
    %jit3A_31 = arith.constant -3.400000e+38 : f32
    %broadcast_in_dim3A_32 = vector.shape_cast %gt3A_6 : vector<10240x1xi1> to vector<10240x1xi1>
    %broadcast_in_dim3A_33 = vector.broadcast %broadcast_in_dim3A_32 : vector<10240x1xi1> to vector<10240x128xi1>
    %broadcast_in_dim3A_34 = vector.broadcast %jit3A_31 : f32 to vector<10240x128xf32>
    %select_n3A_35 = arith.select %broadcast_in_dim3A_33, %mul3A_24, %broadcast_in_dim3A_34 : vector<10240x128xi1>, vector<10240x128xf32>
    %reduce_max3A_36 = arith.constant dense<0xFF800000> : vector<128xf32>
    %reduce_max3A_37 = vector.multi_reduction <maximumf>, %select_n3A_35, %reduce_max3A_36 [0] : vector<10240x128xf32> to vector<128xf32>
    %broadcast_in_dim3A_38 = vector.shape_cast %reduce_max3A_37 : vector<128xf32> to vector<1x128xf32>
    %get3A_39 = arith.constant 0 : index
    %get3A_40 = arith.constant 0 : index
    %get3A_41 = vector.load %arg2[%get3A_39, %get3A_40] : memref<10240x128xf32, #tpu.memory_space<vmem>>, vector<10240x128xf32>
    %mul3A_42 = vector.broadcast %get3A_1 : vector<10240x1xf32> to vector<10240x128xf32>
    %mul3A_43 = arith.mulf %get3A_41, %mul3A_42 : vector<10240x128xf32>
    %reduce_sum3A_44 = arith.constant dense<0.000000e+00> : vector<128xf32>
    %reduce_sum3A_45 = vector.multi_reduction <add>, %mul3A_43, %reduce_sum3A_44 [0] : vector<10240x128xf32> to vector<128xf32>
    %broadcast_in_dim3A_46 = vector.shape_cast %reduce_sum3A_45 : vector<128xf32> to vector<1x128xf32>
    %mul3A_47 = arith.constant 2.000000e-04 : f32
    %mul3A_48 = vector.broadcast %mul3A_47 : f32 to vector<1x128xf32>
    %mul3A_49 = arith.mulf %broadcast_in_dim3A_46, %mul3A_48 : vector<1x128xf32>
    %jit3A_50 = arith.constant -3.400000e+38 : f32
    %broadcast_in_dim3A_51 = vector.shape_cast %gt3A_6 : vector<10240x1xi1> to vector<10240x1xi1>
    %broadcast_in_dim3A_52 = vector.broadcast %broadcast_in_dim3A_51 : vector<10240x1xi1> to vector<10240x128xi1>
    %broadcast_in_dim3A_53 = vector.broadcast %jit3A_50 : f32 to vector<10240x128xf32>
    %select_n3A_54 = arith.select %broadcast_in_dim3A_52, %mul3A_43, %broadcast_in_dim3A_53 : vector<10240x128xi1>, vector<10240x128xf32>
    %reduce_max3A_55 = arith.constant dense<0xFF800000> : vector<128xf32>
    %reduce_max3A_56 = vector.multi_reduction <maximumf>, %select_n3A_54, %reduce_max3A_55 [0] : vector<10240x128xf32> to vector<128xf32>
    %broadcast_in_dim3A_57 = vector.shape_cast %reduce_max3A_56 : vector<128xf32> to vector<1x128xf32>
    %concatenate3A = tpu.concatenate %mul3A_14, %mul3A_30, %mul3A_49, %broadcast_in_dim3A_19, %broadcast_in_dim3A_38, %broadcast_in_dim3A_57 in 1 : vector<1x128xf32>, vector<1x128xf32>, vector<1x128xf32>, vector<1x128xf32>, vector<1x128xf32>, vector<1x128xf32> -> vector<1x768xf32>
    %get3A_58 = arith.constant 0 : index
    %get3A_59 = arith.constant 0 : index
    %get3A_60 = vector.load %arg5[%get3A_58, %get3A_59] : memref<768x128xf32, #tpu.memory_space<vmem>>, vector<768x128xf32>
    %dot_general3A = arith.constant dense<0.000000e+00> : vector<1x128xf32>
    %dot_general3A_61 = tpu.matmul %concatenate3A, %get3A_60, %dot_general3A {dimension_numbers = #tpu.dot_dimension_numbers<[1], [0], [0], [1], [0, 0, 1, 1], [], []>, transpose_lhs_hint = false} : vector<1x768xf32>, vector<768x128xf32>, vector<1x128xf32> -> vector<1x128xf32>
    %get3A_62 = arith.constant 0 : index
    %get3A_63 = arith.constant 0 : index
    %get3A_64 = vector.load %arg6[%get3A_62, %get3A_63] : memref<1x128xf32, #tpu.memory_space<vmem>>, vector<1x128xf32>
    %add3A = arith.addf %dot_general3A_61, %get3A_64 : vector<1x128xf32>
    %max3A = arith.constant 0.000000e+00 : f32
    %max3A_65 = vector.broadcast %max3A : f32 to vector<1x128xf32>
    %max3A_66 = arith.maximumf %add3A, %max3A_65 : vector<1x128xf32>
    %get3A_67 = arith.constant 0 : index
    %get3A_68 = arith.constant 0 : index
    %get3A_69 = vector.load %arg7[%get3A_67, %get3A_68] : memref<128x128xf32, #tpu.memory_space<vmem>>, vector<128x128xf32>
    %dot_general3A_70 = arith.constant dense<0.000000e+00> : vector<1x128xf32>
    %dot_general3A_71 = tpu.matmul %max3A_66, %get3A_69, %dot_general3A_70 {dimension_numbers = #tpu.dot_dimension_numbers<[1], [0], [0], [1], [0, 0, 1, 1], [], []>, transpose_lhs_hint = false} : vector<1x128xf32>, vector<128x128xf32>, vector<1x128xf32> -> vector<1x128xf32>
    %get3A_72 = arith.constant 0 : index
    %get3A_73 = arith.constant 0 : index
    %get3A_74 = vector.load %arg8[%get3A_72, %get3A_73] : memref<1x128xf32, #tpu.memory_space<vmem>>, vector<1x128xf32>
    %add3A_75 = arith.addf %dot_general3A_71, %get3A_74 : vector<1x128xf32>
    %max3A_76 = arith.constant 0.000000e+00 : f32
    %max3A_77 = vector.broadcast %max3A_76 : f32 to vector<1x128xf32>
    %max3A_78 = arith.maximumf %add3A_75, %max3A_77 : vector<1x128xf32>
    %get3A_79 = arith.constant 0 : index
    %get3A_80 = arith.constant 0 : index
    %get3A_81 = vector.load %arg9[%get3A_79, %get3A_80] : memref<128x10xf32, #tpu.memory_space<vmem>>, vector<128x10xf32>
    %dot_general3A_82 = arith.constant dense<0.000000e+00> : vector<1x10xf32>
    %dot_general3A_83 = tpu.matmul %max3A_78, %get3A_81, %dot_general3A_82 {dimension_numbers = #tpu.dot_dimension_numbers<[1], [0], [0], [1], [0, 0, 1, 1], [], []>, transpose_lhs_hint = false} : vector<1x128xf32>, vector<128x10xf32>, vector<1x10xf32> -> vector<1x10xf32>
    %get3A_84 = arith.constant 0 : index
    %get3A_85 = arith.constant 0 : index
    %get3A_86 = vector.load %arg10[%get3A_84, %get3A_85] : memref<1x10xf32, #tpu.memory_space<vmem>>, vector<1x10xf32>
    %add3A_87 = arith.addf %dot_general3A_83, %get3A_86 : vector<1x10xf32>
    %reduce_max3A_88 = arith.constant dense<0xFF800000> : vector<1xf32>
    %reduce_max3A_89 = vector.multi_reduction <maximumf>, %add3A_87, %reduce_max3A_88 [1] : vector<1x10xf32> to vector<1xf32>
    %broadcast_in_dim3A_90 = vector.shape_cast %reduce_max3A_89 : vector<1xf32> to vector<1x1xf32>
    %sub3A = vector.broadcast %broadcast_in_dim3A_90 : vector<1x1xf32> to vector<1x10xf32>
    %sub3A_91 = arith.subf %add3A_87, %sub3A : vector<1x10xf32>
    %exp3A = math.exp %sub3A_91 : vector<1x10xf32>
    %reduce_sum3A_92 = arith.constant dense<0.000000e+00> : vector<1xf32>
    %reduce_sum3A_93 = vector.multi_reduction <add>, %exp3A, %reduce_sum3A_92 [1] : vector<1x10xf32> to vector<1xf32>
    %broadcast_in_dim3A_94 = vector.shape_cast %reduce_sum3A_93 : vector<1xf32> to vector<1x1xf32>
    %log3A = math.log %broadcast_in_dim3A_94 : vector<1x1xf32>
    %sub3A_95 = vector.broadcast %log3A : vector<1x1xf32> to vector<1x10xf32>
    %sub3A_96 = arith.subf %sub3A_91, %sub3A_95 : vector<1x10xf32>
    %swap3A = arith.constant 0 : index
    %swap3A_97 = arith.constant 0 : index
    %swap3A_98 = vector.load %arg11[%swap3A, %swap3A_97] : memref<1x10xf32, #tpu.memory_space<vmem>>, vector<1x10xf32>
    tpu.vector_store %arg11[%swap3A, %swap3A_97], %sub3A_96 {strides = array<i32>} : memref<1x10xf32, #tpu.memory_space<vmem>>, vector<1x10xf32>,
    %swap3A_99 = arith.constant 0 : index
    %swap3A_100 = arith.constant 0 : index
    %swap3A_101 = vector.load %arg12[%swap3A_99, %swap3A_100] : memref<1x128xf32, #tpu.memory_space<vmem>>, vector<1x128xf32>
    tpu.vector_store %arg12[%swap3A_99, %swap3A_100], %max3A_78 {strides = array<i32>} : memref<1x128xf32, #tpu.memory_space<vmem>>, vector<1x128xf32>,
    return
  }
}

</mosaic_0001>

<sc_bundles>
// kernel: kernel.14.cloned.1.call-start
scs
__scs_entry_jumppad:
0x0: {  	(pc) =	sbr.rel $0x88, $3  }
0x1: {  	(tag) =	ssettag $0x0;
	lr =	simm.s32 $0x1  }
0x2: {  	[smem:$0x3F91] =	sst lr;
	_ =	strace $0xD0000000  }
0x3: {  	_ = 	snop  }
0x4: {  	_ = 	snop  }
0x5: {  	_ = 	snop  }
0x6: {  	_ = 	snop  }
0x7: {  	_ = 	snop  }
__scs_overlays_trampoline_lowered:
0x8: {  	[smem:$0x3FA0] =	sst s0  }
0x9: {  	[smem:$0x3FA1] =	sst s1  }
0xa: {  	[smem:$0x3FA2] =	sst s2  }
0xb: {  	[smem:$0x3FA3] =	sst s3  }
0xc: {  	[smem:$0x3FA4] =	sst s4  }
0xd: {  	[smem:$0x3FA5] =	sst s5  }
0xe: {  	[smem:$0x3FA6] =	sst s6  }
0xf: {  	[smem:$0x3FA7] =	sst s7  }
0x10: {  	[smem:$0x3FA8] =	sst s8  }
0x11: {  	[smem:$0x3FA9] =	sst s9;
	s0 =	simm.s32 @!p0 $0x0  }
0x12: {  	s1 =	sld [smem:$0x3F8F];
	s0 =	simm.s32 @p0 $0x1  }
0x13: {  	[smem:$0x3FAA] =	sst s0;
	s0 =	simm.s32 @!p1 $0x0  }
0x14: {  	s2 =	sld [smem:$0x3F8E];
	s0 =	simm.s32 @p1 $0x1  }
0x15: {  	[smem:$0x3FAB] =	sst s0;
	s0 =	simm.s32 @!p2 $0x0  }
0x16: {  	s3 =	sld [smem:$0x3FDB];
	s0 =	simm.s32 @p2 $0x1  }
0x17: {  	s4 =	simm.s32 $0x1BF5;
	[smem:$0x3FAD] =	sst s0  }
0x18: {  	s0 =	sld [smem:$0x3F90];
	_ =	swait.ge [sflag:s4], $0x0  }
0x19: {  	s7 =	sld [smem:$0x3F91]  }
0x1a: {  	s8 =	sadd.s32 $0xFFFFE003, lr  }
0x1b: {  	s9 =	sadd.s32 $0xFFFFFEF7, lr;
	s5 =	simm.s32 $0xFFFFFFFF;
	p2 =	slt.u32 s8, $0xFFFFF086  }
0x1c: {  	p1 =	slt.u32 s9, $0xF7A;
	s5 =	simm.s32 @!p2 $0x0  }
0x1d: {  	s5 =	simm.s32 @p1 $0x1;
	p0 =	seq.s32 s7, s2  }
0x1e: {  	s7 =	smul.u32 @!p0 $0xF7A, s2;
	p2 =	seq.s32 @!p0 s5, $0x0  }
0x1f: {  	s9 =	smul.u32 $0xF7A, s1;
	s8 =	simm.s32 @!p0 $0x1BF5;
	p2 =	por !p2, p0  }
0x20: {  	[sflag:s8] =	ssyncset.s32 @!p0 $0xFFFFF086;
	s6 =	sadd.s32 @!p0 s3, s7;
	s7 =	simm.s32 @!p0 $0x108  }
0x21: {  	s3 =	sadd.s32 s3, s9;
	s6 =	sadd.s32 @!p0 $0x88, s6;
	s7 =	simm.s32 @p2 $0x1082  }
0x22: {  	[simem:s7], [sflag:s8] =	dma.local @!p0 [hbm:s6], $0xF7A  }
0x23: {  	s9 =	sor.u32 $0xD0000000, s2;
	s6 =	simm.s32 $0x108;
	_ =	swait.ge @!p0 [sflag:s8], $0x0  }
0x24: {  	s3 =	sadd.s32 $0x88, s3;
	s6 =	simm.s32 @!p1 $0x1082;
	[sflag:s4] =	ssyncset.s32 $0xFFFFF086  }
0x25: {  	[simem:s6], [sflag:s4] =	dma.local [hbm:s3], $0xF7A  }
0x26: {  	[smem:$0x3F91] =	sst s1;
	(tag) =	ssettag s2;
	_ =	strace s9  }
0x27: {  	s1 =	sld [smem:$0x3FA1]  }
0x28: {  	s2 =	sld [smem:$0x3FA2]  }
0x29: {  	s4 =	sld [smem:$0x3FA4]  }
0x2a: {  	p0 =	seq.s32 s5, $0x0;
	s5 =	sld [smem:$0x3FA5]  }
0x2b: {  	s6 =	sld [smem:$0x3FA6]  }
0x2c: {  	s7 =	sld [smem:$0x3FA7]  }
0x2d: {  	s3 =	simm.s32 $0x108;
	s8 =	sld [smem:$0x3FA8]  }
0x2e: {  	s3 =	simm.s32 @!p0 $0x1082;
	s9 =	sld [smem:$0x3FA9]  }
0x2f: {  	lr =	sadd.s32 s0, s3;
	s0 =	sld [smem:$0x3FA0]  }
0x30: {  	s3 =	sld [smem:$0x3FA3]  }
0x31: {  	[smem:$0x3FAC] =	sst s10  }
0x32: {  	s10 =	sld [smem:$0x3FAA];
	_ =	sdelay $0x3  }
0x33: {  	p0 =	seq.s32 s10, $0x1;
	s10 =	sld [smem:$0x3FAC];
	_ =	sdelay $0x3  }
0x34: {  	[smem:$0x3FAC] =	sst s10  }
0x35: {  	s10 =	sld [smem:$0x3FAB];
	_ =	sdelay $0x3  }
0x36: {  	p1 =	seq.s32 s10, $0x1;
	s10 =	sld [smem:$0x3FAC];
	_ =	sdelay $0x3  }
0x37: {  	[smem:$0x3FAC] =	sst s10  }
0x38: {  	s10 =	sld [smem:$0x3FAD]  }
0x39: {  	_ = 	snop;
	(pc) =	sbr.ind lr, $3  }
0x3a: {  	_ = 	snop  }
0x3b: {  	_ = 	snop  }
0x3c: {  	p2 =	seq.s32 s10, $0x1;
	s10 =	sld [smem:$0x3FAC]  }
0x3d: {  	_ =	shalt  }
0x3e: {  	_ =	shalt  }
0x3f: {  	_ =	shalt  }
0x40: {  	_ =	shalt  }
0x41: {  	_ =	shalt  }
0x42: {  	_ =	shalt  }
0x43: {  	_ =	shalt  }
0x44: {  	_ =	shalt  }
0x45: {  	_ =	shalt  }
0x46: {  	_ =	shalt  }
0x47: {  	_ =	shalt  }
0x48: {  	_ =	shalt  }
0x49: {  	_ =	shalt  }
0x4a: {  	_ =	shalt  }
0x4b: {  	_ =	shalt  }
0x4c: {  	_ =	shalt  }
0x4d: {  	_ =	shalt  }
0x4e: {  	_ =	shalt  }
0x4f: {  	_ =	shalt  }
0x50: {  	_ =	shalt  }
0x51: {  	_ =	shalt  }
0x52: {  	_ =	shalt  }
0x53: {  	_ =	shalt  }
0x54: {  	_ =	shalt  }
0x55: {  	_ =	shalt  }
0x56: {  	_ =	shalt  }
0x57: {  	_ =	shalt  }
0x58: {  	_ =	shalt  }
0x59: {  	_ =	shalt  }
0x5a: {  	_ =	shalt  }
0x5b: {  	_ =	shalt  }
0x5c: {  	_ =	shalt  }
0x5d: {  	_ =	shalt  }
0x5e: {  	_ =	shalt  }
0x5f: {  	_ =	shalt  }
0x60: {  	_ =	shalt  }
0x61: {  	_ =	shalt  }
0x62: {  	_ =	shalt  }
0x63: {  	_ =	shalt  }
0x64: {  	_ =	shalt  }
0x65: {  	_ =	shalt  }
0x66: {  	_ =	shalt  }
0x67: {  	_ =	shalt  }
0x68: {  	_ =	shalt  }
0x69: {  	_ =	shalt  }
0x6a: {  	_ =	shalt  }
0x6b: {  	_ =	shalt  }
0x6c: {  	_ =	shalt  }
0x6d: {  	_ =	shalt  }
0x6e: {  	_ =	shalt  }
0x6f: {  	_ =	shalt  }
0x70: {  	_ =	shalt  }
0x71: {  	_ =	shalt  }
0x72: {  	_ =	shalt  }
0x73: {  	_ =	shalt  }
0x74: {  	_ =	shalt  }
0x75: {  	_ =	shalt  }
0x76: {  	_ =	shalt  }
0x77: {  	_ =	shalt  }
0x78: {  	_ =	shalt  }
0x79: {  	_ =	shalt  }
0x7a: {  	_ =	shalt  }
0x7b: {  	_ =	shalt  }
0x7c: {  	_ =	shalt  }
0x7d: {  	_ =	shalt  }
0x7e: {  	_ =	shalt  }
0x7f: {  	_ =	shalt  }
0x80: {  	_ =	shalt  }
0x81: {  	_ =	shalt  }
0x82: {  	_ =	shalt  }
0x83: {  	_ =	shalt  }
0x84: {  	_ =	shalt  }
0x85: {  	_ =	shalt  }
0x86: {  	_ =	shalt  }
0x87: {  	_ =	shalt  }
.Lfunc_end0:
.L_simem_size_0:
called_computation_lowered:
.L_overlay_start_0:
0x88: {  	s2 =	sld [smem:$0x3FD9]  }
0x89: {  	s3 =	sld [smem:$0x3FFE];
	_ =	sdelay $0x1  }
0x8a: {  	s1 =	srdreg.scid  }
0x8b: {  	s0 =	sand.u32 $0x1, s1  }
0x8c: {  	s16 =	sshll.u32 s0, $0xA;
	s2 =	sadd.s32 s3, s2  }
0x8d: {  	s2 =	sadd.s32 s2, s16  }
0x8e: {  	[smem:$0x3FB8] =	sst s2  }
0x8f: {  	_ = 	snop  }
0x90: {  	(tm) =	ssettm $0x1  }
0x91: {  	s17 =	sld [smem:$0x3FFB];
	_ =	sdelay $0x3  }
0x92: {  	_ =	strace s17  }
0x93: {  	s2 =	sld [smem:$0x3FFC];
	_ =	sdelay $0x3  }
0x94: {  	_ =	strace s2  }
0x95: {  	s2 =	sld [smem:$0x3FFD];
	_ =	sdelay $0x3  }
0x96: {  	_ =	strace s2  }
0x97: {  	_ =	strace $0x8FFFFFFF  }
0x98: {  	s18 =	sld [smem:$0x3FDB];
	_ =	sdelay $0x1  }
0x99: {  	s19 =	simm.s32 $_scs_section_size  }
0x9a: {  	s4 =	simm.s32 $_size__tile_overlayer_lowered;
	s5 =	simm.s32 $_tile_overlayer_lowered  }
0x9b: {  	s22 =	simm.s32 $0x1BFF;
	s21 =	sshll.u32 s5, $0x1;
	s2 =	sadd.s32 s19, s18  }
0x9c: {  	s6 =	simm.s32 $0x0;
	s20 =	sshll.u32 s4, $0x1;
	s4 =	sadd.s32 s21, s2  }
0x9d: {  	[timem:s6], [sflag:s22] =	dma.local [hbm:s4], s20  }
0x9e: {  	_ =	swait.ge [sflag:s22], s20  }
0x9f: {  	s3 =	ssub.s32 $0x0, s20;
	[sflag:s22] =	ssyncset.done $0x0  }
0xa0: {  	[sflag:s22] =	ssyncadd.s32 s3;
	_ =	sdelay $0x1  }
0xa1: {  	s23 =	simm.s32 $0x1B8B  }
0xa2: {  	_ =	swait.ge [sflag:s23], $0x1  }
0xa3: {  	[sflag:s23] =	ssyncset.done $0x0  }
0xa4: {  	s25 =	simm.s32 $0x1B8E;
	s24 =	sld [smem:$0x3FFE];
	[sflag:s23] =	ssyncadd.s32 $0xFFFFFFFF  }
0xa5: {  	s26 =	simm.s32 $execute0_lowered;
	[smem:$0x3FD2] =	sst s25  }
0xa6: {  	s4 =	sshll.u32 s26, $0x1;
	_ =	strace $0x80000046;
	[dreg:$0x1] =	wrdreg $0xFFFFFFFF  }
0xa7: {  	s28 =	simm.s32 $_size_execute0_lowered;
	s2 =	sadd.s32 s2, s4;
	[dreg:$0x0] =	wrdreg $0x0  }
0xa8: {  	s4 =	sshll.u32 s28, $0x1;
	[dreg:$0x2] =	wrdreg s2  }
0xa9: {  	[dreg:$0x3] =	wrdreg s4  }
0xaa: {  	[dreg:$0x4] =	wrdreg $0xC0  }
0xab: {  	_ =	task [dreg:s6], $0x5FFFF  }
0xac: {  	[dreg:$0x1] =	wrdreg $0xFFFFFFFF  }
0xad: {  	[dreg:$0x0] =	wrdreg $0x60  }
0xae: {  	[dreg:$0x2] =	wrdreg s24  }
0xaf: {  	[dreg:$0x3] =	wrdreg $0x50A00  }
0xb0: {  	[dreg:$0x4] =	wrdreg $0x64A00  }
0xb1: {  	[dreg:$0x5] =	wrdreg $0x9  }
0xb2: {  	_ =	task.clear_ibuf [dreg:s6], $0x6FFFF;
	_ =	strace $0x90000046  }
0xb3: {  	s29 =	simm.s32 $0x9;
	_ =	strace $0x80000048  }
0xb4: {  	_ =	swait.ge [sflag:s29], $0x1  }
0xb5: {  	[sflag:s29] =	ssyncadd.s32 $0xFFFFFFFF  }
0xb6: {  	_ =	strace $0x90000048  }
0xb7: {  	_ =	sfence  }
0xb8: {  	s30 =	sld [smem:$0x0];
	_ =	sdelay $0x2  }
0xb9: {  	s31 =	sshll.u32 s1, $0xD;
	s1 =	sshrl.u32 s1, $0x2  }
0xba: {  	s3 =	sand.u32 $0x4000, s31;
	s1 =	sadd.s32 s1, s30  }
0xbb: {  	s0 =	sor.u32 s3, s0;
	s1 =	sshll.u32 s1, $0x11  }
0xbc: {  	s0 =	sor.u32 s1, s0  }
0xbd: {  	s0 =	sadd.s32 $0x8F2B, s0  }
0xbe: {  	[sflag:s0] =	ssyncadd.remote.s32 $0x1  }
0xbf: {  	_ =	sfence.sel $0xFFFF  }
0xc0: {  	[dreg:$0x0] =	wrdreg $0xFFFFFFFF;
	(pc) =	sbr.abs _section_cstart, $3  }
0xc1: {  	[dreg:$0x1] =	wrdreg $0xFFFFFFFF  }
0xc2: {  	_ =	task.clear_ibuf [dreg:s6], $0x2FFFF;
	_ =	strace $0x9FFFFFFF  }
0xc3: {  	(tm) =	ssettm $0x7FFFFFFF  }
tec
execute0_lowered:
.L_overlay_start_1:
0x0: {  	(tag) =	ssettag $0x1  }
0x1: {  	s7 =	rddreg [dreg:$0x0]  }
0x2: {  	s0 =	srdreg.scid;
	s2 =	rddreg [dreg:$0x1]  }
0x3: {  	s3 =	rddreg [dreg:$0x2];
	s4 =	simm.s32 $0x0;
	s17 =	simm.s32 $0x2710  }
0x4: {  	s18 =	simm.s32 $0x50;
	s6 =	sand.u32 $0x1, s0;
	s0 =	stileid.u32  }
0x5: {  	s19 =	simm.s32 $0x0;
	[smem:$0x7FF] =	sst s4;
	s8 =	smul.u32 $0x1400, s0  }
0x6: {  	s1 =	sshll.u32 s6, $0x4;
	s9 =	smul.u32 $0x14000, s6;
	s6 =	ssub.s32 $0x2, s6  }
0x7: {  	s14 =	sshll.u32 s0, $0x6;
	s1 =	sor.u32 s0, s1;
	s31 =	sshrl.u32 s6, $0x1  }
0x8: {  	s14 =	sor.u32 $0x1C01, s14;
	s5 =	smul.u32 $0x4E2, s1;
	s1 =	rddreg [dreg:$0x3]  }
0x9: {  	_ =	strace $0x80000047;
	s9 =	sadd.s32 s8, s9;
	s11 =	sshrl.u32 s8, $0x3  }
0xa: {  	s13 =	ssub.s32 s6, s31;
	s15 =	sadd.s32 s8, s2;
	s16 =	sadd.s32 s8, s3  }
0xb: {  	s9 =	sshrl.u32 s9, $0x3;
	s11 =	sadd.s32 s11, s7;
	s15 =	sshrl.u32 s15, $0x3  }
0xc: {  	s16 =	sshrl.u32 s16, $0x3;
	s10 =	sadd.s32 s5, s7;
	s5 =	sadd.s32 $0x16E00, s7  }
0xd: {  	s12 =	sadd.s32 s9, s7;
	s6 =	sadd.s32 $0x17000, s11;
	s11 =	smax.u32 s13, $0x1  }
0xe: {  	s13 =	simm.s32 $0x1;
	s7 =	sadd.s32 $0xD000, s10;
	s8 =	sadd.s32 $0x3200, s10  }
0xf: {  	s9 =	sadd.s32 $0x19800, s12;
	s10 =	sadd.s32 $0x1E800, s12;
	s12 =	simm.s32 $0x4E20  }
.LBB2_1:
0x10: {  	[tilespmem:s12], [sflag:$0x1] =	stream.linear.gather [hbm4b:s5+s4], $0x280, $0x38;
	[tilespmem:$0x78A0] =	vst v63  }
0x11: {  	_ =	swait.ge [sflag:s13], $0x280  }
0x12: {  	[sflag:s13] =	ssyncset.done $0x0  }
0x13: {  	[sflag:s13] =	ssyncadd.s32 $0xFFFFFD80  }
0x14: {  	[spmem:s15], [sflag:s14] =	dma.local [hbm:s6], $0x280  }
0x15: {  	_ =	swait.ge [sflag:s13], $0x280  }
0x16: {  	[sflag:s13] =	ssyncset.done $0x0  }
0x17: {  	[sflag:s13] =	ssyncadd.s32 $0xFFFFFD80  }
0x18: {  	[spmem:s16], [sflag:s14] =	dma.local [hbm:s6], $0x280  }
0x19: {  	_ =	swait.ge [sflag:s13], $0x280  }
0x1a: {  	[sflag:s13] =	ssyncset.done $0x0  }
0x1b: {  	[sflag:s13] =	ssyncadd.s32 $0xFFFFFD80  }
0x1c: {  	[tilespmem:s4], [sflag:$0x1] =	stream.linear.gather [hbm4b:s7+s4], $0x2710, $0x38;
	[tilespmem:$0x78A0] =	vst v63  }
0x1d: {  	_ =	swait.ge [sflag:s13], $0x2710  }
0x1e: {  	[sflag:s13] =	ssyncset.done $0x0  }
0x1f: {  	[sflag:s13] =	ssyncadd.s32 $0xFFFFD8F0  }
0x20: {  	[tilespmem:s17], [sflag:$0x1] =	stream.linear.gather [hbm4b:s8+s4], $0x2710, $0x38;
	[tilespmem:$0x78A0] =	vst v63  }
0x21: {  	_ =	swait.ge [sflag:s13], $0x2710  }
0x22: {  	[sflag:s13] =	ssyncset.done $0x0  }
0x23: {  	[sflag:s13] =	ssyncadd.s32 $0xFFFFD8F0  }
0x24: {  	s20 =	simm.s32 $0x0;
	[bflag:$0x0] =	sbarrier.arrive $0xFFFF  }
0x25: {  	[spmem:s2] =	stream.indirect.scatter.add.f32 [tilespmem:s12], [sflag:$0x1], $0x8, s20, s18, $0xb8;
	[tilespmem:$0x78A0] =	vst v63  }
0x26: {  	_ =	swait.ge [sflag:s13], $0x280  }
0x27: {  	[sflag:s13] =	ssyncset.done $0x0  }
0x28: {  	s31 =	simm.s32 $0x2710;
	[sflag:s13] =	ssyncadd.s32 $0xFFFFFD80  }
0x29: {  	[spmem:s3] =	stream.indirect.scatter.add.f32 [tilespmem:s12], [sflag:$0x1], $0x8, s31, s18, $0xb8;
	[tilespmem:$0x78A0] =	vst v63  }
0x2a: {  	_ =	swait.ge [sflag:s13], $0x280  }
0x2b: {  	s21 =	simm.s32 $0x280;
	s20 =	simm.s32 $0x140;
	[sflag:s13] =	ssyncset.done $0x0  }
.LBB2_2:
0x2c: {  	s22 =	sshra.s32 s20, $0x2  }
0x2d: {  	[sflag:s13] =	ssyncadd.s32 $0xFFFFFD80;
	s20 =	smov.u32 s21;
	s23 =	sadd.s32 $0x140, s21  }
0x2e: {  	[spmem:s2] =	stream.indirect.scatter.add.f32 [tilespmem:s12], [sflag:$0x1], $0x8, s22, s18, $0xb8;
	[tilespmem:$0x78A0] =	vst v63  }
0x2f: {  	p0 =	sne.s32 s21, $0x9B00;
	_ =	swait.ge [sflag:s13], $0x280  }
.Ltmp0:
0x30: {  	[sflag:s13] =	ssyncset.done $0x0;
	(pc) =	sbr.rel @p0 .LBB2_2-.Ltmp0, $4  }
0x31: {  	s21 =	sadd.s32 $0x2710, s22;
	[sflag:s13] =	ssyncadd.s32 $0xFFFFFD80  }
0x32: {  	[spmem:s3] =	stream.indirect.scatter.add.f32 [tilespmem:s12], [sflag:$0x1], $0x8, s21, s18, $0xb8;
	[tilespmem:$0x78A0] =	vst v63  }
0x33: {  	_ =	swait.ge [sflag:s13], $0x280  }
0x34: {  	s21 =	smov.u32 s23;
	[sflag:s13] =	ssyncset.done $0x0  }
0x35: {  	s20 =	sshra.s32 s20, $0x2;
	[sflag:s13] =	ssyncadd.s32 $0xFFFFFD80  }
0x36: {  	[spmem:s2] =	stream.indirect.scatter.add.f32 [tilespmem:s12], [sflag:$0x1], $0x8, s20, s18, $0xb8;
	[tilespmem:$0x78A0] =	vst v63  }
0x37: {  	_ =	swait.ge [sflag:s13], $0x280  }
0x38: {  	[sflag:s13] =	ssyncset.done $0x0  }
0x39: {  	s20 =	sadd.s32 $0x2710, s20;
	[sflag:s13] =	ssyncadd.s32 $0xFFFFFD80  }
0x3a: {  	[spmem:s3] =	stream.indirect.scatter.add.f32 [tilespmem:s12], [sflag:$0x1], $0x8, s20, s18, $0xb8;
	[tilespmem:$0x78A0] =	vst v63  }
0x3b: {  	_ =	swait.ge [sflag:s13], $0x280  }
0x3c: {  	[sflag:s13] =	ssyncset.done $0x0  }
0x3d: {  	[sflag:s13] =	ssyncadd.s32 $0xFFFFFD80  }
0x3e: {  	[bflag:$0x0] =	sbarrier.arrive $0xFFFF  }
0x3f: {  	[hbm:s9], [sflag:s14] =	dma.local [spmem:s15], $0x280  }
0x40: {  	s19 =	sadd.s32 $0x1, s19;
	_ =	swait.ge [sflag:s13], $0x280  }
0x41: {  	p0 =	sne.s32 s19, s11;
	[sflag:s13] =	ssyncset.done $0x0  }
.Ltmp1:
0x42: {  	[sflag:s13] =	ssyncadd.s32 $0xFFFFFD80;
	(pc) =	sbr.rel @p0 .LBB2_1-.Ltmp1, $4  }
0x43: {  	[hbm:s10], [sflag:s14] =	dma.local [spmem:s16], $0x280  }
0x44: {  	_ =	swait.ge [sflag:s13], $0x280  }
0x45: {  	[sflag:s13] =	ssyncset.done $0x0  }
0x46: {  	[sflag:s13] =	ssyncadd.s32 $0xFFFFFD80  }
0x47: {  	_ =	sfence.sel $0x180000  }
0x48: {  	[bflag:$0x0] =	sbarrier.arrive $0xFFFF  }
0x49: {  	p0 =	sne.s32 s0, $0x0;
	_ =	strace $0x90000047  }
0x4a: {  	s0 =	sadd.s32 @!p0 $0x100000, s1;
	[bflag:$0x2] =	sbarrier.arrive $0xFFFF  }
0x4b: {  	[sflag:s0] =	ssyncadd.tile.s32 @!p0 $0x1;
	_ =	shalt  }
.Lfunc_end2:
_tile_overlayer_lowered:
.L_overlay_start_2:
0x4c: {  	(tag) =	ssettag $0x2  }
0x4d: {  	s0 =	rddreg [dreg:$0x0];
	s2 =	stileid.u32  }
0x4e: {  	s1 =	rddreg [dreg:$0x1];
	p0 =	sne.s32 s2, $0x0  }
0x4f: {  	s3 =	rddreg [dreg:$0x2];
	[bflag:$0x3] =	sbarrier.arrive $0xFFFF;
	s2 =	simm.s32 @!p0 $0x1C01  }
0x50: {  	[timem:s3], [sflag:s2] =	dma.local @!p0 [hbm:s0], s1  }
0x51: {  	s0 =	simm.s32 @!p0 $0x1  }
0x52: {  	_ =	swait.ge @!p0 [sflag:s0], s1  }
0x53: {  	s1 =	ssub.s32 @!p0 $0x0, s1;
	[sflag:s0] =	ssyncset.done @!p0 $0x0  }
0x54: {  	[sflag:s0] =	ssyncadd.s32 @!p0 s1  }
0x55: {  	[bflag:$0x3] =	sbarrier.arrive $0xFFFF  }
0x56: {  	_ =	shalt  }

// kernel: kernel.17.cloned.1.call-start
scs
__scs_entry_jumppad:
0x0: {  	(pc) =	sbr.rel $0x88, $3  }
0x1: {  	(tag) =	ssettag $0x0;
	lr =	simm.s32 $0x1  }
0x2: {  	[smem:$0x3F91] =	sst lr;
	_ =	strace $0xD0000000  }
0x3: {  	_ = 	snop  }
0x4: {  	_ = 	snop  }
0x5: {  	_ = 	snop  }
0x6: {  	_ = 	snop  }
0x7: {  	_ = 	snop  }
__scs_overlays_trampoline_lowered:
0x8: {  	[smem:$0x3FA0] =	sst s0  }
0x9: {  	[smem:$0x3FA1] =	sst s1  }
0xa: {  	[smem:$0x3FA2] =	sst s2  }
0xb: {  	[smem:$0x3FA3] =	sst s3  }
0xc: {  	[smem:$0x3FA4] =	sst s4  }
0xd: {  	[smem:$0x3FA5] =	sst s5  }
0xe: {  	[smem:$0x3FA6] =	sst s6  }
0xf: {  	[smem:$0x3FA7] =	sst s7  }
0x10: {  	[smem:$0x3FA8] =	sst s8  }
0x11: {  	[smem:$0x3FA9] =	sst s9;
	s0 =	simm.s32 @!p0 $0x0  }
0x12: {  	s1 =	sld [smem:$0x3F8F];
	s0 =	simm.s32 @p0 $0x1  }
0x13: {  	[smem:$0x3FAA] =	sst s0;
	s0 =	simm.s32 @!p1 $0x0  }
0x14: {  	s2 =	sld [smem:$0x3F8E];
	s0 =	simm.s32 @p1 $0x1  }
0x15: {  	[smem:$0x3FAB] =	sst s0;
	s0 =	simm.s32 @!p2 $0x0  }
0x16: {  	s3 =	sld [smem:$0x3FDB];
	s0 =	simm.s32 @p2 $0x1  }
0x17: {  	s4 =	simm.s32 $0x1BF5;
	[smem:$0x3FAD] =	sst s0  }
0x18: {  	s0 =	sld [smem:$0x3F90];
	_ =	swait.ge [sflag:s4], $0x0  }
0x19: {  	s7 =	sld [smem:$0x3F91]  }
0x1a: {  	s8 =	sadd.s32 $0xFFFFE003, lr  }
0x1b: {  	s9 =	sadd.s32 $0xFFFFFEF7, lr;
	s5 =	simm.s32 $0xFFFFFFFF;
	p2 =	slt.u32 s8, $0xFFFFF086  }
0x1c: {  	p1 =	slt.u32 s9, $0xF7A;
	s5 =	simm.s32 @!p2 $0x0  }
0x1d: {  	s5 =	simm.s32 @p1 $0x1;
	p0 =	seq.s32 s7, s2  }
0x1e: {  	s7 =	smul.u32 @!p0 $0xF7A, s2;
	p2 =	seq.s32 @!p0 s5, $0x0  }
0x1f: {  	s9 =	smul.u32 $0xF7A, s1;
	s8 =	simm.s32 @!p0 $0x1BF5;
	p2 =	por !p2, p0  }
0x20: {  	[sflag:s8] =	ssyncset.s32 @!p0 $0xFFFFF086;
	s6 =	sadd.s32 @!p0 s3, s7;
	s7 =	simm.s32 @!p0 $0x108  }
0x21: {  	s3 =	sadd.s32 s3, s9;
	s6 =	sadd.s32 @!p0 $0x88, s6;
	s7 =	simm.s32 @p2 $0x1082  }
0x22: {  	[simem:s7], [sflag:s8] =	dma.local @!p0 [hbm:s6], $0xF7A  }
0x23: {  	s9 =	sor.u32 $0xD0000000, s2;
	s6 =	simm.s32 $0x108;
	_ =	swait.ge @!p0 [sflag:s8], $0x0  }
0x24: {  	s3 =	sadd.s32 $0x88, s3;
	s6 =	simm.s32 @!p1 $0x1082;
	[sflag:s4] =	ssyncset.s32 $0xFFFFF086  }
0x25: {  	[simem:s6], [sflag:s4] =	dma.local [hbm:s3], $0xF7A  }
0x26: {  	[smem:$0x3F91] =	sst s1;
	(tag) =	ssettag s2;
	_ =	strace s9  }
0x27: {  	s1 =	sld [smem:$0x3FA1]  }
0x28: {  	s2 =	sld [smem:$0x3FA2]  }
0x29: {  	s4 =	sld [smem:$0x3FA4]  }
0x2a: {  	p0 =	seq.s32 s5, $0x0;
	s5 =	sld [smem:$0x3FA5]  }
0x2b: {  	s6 =	sld [smem:$0x3FA6]  }
0x2c: {  	s7 =	sld [smem:$0x3FA7]  }
0x2d: {  	s3 =	simm.s32 $0x108;
	s8 =	sld [smem:$0x3FA8]  }
0x2e: {  	s3 =	simm.s32 @!p0 $0x1082;
	s9 =	sld [smem:$0x3FA9]  }
0x2f: {  	lr =	sadd.s32 s0, s3;
	s0 =	sld [smem:$0x3FA0]  }
0x30: {  	s3 =	sld [smem:$0x3FA3]  }
0x31: {  	[smem:$0x3FAC] =	sst s10  }
0x32: {  	s10 =	sld [smem:$0x3FAA];
	_ =	sdelay $0x3  }
0x33: {  	p0 =	seq.s32 s10, $0x1;
	s10 =	sld [smem:$0x3FAC];
	_ =	sdelay $0x3  }
0x34: {  	[smem:$0x3FAC] =	sst s10  }
0x35: {  	s10 =	sld [smem:$0x3FAB];
	_ =	sdelay $0x3  }
0x36: {  	p1 =	seq.s32 s10, $0x1;
	s10 =	sld [smem:$0x3FAC];
	_ =	sdelay $0x3  }
0x37: {  	[smem:$0x3FAC] =	sst s10  }
0x38: {  	s10 =	sld [smem:$0x3FAD]  }
0x39: {  	_ = 	snop;
	(pc) =	sbr.ind lr, $3  }
0x3a: {  	_ = 	snop  }
0x3b: {  	_ = 	snop  }
0x3c: {  	p2 =	seq.s32 s10, $0x1;
	s10 =	sld [smem:$0x3FAC]  }
0x3d: {  	_ =	shalt  }
0x3e: {  	_ =	shalt  }
0x3f: {  	_ =	shalt  }
0x40: {  	_ =	shalt  }
0x41: {  	_ =	shalt  }
0x42: {  	_ =	shalt  }
0x43: {  	_ =	shalt  }
0x44: {  	_ =	shalt  }
0x45: {  	_ =	shalt  }
0x46: {  	_ =	shalt  }
0x47: {  	_ =	shalt  }
0x48: {  	_ =	shalt  }
0x49: {  	_ =	shalt  }
0x4a: {  	_ =	shalt  }
0x4b: {  	_ =	shalt  }
0x4c: {  	_ =	shalt  }
0x4d: {  	_ =	shalt  }
0x4e: {  	_ =	shalt  }
0x4f: {  	_ =	shalt  }
0x50: {  	_ =	shalt  }
0x51: {  	_ =	shalt  }
0x52: {  	_ =	shalt  }
0x53: {  	_ =	shalt  }
0x54: {  	_ =	shalt  }
0x55: {  	_ =	shalt  }
0x56: {  	_ =	shalt  }
0x57: {  	_ =	shalt  }
0x58: {  	_ =	shalt  }
0x59: {  	_ =	shalt  }
0x5a: {  	_ =	shalt  }
0x5b: {  	_ =	shalt  }
0x5c: {  	_ =	shalt  }
0x5d: {  	_ =	shalt  }
0x5e: {  	_ =	shalt  }
0x5f: {  	_ =	shalt  }
0x60: {  	_ =	shalt  }
0x61: {  	_ =	shalt  }
0x62: {  	_ =	shalt  }
0x63: {  	_ =	shalt  }
0x64: {  	_ =	shalt  }
0x65: {  	_ =	shalt  }
0x66: {  	_ =	shalt  }
0x67: {  	_ =	shalt  }
0x68: {  	_ =	shalt  }
0x69: {  	_ =	shalt  }
0x6a: {  	_ =	shalt  }
0x6b: {  	_ =	shalt  }
0x6c: {  	_ =	shalt  }
0x6d: {  	_ =	shalt  }
0x6e: {  	_ =	shalt  }
0x6f: {  	_ =	shalt  }
0x70: {  	_ =	shalt  }
0x71: {  	_ =	shalt  }
0x72: {  	_ =	shalt  }
0x73: {  	_ =	shalt  }
0x74: {  	_ =	shalt  }
0x75: {  	_ =	shalt  }
0x76: {  	_ =	shalt  }
0x77: {  	_ =	shalt  }
0x78: {  	_ =	shalt  }
0x79: {  	_ =	shalt  }
0x7a: {  	_ =	shalt  }
0x7b: {  	_ =	shalt  }
0x7c: {  	_ =	shalt  }
0x7d: {  	_ =	shalt  }
0x7e: {  	_ =	shalt  }
0x7f: {  	_ =	shalt  }
0x80: {  	_ =	shalt  }
0x81: {  	_ =	shalt  }
0x82: {  	_ =	shalt  }
0x83: {  	_ =	shalt  }
0x84: {  	_ =	shalt  }
0x85: {  	_ =	shalt  }
0x86: {  	_ =	shalt  }
0x87: {  	_ =	shalt  }
.Lfunc_end0:
.L_simem_size_0:
called_computation.1_lowered:
.L_overlay_start_0:
0x88: {  	s2 =	sld [smem:$0x3FD9]  }
0x89: {  	s3 =	sld [smem:$0x3FFE];
	_ =	sdelay $0x1  }
0x8a: {  	s1 =	srdreg.scid  }
0x8b: {  	s0 =	sand.u32 $0x1, s1  }
0x8c: {  	s16 =	sshll.u32 s0, $0xA;
	s2 =	sadd.s32 s3, s2  }
0x8d: {  	s2 =	sadd.s32 s2, s16  }
0x8e: {  	[smem:$0x3FB8] =	sst s2  }
0x8f: {  	_ = 	snop  }
0x90: {  	(tm) =	ssettm $0x1  }
0x91: {  	s17 =	sld [smem:$0x3FFB];
	_ =	sdelay $0x3  }
0x92: {  	_ =	strace s17  }
0x93: {  	s2 =	sld [smem:$0x3FFC];
	_ =	sdelay $0x3  }
0x94: {  	_ =	strace s2  }
0x95: {  	s2 =	sld [smem:$0x3FFD];
	_ =	sdelay $0x3  }
0x96: {  	_ =	strace s2  }
0x97: {  	_ =	strace $0x8FFFFFFF  }
0x98: {  	s18 =	sld [smem:$0x3FDB];
	_ =	sdelay $0x1  }
0x99: {  	s19 =	simm.s32 $_scs_section_size  }
0x9a: {  	s4 =	simm.s32 $_size__tile_overlayer_lowered;
	s5 =	simm.s32 $_tile_overlayer_lowered  }
0x9b: {  	s22 =	simm.s32 $0x1BFF;
	s21 =	sshll.u32 s5, $0x1;
	s2 =	sadd.s32 s19, s18  }
0x9c: {  	s6 =	simm.s32 $0x0;
	s20 =	sshll.u32 s4, $0x1;
	s4 =	sadd.s32 s21, s2  }
0x9d: {  	[timem:s6], [sflag:s22] =	dma.local [hbm:s4], s20  }
0x9e: {  	_ =	swait.ge [sflag:s22], s20  }
0x9f: {  	s3 =	ssub.s32 $0x0, s20;
	[sflag:s22] =	ssyncset.done $0x0  }
0xa0: {  	[sflag:s22] =	ssyncadd.s32 s3;
	_ =	sdelay $0x1  }
0xa1: {  	s23 =	simm.s32 $0x1B8B  }
0xa2: {  	_ =	swait.ge [sflag:s23], $0x1  }
0xa3: {  	[sflag:s23] =	ssyncset.done $0x0  }
0xa4: {  	s25 =	simm.s32 $0x1B8E;
	s24 =	sld [smem:$0x3FFE];
	[sflag:s23] =	ssyncadd.s32 $0xFFFFFFFF  }
0xa5: {  	s26 =	simm.s32 $execute0_lowered;
	[smem:$0x3FD2] =	sst s25  }
0xa6: {  	s4 =	sshll.u32 s26, $0x1;
	_ =	strace $0x80000049;
	[dreg:$0x1] =	wrdreg $0xFFFFFFFF  }
0xa7: {  	s28 =	simm.s32 $_size_execute0_lowered;
	s2 =	sadd.s32 s2, s4;
	[dreg:$0x0] =	wrdreg $0x0  }
0xa8: {  	s4 =	sshll.u32 s28, $0x1;
	[dreg:$0x2] =	wrdreg s2  }
0xa9: {  	[dreg:$0x3] =	wrdreg s4  }
0xaa: {  	[dreg:$0x4] =	wrdreg $0xC0  }
0xab: {  	_ =	task [dreg:s6], $0x5FFFF  }
0xac: {  	[dreg:$0x1] =	wrdreg $0xFFFFFFFF  }
0xad: {  	[dreg:$0x0] =	wrdreg $0x60  }
0xae: {  	[dreg:$0x2] =	wrdreg s24  }
0xaf: {  	[dreg:$0x3] =	wrdreg $0xA8000  }
0xb0: {  	[dreg:$0x4] =	wrdreg $0x9  }
0xb1: {  	_ =	task.clear_ibuf [dreg:s6], $0x5FFFF;
	_ =	strace $0x90000049  }
0xb2: {  	s29 =	simm.s32 $0x9;
	_ =	strace $0x8000004B  }
0xb3: {  	_ =	swait.ge [sflag:s29], $0x1  }
0xb4: {  	[sflag:s29] =	ssyncadd.s32 $0xFFFFFFFF  }
0xb5: {  	_ =	strace $0x9000004B  }
0xb6: {  	_ =	sfence  }
0xb7: {  	s30 =	sld [smem:$0x0];
	_ =	sdelay $0x2  }
0xb8: {  	s31 =	sshll.u32 s1, $0xD;
	s1 =	sshrl.u32 s1, $0x2  }
0xb9: {  	s3 =	sand.u32 $0x4000, s31;
	s1 =	sadd.s32 s1, s30  }
0xba: {  	s0 =	sor.u32 s3, s0;
	s1 =	sshll.u32 s1, $0x11  }
0xbb: {  	s0 =	sor.u32 s1, s0  }
0xbc: {  	s0 =	sadd.s32 $0x8F2B, s0  }
0xbd: {  	[sflag:s0] =	ssyncadd.remote.s32 $0x1  }
0xbe: {  	_ =	sfence.sel $0xFFFF  }
0xbf: {  	[dreg:$0x0] =	wrdreg $0xFFFFFFFF;
	(pc) =	sbr.abs _section_cstart, $3  }
0xc0: {  	[dreg:$0x1] =	wrdreg $0xFFFFFFFF  }
0xc1: {  	_ =	task.clear_ibuf [dreg:s6], $0x2FFFF;
	_ =	strace $0x9FFFFFFF  }
0xc2: {  	(tm) =	ssettm $0x7FFFFFFF  }
0xc3: {  	_ =	shalt  }
tec
execute0_lowered:
.L_overlay_start_1:
0x0: {  	(tag) =	ssettag $0x1  }
0x1: {  	s5 =	rddreg [dreg:$0x0]  }
0x2: {  	s1 =	rddreg [dreg:$0x1]  }
0x3: {  	s0 =	rddreg [dreg:$0x2];
	s3 =	simm.s32 $0x0;
	s4 =	srdreg.scid  }
0x4: {  	s2 =	stileid.u32;
	s14 =	simm.s32 $0x50;
	s15 =	simm.s32 $0x8000  }
0x5: {  	s16 =	simm.s32 $0x1;
	s17 =	simm.s32 $0x0;
	[smem:$0x7FF] =	sst s3  }
0x6: {  	s6 =	sand.u32 $0x1, s4;
	s7 =	sshll.u32 s2, $0xB;
	s8 =	smul.u32 $0x14000, s2  }
0x7: {  	s29 =	smul.u32 $0x50000, s2;
	s31 =	sshll.u32 s2, $0x6;
	s4 =	sshll.u32 s6, $0xF  }
0x8: {  	_ =	strace $0x8000004A;
	s9 =	smul.u32 $0x140000, s6;
	s6 =	ssub.s32 $0x2, s6  }
0x9: {  	s7 =	sor.u32 s7, s4;
	s4 =	sadd.s32 $0x6B800, s5;
	s28 =	sshrl.u32 s8, $0x3  }
0xa: {  	s11 =	sshrl.u32 s6, $0x1;
	s30 =	sshrl.u32 s29, $0x2;
	s10 =	sadd.s32 s7, s5  }
0xb: {  	s8 =	sadd.s32 s8, s9;
	s7 =	sadd.s32 s28, s5;
	s11 =	ssub.s32 s6, s11  }
0xc: {  	s13 =	sadd.s32 s30, s1;
	s6 =	sor.u32 $0x1C02, s31;
	s8 =	sshrl.u32 s8, $0x3  }
0xd: {  	s12 =	sadd.s32 s8, s5;
	s5 =	sadd.s32 $0x93800, s7;
	s7 =	sadd.s32 $0x23800, s10  }
0xe: {  	s8 =	sadd.s32 $0x33800, s10;
	s10 =	smax.u32 s11, $0x1;
	s11 =	sshrl.u32 s13, $0x3  }
0xf: {  	s13 =	simm.s32 $0x4000;
	s9 =	sadd.s32 $0xBB800, s12;
	s12 =	simm.s32 $0x2  }
.LBB2_1:
0x10: {  	[spmem:s11], [sflag:s6] =	dma.local [hbm:s5], $0x2800  }
0x11: {  	_ =	swait.ge [sflag:s12], $0x2800  }
0x12: {  	[sflag:s12] =	ssyncset.done $0x0  }
0x13: {  	[sflag:s12] =	ssyncadd.s32 $0xFFFFD800  }
0x14: {  	[tilespmem:s3], [sflag:$0x2] =	stream.linear.gather [hbm4b:s7+s3], $0x3E80, $0x38;
	[tilespmem:$0x1E800] =	vst v63  }
0x15: {  	_ =	swait.ge [sflag:s12], $0x3E80  }
0x16: {  	[sflag:s12] =	ssyncset.done $0x0  }
0x17: {  	[sflag:s12] =	ssyncadd.s32 $0xFFFFC180  }
0x18: {  	[tilespmem:s13], [sflag:$0x2] =	stream.linear.gather [hbm4b:s8+s3], $0x3E80, $0x38;
	[tilespmem:$0x1E800] =	vst v63  }
0x19: {  	_ =	swait.ge [sflag:s12], $0x3E80  }
0x1a: {  	[sflag:s12] =	ssyncset.done $0x0  }
0x1b: {  	[sflag:s12] =	ssyncadd.s32 $0xFFFFC180  }
0x1c: {  	s18 =	simm.s32 $0x0;
	[bflag:$0x0] =	sbarrier.arrive $0xFFFF  }
0x1d: {  	[tilespmem:s15], [sflag:$0x1] =	stream.indirect.gather [hbm4b:s4+s14], $0x80, s18, s14, $0xb8;
	[tilespmem:$0x1E800] =	vst v63  }
0x1e: {  	_ =	swait.ge [sflag:s16], $0x2800  }
0x1f: {  	[sflag:s16] =	ssyncset.done $0x0  }
0x20: {  	s31 =	simm.s32 $0x4000;
	[sflag:s16] =	ssyncadd.s32 $0xFFFFD800  }
0x21: {  	[spmem:s1] =	stream.indirect.scatter.add.f32 [tilespmem:s15], [sflag:$0x2], $0x80, s31, s14, $0xb8;
	[tilespmem:$0x1E800] =	vst v63  }
0x22: {  	_ =	swait.ge [sflag:s12], $0x2800  }
0x23: {  	s19 =	simm.s32 $0x400;
	s18 =	simm.s32 $0x200;
	[sflag:s12] =	ssyncset.done $0x0  }
.LBB2_2:
0x24: {  	s20 =	sshra.s32 s18, $0x2  }
0x25: {  	[sflag:s12] =	ssyncadd.s32 $0xFFFFD800;
	s18 =	smov.u32 s19;
	s21 =	sadd.s32 $0x200, s19  }
0x26: {  	[tilespmem:s15], [sflag:$0x1] =	stream.indirect.gather [hbm4b:s4+s14], $0x80, s20, s14, $0xb8;
	[tilespmem:$0x1E800] =	vst v63  }
0x27: {  	p0 =	sne.s32 s19, $0xF800;
	_ =	swait.ge [sflag:s16], $0x2800  }
.Ltmp0:
0x28: {  	[sflag:s16] =	ssyncset.done $0x0;
	(pc) =	sbr.rel @p0 .LBB2_2-.Ltmp0, $4  }
0x29: {  	s19 =	sadd.s32 $0x4000, s20;
	[sflag:s16] =	ssyncadd.s32 $0xFFFFD800  }
0x2a: {  	[spmem:s1] =	stream.indirect.scatter.add.f32 [tilespmem:s15], [sflag:$0x2], $0x80, s19, s14, $0xb8;
	[tilespmem:$0x1E800] =	vst v63  }
0x2b: {  	_ =	swait.ge [sflag:s12], $0x2800  }
0x2c: {  	s19 =	smov.u32 s21;
	[sflag:s12] =	ssyncset.done $0x0  }
0x2d: {  	s18 =	sshra.s32 s18, $0x2;
	[sflag:s12] =	ssyncadd.s32 $0xFFFFD800  }
0x2e: {  	[tilespmem:s15], [sflag:$0x1] =	stream.indirect.gather [hbm4b:s4+s14], $0x80, s18, s14, $0xb8;
	[tilespmem:$0x1E800] =	vst v63  }
0x2f: {  	_ =	swait.ge [sflag:s16], $0x2800  }
0x30: {  	[sflag:s16] =	ssyncset.done $0x0  }
0x31: {  	s18 =	sadd.s32 $0x4000, s18;
	[sflag:s16] =	ssyncadd.s32 $0xFFFFD800  }
0x32: {  	[spmem:s1] =	stream.indirect.scatter.add.f32 [tilespmem:s15], [sflag:$0x2], $0x80, s18, s14, $0xb8;
	[tilespmem:$0x1E800] =	vst v63  }
0x33: {  	_ =	swait.ge [sflag:s12], $0x2800  }
0x34: {  	s17 =	sadd.s32 $0x1, s17;
	[sflag:s12] =	ssyncset.done $0x0  }
0x35: {  	p0 =	sne.s32 s17, s10;
	[sflag:s12] =	ssyncadd.s32 $0xFFFFD800  }
.Ltmp1:
0x36: {  	[bflag:$0x0] =	sbarrier.arrive $0xFFFF;
	(pc) =	sbr.rel @p0 .LBB2_1-.Ltmp1, $4  }
0x37: {  	[hbm:s9], [sflag:s6] =	dma.local [spmem:s11], $0x2800  }
0x38: {  	_ =	swait.ge [sflag:s12], $0x2800  }
0x39: {  	[sflag:s12] =	ssyncset.done $0x0  }
0x3a: {  	[sflag:s12] =	ssyncadd.s32 $0xFFFFD800  }
0x3b: {  	_ =	sfence.sel $0x180000  }
0x3c: {  	[bflag:$0x0] =	sbarrier.arrive $0xFFFF  }
0x3d: {  	p0 =	sne.s32 s2, $0x0;
	_ =	strace $0x9000004A  }
0x3e: {  	s0 =	sadd.s32 @!p0 $0x100000, s0;
	[bflag:$0x2] =	sbarrier.arrive $0xFFFF  }
0x3f: {  	[sflag:s0] =	ssyncadd.tile.s32 @!p0 $0x1;
	_ =	shalt  }
.Lfunc_end2:
_tile_overlayer_lowered:
.L_overlay_start_2:
0x40: {  	(tag) =	ssettag $0x2  }
0x41: {  	s0 =	rddreg [dreg:$0x0];
	s2 =	stileid.u32  }
0x42: {  	s1 =	rddreg [dreg:$0x1];
	p0 =	sne.s32 s2, $0x0  }
0x43: {  	s3 =	rddreg [dreg:$0x2];
	[bflag:$0x3] =	sbarrier.arrive $0xFFFF;
	s2 =	simm.s32 @!p0 $0x1C02  }
0x44: {  	[timem:s3], [sflag:s2] =	dma.local @!p0 [hbm:s0], s1  }
0x45: {  	s0 =	simm.s32 @!p0 $0x2  }
0x46: {  	_ =	swait.ge @!p0 [sflag:s0], s1  }
0x47: {  	s1 =	ssub.s32 @!p0 $0x0, s1;
	[sflag:s0] =	ssyncset.done @!p0 $0x0  }
0x48: {  	[sflag:s0] =	ssyncadd.s32 @!p0 s1  }
0x49: {  	[bflag:$0x3] =	sbarrier.arrive $0xFFFF  }
0x4a: {  	_ =	shalt  }

// kernel: kernel.20.cloned.1.call-start
scs
__scs_entry_jumppad:
0x0: {  	(pc) =	sbr.rel $0x88, $3  }
0x1: {  	(tag) =	ssettag $0x0;
	lr =	simm.s32 $0x1  }
0x2: {  	[smem:$0x3F91] =	sst lr;
	_ =	strace $0xD0000000  }
0x3: {  	_ = 	snop  }
0x4: {  	_ = 	snop  }
0x5: {  	_ = 	snop  }
0x6: {  	_ = 	snop  }
0x7: {  	_ = 	snop  }
__scs_overlays_trampoline_lowered:
0x8: {  	[smem:$0x3FA0] =	sst s0  }
0x9: {  	[smem:$0x3FA1] =	sst s1  }
0xa: {  	[smem:$0x3FA2] =	sst s2  }
0xb: {  	[smem:$0x3FA3] =	sst s3  }
0xc: {  	[smem:$0x3FA4] =	sst s4  }
0xd: {  	[smem:$0x3FA5] =	sst s5  }
0xe: {  	[smem:$0x3FA6] =	sst s6  }
0xf: {  	[smem:$0x3FA7] =	sst s7  }
0x10: {  	[smem:$0x3FA8] =	sst s8  }
0x11: {  	[smem:$0x3FA9] =	sst s9;
	s0 =	simm.s32 @!p0 $0x0  }
0x12: {  	s1 =	sld [smem:$0x3F8F];
	s0 =	simm.s32 @p0 $0x1  }
0x13: {  	[smem:$0x3FAA] =	sst s0;
	s0 =	simm.s32 @!p1 $0x0  }
0x14: {  	s2 =	sld [smem:$0x3F8E];
	s0 =	simm.s32 @p1 $0x1  }
0x15: {  	[smem:$0x3FAB] =	sst s0;
	s0 =	simm.s32 @!p2 $0x0  }
0x16: {  	s3 =	sld [smem:$0x3FDB];
	s0 =	simm.s32 @p2 $0x1  }
0x17: {  	s4 =	simm.s32 $0x1BF5;
	[smem:$0x3FAD] =	sst s0  }
0x18: {  	s0 =	sld [smem:$0x3F90];
	_ =	swait.ge [sflag:s4], $0x0  }
0x19: {  	s7 =	sld [smem:$0x3F91]  }
0x1a: {  	s8 =	sadd.s32 $0xFFFFE003, lr  }
0x1b: {  	s9 =	sadd.s32 $0xFFFFFEF7, lr;
	s5 =	simm.s32 $0xFFFFFFFF;
	p2 =	slt.u32 s8, $0xFFFFF086  }
0x1c: {  	p1 =	slt.u32 s9, $0xF7A;
	s5 =	simm.s32 @!p2 $0x0  }
0x1d: {  	s5 =	simm.s32 @p1 $0x1;
	p0 =	seq.s32 s7, s2  }
0x1e: {  	s7 =	smul.u32 @!p0 $0xF7A, s2;
	p2 =	seq.s32 @!p0 s5, $0x0  }
0x1f: {  	s9 =	smul.u32 $0xF7A, s1;
	s8 =	simm.s32 @!p0 $0x1BF5;
	p2 =	por !p2, p0  }
0x20: {  	[sflag:s8] =	ssyncset.s32 @!p0 $0xFFFFF086;
	s6 =	sadd.s32 @!p0 s3, s7;
	s7 =	simm.s32 @!p0 $0x108  }
0x21: {  	s3 =	sadd.s32 s3, s9;
	s6 =	sadd.s32 @!p0 $0x88, s6;
	s7 =	simm.s32 @p2 $0x1082  }
0x22: {  	[simem:s7], [sflag:s8] =	dma.local @!p0 [hbm:s6], $0xF7A  }
0x23: {  	s9 =	sor.u32 $0xD0000000, s2;
	s6 =	simm.s32 $0x108;
	_ =	swait.ge @!p0 [sflag:s8], $0x0  }
0x24: {  	s3 =	sadd.s32 $0x88, s3;
	s6 =	simm.s32 @!p1 $0x1082;
	[sflag:s4] =	ssyncset.s32 $0xFFFFF086  }
0x25: {  	[simem:s6], [sflag:s4] =	dma.local [hbm:s3], $0xF7A  }
0x26: {  	[smem:$0x3F91] =	sst s1;
	(tag) =	ssettag s2;
	_ =	strace s9  }
0x27: {  	s1 =	sld [smem:$0x3FA1]  }
0x28: {  	s2 =	sld [smem:$0x3FA2]  }
0x29: {  	s4 =	sld [smem:$0x3FA4]  }
0x2a: {  	p0 =	seq.s32 s5, $0x0;
	s5 =	sld [smem:$0x3FA5]  }
0x2b: {  	s6 =	sld [smem:$0x3FA6]  }
0x2c: {  	s7 =	sld [smem:$0x3FA7]  }
0x2d: {  	s3 =	simm.s32 $0x108;
	s8 =	sld [smem:$0x3FA8]  }
0x2e: {  	s3 =	simm.s32 @!p0 $0x1082;
	s9 =	sld [smem:$0x3FA9]  }
0x2f: {  	lr =	sadd.s32 s0, s3;
	s0 =	sld [smem:$0x3FA0]  }
0x30: {  	s3 =	sld [smem:$0x3FA3]  }
0x31: {  	[smem:$0x3FAC] =	sst s10  }
0x32: {  	s10 =	sld [smem:$0x3FAA];
	_ =	sdelay $0x3  }
0x33: {  	p0 =	seq.s32 s10, $0x1;
	s10 =	sld [smem:$0x3FAC];
	_ =	sdelay $0x3  }
0x34: {  	[smem:$0x3FAC] =	sst s10  }
0x35: {  	s10 =	sld [smem:$0x3FAB];
	_ =	sdelay $0x3  }
0x36: {  	p1 =	seq.s32 s10, $0x1;
	s10 =	sld [smem:$0x3FAC];
	_ =	sdelay $0x3  }
0x37: {  	[smem:$0x3FAC] =	sst s10  }
0x38: {  	s10 =	sld [smem:$0x3FAD]  }
0x39: {  	_ = 	snop;
	(pc) =	sbr.ind lr, $3  }
0x3a: {  	_ = 	snop  }
0x3b: {  	_ = 	snop  }
0x3c: {  	p2 =	seq.s32 s10, $0x1;
	s10 =	sld [smem:$0x3FAC]  }
0x3d: {  	_ =	shalt  }
0x3e: {  	_ =	shalt  }
0x3f: {  	_ =	shalt  }
0x40: {  	_ =	shalt  }
0x41: {  	_ =	shalt  }
0x42: {  	_ =	shalt  }
0x43: {  	_ =	shalt  }
0x44: {  	_ =	shalt  }
0x45: {  	_ =	shalt  }
0x46: {  	_ =	shalt  }
0x47: {  	_ =	shalt  }
0x48: {  	_ =	shalt  }
0x49: {  	_ =	shalt  }
0x4a: {  	_ =	shalt  }
0x4b: {  	_ =	shalt  }
0x4c: {  	_ =	shalt  }
0x4d: {  	_ =	shalt  }
0x4e: {  	_ =	shalt  }
0x4f: {  	_ =	shalt  }
0x50: {  	_ =	shalt  }
0x51: {  	_ =	shalt  }
0x52: {  	_ =	shalt  }
0x53: {  	_ =	shalt  }
0x54: {  	_ =	shalt  }
0x55: {  	_ =	shalt  }
0x56: {  	_ =	shalt  }
0x57: {  	_ =	shalt  }
0x58: {  	_ =	shalt  }
0x59: {  	_ =	shalt  }
0x5a: {  	_ =	shalt  }
0x5b: {  	_ =	shalt  }
0x5c: {  	_ =	shalt  }
0x5d: {  	_ =	shalt  }
0x5e: {  	_ =	shalt  }
0x5f: {  	_ =	shalt  }
0x60: {  	_ =	shalt  }
0x61: {  	_ =	shalt  }
0x62: {  	_ =	shalt  }
0x63: {  	_ =	shalt  }
0x64: {  	_ =	shalt  }
0x65: {  	_ =	shalt  }
0x66: {  	_ =	shalt  }
0x67: {  	_ =	shalt  }
0x68: {  	_ =	shalt  }
0x69: {  	_ =	shalt  }
0x6a: {  	_ =	shalt  }
0x6b: {  	_ =	shalt  }
0x6c: {  	_ =	shalt  }
0x6d: {  	_ =	shalt  }
0x6e: {  	_ =	shalt  }
0x6f: {  	_ =	shalt  }
0x70: {  	_ =	shalt  }
0x71: {  	_ =	shalt  }
0x72: {  	_ =	shalt  }
0x73: {  	_ =	shalt  }
0x74: {  	_ =	shalt  }
0x75: {  	_ =	shalt  }
0x76: {  	_ =	shalt  }
0x77: {  	_ =	shalt  }
0x78: {  	_ =	shalt  }
0x79: {  	_ =	shalt  }
0x7a: {  	_ =	shalt  }
0x7b: {  	_ =	shalt  }
0x7c: {  	_ =	shalt  }
0x7d: {  	_ =	shalt  }
0x7e: {  	_ =	shalt  }
0x7f: {  	_ =	shalt  }
0x80: {  	_ =	shalt  }
0x81: {  	_ =	shalt  }
0x82: {  	_ =	shalt  }
0x83: {  	_ =	shalt  }
0x84: {  	_ =	shalt  }
0x85: {  	_ =	shalt  }
0x86: {  	_ =	shalt  }
0x87: {  	_ =	shalt  }
.Lfunc_end0:
.L_simem_size_0:
called_computation.2_lowered:
.L_overlay_start_0:
0x88: {  	s2 =	sld [smem:$0x3FD9]  }
0x89: {  	s3 =	sld [smem:$0x3FFE];
	_ =	sdelay $0x1  }
0x8a: {  	s1 =	srdreg.scid  }
0x8b: {  	s0 =	sand.u32 $0x1, s1  }
0x8c: {  	s16 =	sshll.u32 s0, $0xA;
	s2 =	sadd.s32 s3, s2  }
0x8d: {  	s2 =	sadd.s32 s2, s16  }
0x8e: {  	[smem:$0x3FB8] =	sst s2  }
0x8f: {  	_ = 	snop  }
0x90: {  	(tm) =	ssettm $0x1  }
0x91: {  	s17 =	sld [smem:$0x3FFB];
	_ =	sdelay $0x3  }
0x92: {  	_ =	strace s17  }
0x93: {  	s2 =	sld [smem:$0x3FFC];
	_ =	sdelay $0x3  }
0x94: {  	_ =	strace s2  }
0x95: {  	s2 =	sld [smem:$0x3FFD];
	_ =	sdelay $0x3  }
0x96: {  	_ =	strace s2  }
0x97: {  	_ =	strace $0x8FFFFFFF  }
0x98: {  	s18 =	sld [smem:$0x3FDB];
	_ =	sdelay $0x1  }
0x99: {  	s19 =	simm.s32 $_scs_section_size  }
0x9a: {  	s4 =	simm.s32 $_size__tile_overlayer_lowered;
	s5 =	simm.s32 $_tile_overlayer_lowered  }
0x9b: {  	s22 =	simm.s32 $0x1BFF;
	s21 =	sshll.u32 s5, $0x1;
	s2 =	sadd.s32 s19, s18  }
0x9c: {  	s6 =	simm.s32 $0x0;
	s20 =	sshll.u32 s4, $0x1;
	s4 =	sadd.s32 s21, s2  }
0x9d: {  	[timem:s6], [sflag:s22] =	dma.local [hbm:s4], s20  }
0x9e: {  	_ =	swait.ge [sflag:s22], s20  }
0x9f: {  	s3 =	ssub.s32 $0x0, s20;
	[sflag:s22] =	ssyncset.done $0x0  }
0xa0: {  	[sflag:s22] =	ssyncadd.s32 s3;
	_ =	sdelay $0x1  }
0xa1: {  	s23 =	simm.s32 $0x1B8B  }
0xa2: {  	_ =	swait.ge [sflag:s23], $0x1  }
0xa3: {  	[sflag:s23] =	ssyncset.done $0x0  }
0xa4: {  	s25 =	simm.s32 $0x1B8E;
	s24 =	sld [smem:$0x3FFE];
	[sflag:s23] =	ssyncadd.s32 $0xFFFFFFFF  }
0xa5: {  	s26 =	simm.s32 $execute0_lowered;
	[smem:$0x3FD2] =	sst s25  }
0xa6: {  	s4 =	sshll.u32 s26, $0x1;
	_ =	strace $0x8000004C;
	[dreg:$0x1] =	wrdreg $0xFFFFFFFF  }
0xa7: {  	s28 =	simm.s32 $_size_execute0_lowered;
	s2 =	sadd.s32 s2, s4;
	[dreg:$0x0] =	wrdreg $0x0  }
0xa8: {  	s4 =	sshll.u32 s28, $0x1;
	[dreg:$0x2] =	wrdreg s2  }
0xa9: {  	[dreg:$0x3] =	wrdreg s4  }
0xaa: {  	[dreg:$0x4] =	wrdreg $0xC0  }
0xab: {  	_ =	task [dreg:s6], $0x5FFFF  }
0xac: {  	[dreg:$0x1] =	wrdreg $0xFFFFFFFF  }
0xad: {  	[dreg:$0x0] =	wrdreg $0x60  }
0xae: {  	[dreg:$0x2] =	wrdreg s24  }
0xaf: {  	[dreg:$0x3] =	wrdreg $0xA8000  }
0xb0: {  	[dreg:$0x4] =	wrdreg $0x9  }
0xb1: {  	_ =	task.clear_ibuf [dreg:s6], $0x5FFFF;
	_ =	strace $0x9000004C  }
0xb2: {  	s29 =	simm.s32 $0x9;
	_ =	strace $0x8000004E  }
0xb3: {  	_ =	swait.ge [sflag:s29], $0x1  }
0xb4: {  	[sflag:s29] =	ssyncadd.s32 $0xFFFFFFFF  }
0xb5: {  	_ =	strace $0x9000004E  }
0xb6: {  	_ =	sfence  }
0xb7: {  	s30 =	sld [smem:$0x0];
	_ =	sdelay $0x2  }
0xb8: {  	s31 =	sshll.u32 s1, $0xD;
	s1 =	sshrl.u32 s1, $0x2  }
0xb9: {  	s3 =	sand.u32 $0x4000, s31;
	s1 =	sadd.s32 s1, s30  }
0xba: {  	s0 =	sor.u32 s3, s0;
	s1 =	sshll.u32 s1, $0x11  }
0xbb: {  	s0 =	sor.u32 s1, s0  }
0xbc: {  	s0 =	sadd.s32 $0x8F2B, s0  }
0xbd: {  	[sflag:s0] =	ssyncadd.remote.s32 $0x1  }
0xbe: {  	_ =	sfence.sel $0xFFFF  }
0xbf: {  	[dreg:$0x0] =	wrdreg $0xFFFFFFFF;
	(pc) =	sbr.abs _section_cstart, $3  }
0xc0: {  	[dreg:$0x1] =	wrdreg $0xFFFFFFFF  }
0xc1: {  	_ =	task.clear_ibuf [dreg:s6], $0x2FFFF;
	_ =	strace $0x9FFFFFFF  }
0xc2: {  	(tm) =	ssettm $0x7FFFFFFF  }
0xc3: {  	_ =	shalt  }
tec
execute0_lowered:
.L_overlay_start_1:
0x0: {  	(tag) =	ssettag $0x1  }
0x1: {  	s5 =	rddreg [dreg:$0x0]  }
0x2: {  	s1 =	rddreg [dreg:$0x1]  }
0x3: {  	s0 =	rddreg [dreg:$0x2];
	s3 =	simm.s32 $0x0;
	s4 =	srdreg.scid  }
0x4: {  	s2 =	stileid.u32;
	s14 =	simm.s32 $0x50;
	s15 =	simm.s32 $0x8000  }
0x5: {  	s16 =	simm.s32 $0x1;
	s17 =	simm.s32 $0x0;
	[smem:$0x7FF] =	sst s3  }
0x6: {  	s6 =	sand.u32 $0x1, s4;
	s7 =	sshll.u32 s2, $0xB;
	s8 =	smul.u32 $0x14000, s2  }
0x7: {  	s29 =	smul.u32 $0x50000, s2;
	s31 =	sshll.u32 s2, $0x6;
	s4 =	sshll.u32 s6, $0xF  }
0x8: {  	_ =	strace $0x8000004D;
	s9 =	smul.u32 $0x140000, s6;
	s6 =	ssub.s32 $0x2, s6  }
0x9: {  	s7 =	sor.u32 s7, s4;
	s4 =	sadd.s32 $0x6B800, s5;
	s28 =	sshrl.u32 s8, $0x3  }
0xa: {  	s11 =	sshrl.u32 s6, $0x1;
	s30 =	sshrl.u32 s29, $0x2;
	s10 =	sadd.s32 s7, s5  }
0xb: {  	s8 =	sadd.s32 s8, s9;
	s7 =	sadd.s32 s28, s5;
	s11 =	ssub.s32 s6, s11  }
0xc: {  	s13 =	sadd.s32 s30, s1;
	s6 =	sor.u32 $0x1C02, s31;
	s8 =	sshrl.u32 s8, $0x3  }
0xd: {  	s12 =	sadd.s32 s8, s5;
	s5 =	sadd.s32 $0x93800, s7;
	s7 =	sadd.s32 $0x23800, s10  }
0xe: {  	s8 =	sadd.s32 $0x33800, s10;
	s10 =	smax.u32 s11, $0x1;
	s11 =	sshrl.u32 s13, $0x3  }
0xf: {  	s13 =	simm.s32 $0x4000;
	s9 =	sadd.s32 $0x133800, s12;
	s12 =	simm.s32 $0x2  }
.LBB2_1:
0x10: {  	[spmem:s11], [sflag:s6] =	dma.local [hbm:s5], $0x2800  }
0x11: {  	_ =	swait.ge [sflag:s12], $0x2800  }
0x12: {  	[sflag:s12] =	ssyncset.done $0x0  }
0x13: {  	[sflag:s12] =	ssyncadd.s32 $0xFFFFD800  }
0x14: {  	[tilespmem:s3], [sflag:$0x2] =	stream.linear.gather [hbm4b:s7+s3], $0x3E80, $0x38;
	[tilespmem:$0x1E800] =	vst v63  }
0x15: {  	_ =	swait.ge [sflag:s12], $0x3E80  }
0x16: {  	[sflag:s12] =	ssyncset.done $0x0  }
0x17: {  	[sflag:s12] =	ssyncadd.s32 $0xFFFFC180  }
0x18: {  	[tilespmem:s13], [sflag:$0x2] =	stream.linear.gather [hbm4b:s8+s3], $0x3E80, $0x38;
	[tilespmem:$0x1E800] =	vst v63  }
0x19: {  	_ =	swait.ge [sflag:s12], $0x3E80  }
0x1a: {  	[sflag:s12] =	ssyncset.done $0x0  }
0x1b: {  	[sflag:s12] =	ssyncadd.s32 $0xFFFFC180  }
0x1c: {  	s18 =	simm.s32 $0x0;
	[bflag:$0x0] =	sbarrier.arrive $0xFFFF  }
0x1d: {  	[tilespmem:s15], [sflag:$0x1] =	stream.indirect.gather [hbm4b:s4+s14], $0x80, s18, s14, $0xb8;
	[tilespmem:$0x1E800] =	vst v63  }
0x1e: {  	_ =	swait.ge [sflag:s16], $0x2800  }
0x1f: {  	[sflag:s16] =	ssyncset.done $0x0  }
0x20: {  	s31 =	simm.s32 $0x4000;
	[sflag:s16] =	ssyncadd.s32 $0xFFFFD800  }
0x21: {  	[spmem:s1] =	stream.indirect.scatter.add.f32 [tilespmem:s15], [sflag:$0x2], $0x80, s31, s14, $0xb8;
	[tilespmem:$0x1E800] =	vst v63  }
0x22: {  	_ =	swait.ge [sflag:s12], $0x2800  }
0x23: {  	s19 =	simm.s32 $0x400;
	s18 =	simm.s32 $0x200;
	[sflag:s12] =	ssyncset.done $0x0  }
.LBB2_2:
0x24: {  	s20 =	sshra.s32 s18, $0x2  }
0x25: {  	[sflag:s12] =	ssyncadd.s32 $0xFFFFD800;
	s18 =	smov.u32 s19;
	s21 =	sadd.s32 $0x200, s19  }
0x26: {  	[tilespmem:s15], [sflag:$0x1] =	stream.indirect.gather [hbm4b:s4+s14], $0x80, s20, s14, $0xb8;
	[tilespmem:$0x1E800] =	vst v63  }
0x27: {  	p0 =	sne.s32 s19, $0xF800;
	_ =	swait.ge [sflag:s16], $0x2800  }
.Ltmp0:
0x28: {  	[sflag:s16] =	ssyncset.done $0x0;
	(pc) =	sbr.rel @p0 .LBB2_2-.Ltmp0, $4  }
0x29: {  	s19 =	sadd.s32 $0x4000, s20;
	[sflag:s16] =	ssyncadd.s32 $0xFFFFD800  }
0x2a: {  	[spmem:s1] =	stream.indirect.scatter.add.f32 [tilespmem:s15], [sflag:$0x2], $0x80, s19, s14, $0xb8;
	[tilespmem:$0x1E800] =	vst v63  }
0x2b: {  	_ =	swait.ge [sflag:s12], $0x2800  }
0x2c: {  	s19 =	smov.u32 s21;
	[sflag:s12] =	ssyncset.done $0x0  }
0x2d: {  	s18 =	sshra.s32 s18, $0x2;
	[sflag:s12] =	ssyncadd.s32 $0xFFFFD800  }
0x2e: {  	[tilespmem:s15], [sflag:$0x1] =	stream.indirect.gather [hbm4b:s4+s14], $0x80, s18, s14, $0xb8;
	[tilespmem:$0x1E800] =	vst v63  }
0x2f: {  	_ =	swait.ge [sflag:s16], $0x2800  }
0x30: {  	[sflag:s16] =	ssyncset.done $0x0  }
0x31: {  	s18 =	sadd.s32 $0x4000, s18;
	[sflag:s16] =	ssyncadd.s32 $0xFFFFD800  }
0x32: {  	[spmem:s1] =	stream.indirect.scatter.add.f32 [tilespmem:s15], [sflag:$0x2], $0x80, s18, s14, $0xb8;
	[tilespmem:$0x1E800] =	vst v63  }
0x33: {  	_ =	swait.ge [sflag:s12], $0x2800  }
0x34: {  	s17 =	sadd.s32 $0x1, s17;
	[sflag:s12] =	ssyncset.done $0x0  }
0x35: {  	p0 =	sne.s32 s17, s10;
	[sflag:s12] =	ssyncadd.s32 $0xFFFFD800  }
.Ltmp1:
0x36: {  	[bflag:$0x0] =	sbarrier.arrive $0xFFFF;
	(pc) =	sbr.rel @p0 .LBB2_1-.Ltmp1, $4  }
0x37: {  	[hbm:s9], [sflag:s6] =	dma.local [spmem:s11], $0x2800  }
0x38: {  	_ =	swait.ge [sflag:s12], $0x2800  }
0x39: {  	[sflag:s12] =	ssyncset.done $0x0  }
0x3a: {  	[sflag:s12] =	ssyncadd.s32 $0xFFFFD800  }
0x3b: {  	_ =	sfence.sel $0x180000  }
0x3c: {  	[bflag:$0x0] =	sbarrier.arrive $0xFFFF  }
0x3d: {  	p0 =	sne.s32 s2, $0x0;
	_ =	strace $0x9000004D  }
0x3e: {  	s0 =	sadd.s32 @!p0 $0x100000, s0;
	[bflag:$0x2] =	sbarrier.arrive $0xFFFF  }
0x3f: {  	[sflag:s0] =	ssyncadd.tile.s32 @!p0 $0x1;
	_ =	shalt  }
.Lfunc_end2:
_tile_overlayer_lowered:
.L_overlay_start_2:
0x40: {  	(tag) =	ssettag $0x2  }
0x41: {  	s0 =	rddreg [dreg:$0x0];
	s2 =	stileid.u32  }
0x42: {  	s1 =	rddreg [dreg:$0x1];
	p0 =	sne.s32 s2, $0x0  }
0x43: {  	s3 =	rddreg [dreg:$0x2];
	[bflag:$0x3] =	sbarrier.arrive $0xFFFF;
	s2 =	simm.s32 @!p0 $0x1C02  }
0x44: {  	[timem:s3], [sflag:s2] =	dma.local @!p0 [hbm:s0], s1  }
0x45: {  	s0 =	simm.s32 @!p0 $0x2  }
0x46: {  	_ =	swait.ge @!p0 [sflag:s0], s1  }
0x47: {  	s1 =	ssub.s32 @!p0 $0x0, s1;
	[sflag:s0] =	ssyncset.done @!p0 $0x0  }
0x48: {  	[sflag:s0] =	ssyncadd.s32 @!p0 s1  }
0x49: {  	[bflag:$0x3] =	sbarrier.arrive $0xFFFF  }
0x4a: {  	_ =	shalt  }

// kernel: kernel.23.cloned.1.call-start
scs
__scs_entry_jumppad:
0x0: {  	(pc) =	sbr.rel $0x88, $3  }
0x1: {  	(tag) =	ssettag $0x0;
	lr =	simm.s32 $0x1  }
0x2: {  	[smem:$0x3F91] =	sst lr;
	_ =	strace $0xD0000000  }
0x3: {  	_ = 	snop  }
0x4: {  	_ = 	snop  }
0x5: {  	_ = 	snop  }
0x6: {  	_ = 	snop  }
0x7: {  	_ = 	snop  }
__scs_overlays_trampoline_lowered:
0x8: {  	[smem:$0x3FA0] =	sst s0  }
0x9: {  	[smem:$0x3FA1] =	sst s1  }
0xa: {  	[smem:$0x3FA2] =	sst s2  }
0xb: {  	[smem:$0x3FA3] =	sst s3  }
0xc: {  	[smem:$0x3FA4] =	sst s4  }
0xd: {  	[smem:$0x3FA5] =	sst s5  }
0xe: {  	[smem:$0x3FA6] =	sst s6  }
0xf: {  	[smem:$0x3FA7] =	sst s7  }
0x10: {  	[smem:$0x3FA8] =	sst s8  }
0x11: {  	[smem:$0x3FA9] =	sst s9;
	s0 =	simm.s32 @!p0 $0x0  }
0x12: {  	s1 =	sld [smem:$0x3F8F];
	s0 =	simm.s32 @p0 $0x1  }
0x13: {  	[smem:$0x3FAA] =	sst s0;
	s0 =	simm.s32 @!p1 $0x0  }
0x14: {  	s2 =	sld [smem:$0x3F8E];
	s0 =	simm.s32 @p1 $0x1  }
0x15: {  	[smem:$0x3FAB] =	sst s0;
	s0 =	simm.s32 @!p2 $0x0  }
0x16: {  	s3 =	sld [smem:$0x3FDB];
	s0 =	simm.s32 @p2 $0x1  }
0x17: {  	s4 =	simm.s32 $0x1BF5;
	[smem:$0x3FAD] =	sst s0  }
0x18: {  	s0 =	sld [smem:$0x3F90];
	_ =	swait.ge [sflag:s4], $0x0  }
0x19: {  	s7 =	sld [smem:$0x3F91]  }
0x1a: {  	s8 =	sadd.s32 $0xFFFFE003, lr  }
0x1b: {  	s9 =	sadd.s32 $0xFFFFFEF7, lr;
	s5 =	simm.s32 $0xFFFFFFFF;
	p2 =	slt.u32 s8, $0xFFFFF086  }
0x1c: {  	p1 =	slt.u32 s9, $0xF7A;
	s5 =	simm.s32 @!p2 $0x0  }
0x1d: {  	s5 =	simm.s32 @p1 $0x1;
	p0 =	seq.s32 s7, s2  }
0x1e: {  	s7 =	smul.u32 @!p0 $0xF7A, s2;
	p2 =	seq.s32 @!p0 s5, $0x0  }
0x1f: {  	s9 =	smul.u32 $0xF7A, s1;
	s8 =	simm.s32 @!p0 $0x1BF5;
	p2 =	por !p2, p0  }
0x20: {  	[sflag:s8] =	ssyncset.s32 @!p0 $0xFFFFF086;
	s6 =	sadd.s32 @!p0 s3, s7;
	s7 =	simm.s32 @!p0 $0x108  }
0x21: {  	s3 =	sadd.s32 s3, s9;
	s6 =	sadd.s32 @!p0 $0x88, s6;
	s7 =	simm.s32 @p2 $0x1082  }
0x22: {  	[simem:s7], [sflag:s8] =	dma.local @!p0 [hbm:s6], $0xF7A  }
0x23: {  	s9 =	sor.u32 $0xD0000000, s2;
	s6 =	simm.s32 $0x108;
	_ =	swait.ge @!p0 [sflag:s8], $0x0  }
0x24: {  	s3 =	sadd.s32 $0x88, s3;
	s6 =	simm.s32 @!p1 $0x1082;
	[sflag:s4] =	ssyncset.s32 $0xFFFFF086  }
0x25: {  	[simem:s6], [sflag:s4] =	dma.local [hbm:s3], $0xF7A  }
0x26: {  	[smem:$0x3F91] =	sst s1;
	(tag) =	ssettag s2;
	_ =	strace s9  }
0x27: {  	s1 =	sld [smem:$0x3FA1]  }
0x28: {  	s2 =	sld [smem:$0x3FA2]  }
0x29: {  	s4 =	sld [smem:$0x3FA4]  }
0x2a: {  	p0 =	seq.s32 s5, $0x0;
	s5 =	sld [smem:$0x3FA5]  }
0x2b: {  	s6 =	sld [smem:$0x3FA6]  }
0x2c: {  	s7 =	sld [smem:$0x3FA7]  }
0x2d: {  	s3 =	simm.s32 $0x108;
	s8 =	sld [smem:$0x3FA8]  }
0x2e: {  	s3 =	simm.s32 @!p0 $0x1082;
	s9 =	sld [smem:$0x3FA9]  }
0x2f: {  	lr =	sadd.s32 s0, s3;
	s0 =	sld [smem:$0x3FA0]  }
0x30: {  	s3 =	sld [smem:$0x3FA3]  }
0x31: {  	[smem:$0x3FAC] =	sst s10  }
0x32: {  	s10 =	sld [smem:$0x3FAA];
	_ =	sdelay $0x3  }
0x33: {  	p0 =	seq.s32 s10, $0x1;
	s10 =	sld [smem:$0x3FAC];
	_ =	sdelay $0x3  }
0x34: {  	[smem:$0x3FAC] =	sst s10  }
0x35: {  	s10 =	sld [smem:$0x3FAB];
	_ =	sdelay $0x3  }
0x36: {  	p1 =	seq.s32 s10, $0x1;
	s10 =	sld [smem:$0x3FAC];
	_ =	sdelay $0x3  }
0x37: {  	[smem:$0x3FAC] =	sst s10  }
0x38: {  	s10 =	sld [smem:$0x3FAD]  }
0x39: {  	_ = 	snop;
	(pc) =	sbr.ind lr, $3  }
0x3a: {  	_ = 	snop  }
0x3b: {  	_ = 	snop  }
0x3c: {  	p2 =	seq.s32 s10, $0x1;
	s10 =	sld [smem:$0x3FAC]  }
0x3d: {  	_ =	shalt  }
0x3e: {  	_ =	shalt  }
0x3f: {  	_ =	shalt  }
0x40: {  	_ =	shalt  }
0x41: {  	_ =	shalt  }
0x42: {  	_ =	shalt  }
0x43: {  	_ =	shalt  }
0x44: {  	_ =	shalt  }
0x45: {  	_ =	shalt  }
0x46: {  	_ =	shalt  }
0x47: {  	_ =	shalt  }
0x48: {  	_ =	shalt  }
0x49: {  	_ =	shalt  }
0x4a: {  	_ =	shalt  }
0x4b: {  	_ =	shalt  }
0x4c: {  	_ =	shalt  }
0x4d: {  	_ =	shalt  }
0x4e: {  	_ =	shalt  }
0x4f: {  	_ =	shalt  }
0x50: {  	_ =	shalt  }
0x51: {  	_ =	shalt  }
0x52: {  	_ =	shalt  }
0x53: {  	_ =	shalt  }
0x54: {  	_ =	shalt  }
0x55: {  	_ =	shalt  }
0x56: {  	_ =	shalt  }
0x57: {  	_ =	shalt  }
0x58: {  	_ =	shalt  }
0x59: {  	_ =	shalt  }
0x5a: {  	_ =	shalt  }
0x5b: {  	_ =	shalt  }
0x5c: {  	_ =	shalt  }
0x5d: {  	_ =	shalt  }
0x5e: {  	_ =	shalt  }
0x5f: {  	_ =	shalt  }
0x60: {  	_ =	shalt  }
0x61: {  	_ =	shalt  }
0x62: {  	_ =	shalt  }
0x63: {  	_ =	shalt  }
0x64: {  	_ =	shalt  }
0x65: {  	_ =	shalt  }
0x66: {  	_ =	shalt  }
0x67: {  	_ =	shalt  }
0x68: {  	_ =	shalt  }
0x69: {  	_ =	shalt  }
0x6a: {  	_ =	shalt  }
0x6b: {  	_ =	shalt  }
0x6c: {  	_ =	shalt  }
0x6d: {  	_ =	shalt  }
0x6e: {  	_ =	shalt  }
0x6f: {  	_ =	shalt  }
0x70: {  	_ =	shalt  }
0x71: {  	_ =	shalt  }
0x72: {  	_ =	shalt  }
0x73: {  	_ =	shalt  }
0x74: {  	_ =	shalt  }
0x75: {  	_ =	shalt  }
0x76: {  	_ =	shalt  }
0x77: {  	_ =	shalt  }
0x78: {  	_ =	shalt  }
0x79: {  	_ =	shalt  }
0x7a: {  	_ =	shalt  }
0x7b: {  	_ =	shalt  }
0x7c: {  	_ =	shalt  }
0x7d: {  	_ =	shalt  }
0x7e: {  	_ =	shalt  }
0x7f: {  	_ =	shalt  }
0x80: {  	_ =	shalt  }
0x81: {  	_ =	shalt  }
0x82: {  	_ =	shalt  }
0x83: {  	_ =	shalt  }
0x84: {  	_ =	shalt  }
0x85: {  	_ =	shalt  }
0x86: {  	_ =	shalt  }
0x87: {  	_ =	shalt  }
.Lfunc_end0:
.L_simem_size_0:
called_computation.3_lowered:
.L_overlay_start_0:
0x88: {  	s2 =	sld [smem:$0x3FD9]  }
0x89: {  	s3 =	sld [smem:$0x3FFE];
	_ =	sdelay $0x1  }
0x8a: {  	s1 =	srdreg.scid  }
0x8b: {  	s0 =	sand.u32 $0x1, s1  }
0x8c: {  	s16 =	sshll.u32 s0, $0xA;
	s2 =	sadd.s32 s3, s2  }
0x8d: {  	s2 =	sadd.s32 s2, s16  }
0x8e: {  	[smem:$0x3FB8] =	sst s2  }
0x8f: {  	_ = 	snop  }
0x90: {  	(tm) =	ssettm $0x1  }
0x91: {  	s17 =	sld [smem:$0x3FFB];
	_ =	sdelay $0x3  }
0x92: {  	_ =	strace s17  }
0x93: {  	s2 =	sld [smem:$0x3FFC];
	_ =	sdelay $0x3  }
0x94: {  	_ =	strace s2  }
0x95: {  	s2 =	sld [smem:$0x3FFD];
	_ =	sdelay $0x3  }
0x96: {  	_ =	strace s2  }
0x97: {  	_ =	strace $0x8FFFFFFF  }
0x98: {  	s18 =	sld [smem:$0x3FDB];
	_ =	sdelay $0x1  }
0x99: {  	s19 =	simm.s32 $_scs_section_size  }
0x9a: {  	s4 =	simm.s32 $_size__tile_overlayer_lowered;
	s5 =	simm.s32 $_tile_overlayer_lowered  }
0x9b: {  	s22 =	simm.s32 $0x1BFF;
	s21 =	sshll.u32 s5, $0x1;
	s2 =	sadd.s32 s19, s18  }
0x9c: {  	s6 =	simm.s32 $0x0;
	s20 =	sshll.u32 s4, $0x1;
	s4 =	sadd.s32 s21, s2  }
0x9d: {  	[timem:s6], [sflag:s22] =	dma.local [hbm:s4], s20  }
0x9e: {  	_ =	swait.ge [sflag:s22], s20  }
0x9f: {  	s3 =	ssub.s32 $0x0, s20;
	[sflag:s22] =	ssyncset.done $0x0  }
0xa0: {  	[sflag:s22] =	ssyncadd.s32 s3;
	_ =	sdelay $0x1  }
0xa1: {  	s23 =	simm.s32 $0x1B8B  }
0xa2: {  	_ =	swait.ge [sflag:s23], $0x1  }
0xa3: {  	[sflag:s23] =	ssyncset.done $0x0  }
0xa4: {  	s25 =	simm.s32 $0x1B8E;
	s24 =	sld [smem:$0x3FFE];
	[sflag:s23] =	ssyncadd.s32 $0xFFFFFFFF  }
0xa5: {  	s26 =	simm.s32 $execute0_lowered;
	[smem:$0x3FD2] =	sst s25  }
0xa6: {  	s4 =	sshll.u32 s26, $0x1;
	_ =	strace $0x8000004F;
	[dreg:$0x1] =	wrdreg $0xFFFFFFFF  }
0xa7: {  	s28 =	simm.s32 $_size_execute0_lowered;
	s2 =	sadd.s32 s2, s4;
	[dreg:$0x0] =	wrdreg $0x0  }
0xa8: {  	s4 =	sshll.u32 s28, $0x1;
	[dreg:$0x2] =	wrdreg s2  }
0xa9: {  	[dreg:$0x3] =	wrdreg s4  }
0xaa: {  	[dreg:$0x4] =	wrdreg $0xC0  }
0xab: {  	_ =	task [dreg:s6], $0x5FFFF  }
0xac: {  	[dreg:$0x1] =	wrdreg $0xFFFFFFFF  }
0xad: {  	[dreg:$0x0] =	wrdreg $0x60  }
0xae: {  	[dreg:$0x2] =	wrdreg s24  }
0xaf: {  	[dreg:$0x3] =	wrdreg $0xA8000  }
0xb0: {  	[dreg:$0x4] =	wrdreg $0x9  }
0xb1: {  	_ =	task.clear_ibuf [dreg:s6], $0x5FFFF;
	_ =	strace $0x9000004F  }
0xb2: {  	s29 =	simm.s32 $0x9;
	_ =	strace $0x80000051  }
0xb3: {  	_ =	swait.ge [sflag:s29], $0x1  }
0xb4: {  	[sflag:s29] =	ssyncadd.s32 $0xFFFFFFFF  }
0xb5: {  	_ =	strace $0x90000051  }
0xb6: {  	_ =	sfence  }
0xb7: {  	s30 =	sld [smem:$0x0];
	_ =	sdelay $0x2  }
0xb8: {  	s31 =	sshll.u32 s1, $0xD;
	s1 =	sshrl.u32 s1, $0x2  }
0xb9: {  	s3 =	sand.u32 $0x4000, s31;
	s1 =	sadd.s32 s1, s30  }
0xba: {  	s0 =	sor.u32 s3, s0;
	s1 =	sshll.u32 s1, $0x11  }
0xbb: {  	s0 =	sor.u32 s1, s0  }
0xbc: {  	s0 =	sadd.s32 $0x8F2B, s0  }
0xbd: {  	[sflag:s0] =	ssyncadd.remote.s32 $0x1  }
0xbe: {  	_ =	sfence.sel $0xFFFF  }
0xbf: {  	[dreg:$0x0] =	wrdreg $0xFFFFFFFF;
	(pc) =	sbr.abs _section_cstart, $3  }
0xc0: {  	[dreg:$0x1] =	wrdreg $0xFFFFFFFF  }
0xc1: {  	_ =	task.clear_ibuf [dreg:s6], $0x2FFFF;
	_ =	strace $0x9FFFFFFF  }
0xc2: {  	(tm) =	ssettm $0x7FFFFFFF  }
0xc3: {  	_ =	shalt  }
tec
execute0_lowered:
.L_overlay_start_1:
0x0: {  	(tag) =	ssettag $0x1  }
0x1: {  	s5 =	rddreg [dreg:$0x0]  }
0x2: {  	s1 =	rddreg [dreg:$0x1]  }
0x3: {  	s0 =	rddreg [dreg:$0x2];
	s3 =	simm.s32 $0x0;
	s4 =	srdreg.scid  }
0x4: {  	s2 =	stileid.u32;
	s14 =	simm.s32 $0x50;
	s15 =	simm.s32 $0x8000  }
0x5: {  	s16 =	simm.s32 $0x1;
	s17 =	simm.s32 $0x0;
	[smem:$0x7FF] =	sst s3  }
0x6: {  	s6 =	sand.u32 $0x1, s4;
	s7 =	sshll.u32 s2, $0xB;
	s8 =	smul.u32 $0x14000, s2  }
0x7: {  	s29 =	smul.u32 $0x50000, s2;
	s31 =	sshll.u32 s2, $0x6;
	s4 =	sshll.u32 s6, $0xF  }
0x8: {  	_ =	strace $0x80000050;
	s9 =	smul.u32 $0x140000, s6;
	s6 =	ssub.s32 $0x2, s6  }
0x9: {  	s7 =	sor.u32 s7, s4;
	s4 =	sadd.s32 $0x6B800, s5;
	s28 =	sshrl.u32 s8, $0x3  }
0xa: {  	s11 =	sshrl.u32 s6, $0x1;
	s30 =	sshrl.u32 s29, $0x2;
	s10 =	sadd.s32 s7, s5  }
0xb: {  	s8 =	sadd.s32 s8, s9;
	s7 =	sadd.s32 s28, s5;
	s11 =	ssub.s32 s6, s11  }
0xc: {  	s13 =	sadd.s32 s30, s1;
	s6 =	sor.u32 $0x1C02, s31;
	s8 =	sshrl.u32 s8, $0x3  }
0xd: {  	s12 =	sadd.s32 s8, s5;
	s5 =	sadd.s32 $0x93800, s7;
	s7 =	sadd.s32 $0x23800, s10  }
0xe: {  	s8 =	sadd.s32 $0x33800, s10;
	s10 =	smax.u32 s11, $0x1;
	s11 =	sshrl.u32 s13, $0x3  }
0xf: {  	s13 =	simm.s32 $0x4000;
	s9 =	sadd.s32 $0x133800, s12;
	s12 =	simm.s32 $0x2  }
.LBB2_1:
0x10: {  	[spmem:s11], [sflag:s6] =	dma.local [hbm:s5], $0x2800  }
0x11: {  	_ =	swait.ge [sflag:s12], $0x2800  }
0x12: {  	[sflag:s12] =	ssyncset.done $0x0  }
0x13: {  	[sflag:s12] =	ssyncadd.s32 $0xFFFFD800  }
0x14: {  	[tilespmem:s3], [sflag:$0x2] =	stream.linear.gather [hbm4b:s7+s3], $0x3E80, $0x38;
	[tilespmem:$0x1E800] =	vst v63  }
0x15: {  	_ =	swait.ge [sflag:s12], $0x3E80  }
0x16: {  	[sflag:s12] =	ssyncset.done $0x0  }
0x17: {  	[sflag:s12] =	ssyncadd.s32 $0xFFFFC180  }
0x18: {  	[tilespmem:s13], [sflag:$0x2] =	stream.linear.gather [hbm4b:s8+s3], $0x3E80, $0x38;
	[tilespmem:$0x1E800] =	vst v63  }
0x19: {  	_ =	swait.ge [sflag:s12], $0x3E80  }
0x1a: {  	[sflag:s12] =	ssyncset.done $0x0  }
0x1b: {  	[sflag:s12] =	ssyncadd.s32 $0xFFFFC180  }
0x1c: {  	s18 =	simm.s32 $0x0;
	[bflag:$0x0] =	sbarrier.arrive $0xFFFF  }
0x1d: {  	[tilespmem:s15], [sflag:$0x1] =	stream.indirect.gather [hbm4b:s4+s14], $0x80, s18, s14, $0xb8;
	[tilespmem:$0x1E800] =	vst v63  }
0x1e: {  	_ =	swait.ge [sflag:s16], $0x2800  }
0x1f: {  	[sflag:s16] =	ssyncset.done $0x0  }
0x20: {  	s31 =	simm.s32 $0x4000;
	[sflag:s16] =	ssyncadd.s32 $0xFFFFD800  }
0x21: {  	[spmem:s1] =	stream.indirect.scatter.add.f32 [tilespmem:s15], [sflag:$0x2], $0x80, s31, s14, $0xb8;
	[tilespmem:$0x1E800] =	vst v63  }
0x22: {  	_ =	swait.ge [sflag:s12], $0x2800  }
0x23: {  	s19 =	simm.s32 $0x400;
	s18 =	simm.s32 $0x200;
	[sflag:s12] =	ssyncset.done $0x0  }
.LBB2_2:
0x24: {  	s20 =	sshra.s32 s18, $0x2  }
0x25: {  	[sflag:s12] =	ssyncadd.s32 $0xFFFFD800;
	s18 =	smov.u32 s19;
	s21 =	sadd.s32 $0x200, s19  }
0x26: {  	[tilespmem:s15], [sflag:$0x1] =	stream.indirect.gather [hbm4b:s4+s14], $0x80, s20, s14, $0xb8;
	[tilespmem:$0x1E800] =	vst v63  }
0x27: {  	p0 =	sne.s32 s19, $0xF800;
	_ =	swait.ge [sflag:s16], $0x2800  }
.Ltmp0:
0x28: {  	[sflag:s16] =	ssyncset.done $0x0;
	(pc) =	sbr.rel @p0 .LBB2_2-.Ltmp0, $4  }
0x29: {  	s19 =	sadd.s32 $0x4000, s20;
	[sflag:s16] =	ssyncadd.s32 $0xFFFFD800  }
0x2a: {  	[spmem:s1] =	stream.indirect.scatter.add.f32 [tilespmem:s15], [sflag:$0x2], $0x80, s19, s14, $0xb8;
	[tilespmem:$0x1E800] =	vst v63  }
0x2b: {  	_ =	swait.ge [sflag:s12], $0x2800  }
0x2c: {  	s19 =	smov.u32 s21;
	[sflag:s12] =	ssyncset.done $0x0  }
0x2d: {  	s18 =	sshra.s32 s18, $0x2;
	[sflag:s12] =	ssyncadd.s32 $0xFFFFD800  }
0x2e: {  	[tilespmem:s15], [sflag:$0x1] =	stream.indirect.gather [hbm4b:s4+s14], $0x80, s18, s14, $0xb8;
	[tilespmem:$0x1E800] =	vst v63  }
0x2f: {  	_ =	swait.ge [sflag:s16], $0x2800  }
0x30: {  	[sflag:s16] =	ssyncset.done $0x0  }
0x31: {  	s18 =	sadd.s32 $0x4000, s18;
	[sflag:s16] =	ssyncadd.s32 $0xFFFFD800  }
0x32: {  	[spmem:s1] =	stream.indirect.scatter.add.f32 [tilespmem:s15], [sflag:$0x2], $0x80, s18, s14, $0xb8;
	[tilespmem:$0x1E800] =	vst v63  }
0x33: {  	_ =	swait.ge [sflag:s12], $0x2800  }
0x34: {  	s17 =	sadd.s32 $0x1, s17;
	[sflag:s12] =	ssyncset.done $0x0  }
0x35: {  	p0 =	sne.s32 s17, s10;
	[sflag:s12] =	ssyncadd.s32 $0xFFFFD800  }
.Ltmp1:
0x36: {  	[bflag:$0x0] =	sbarrier.arrive $0xFFFF;
	(pc) =	sbr.rel @p0 .LBB2_1-.Ltmp1, $4  }
0x37: {  	[hbm:s9], [sflag:s6] =	dma.local [spmem:s11], $0x2800  }
0x38: {  	_ =	swait.ge [sflag:s12], $0x2800  }
0x39: {  	[sflag:s12] =	ssyncset.done $0x0  }
0x3a: {  	[sflag:s12] =	ssyncadd.s32 $0xFFFFD800  }
0x3b: {  	_ =	sfence.sel $0x180000  }
0x3c: {  	[bflag:$0x0] =	sbarrier.arrive $0xFFFF  }
0x3d: {  	p0 =	sne.s32 s2, $0x0;
	_ =	strace $0x90000050  }
0x3e: {  	s0 =	sadd.s32 @!p0 $0x100000, s0;
	[bflag:$0x2] =	sbarrier.arrive $0xFFFF  }
0x3f: {  	[sflag:s0] =	ssyncadd.tile.s32 @!p0 $0x1;
	_ =	shalt  }
.Lfunc_end2:
_tile_overlayer_lowered:
.L_overlay_start_2:
0x40: {  	(tag) =	ssettag $0x2  }
0x41: {  	s0 =	rddreg [dreg:$0x0];
	s2 =	stileid.u32  }
0x42: {  	s1 =	rddreg [dreg:$0x1];
	p0 =	sne.s32 s2, $0x0  }
0x43: {  	s3 =	rddreg [dreg:$0x2];
	[bflag:$0x3] =	sbarrier.arrive $0xFFFF;
	s2 =	simm.s32 @!p0 $0x1C02  }
0x44: {  	[timem:s3], [sflag:s2] =	dma.local @!p0 [hbm:s0], s1  }
0x45: {  	s0 =	simm.s32 @!p0 $0x2  }
0x46: {  	_ =	swait.ge @!p0 [sflag:s0], s1  }
0x47: {  	s1 =	ssub.s32 @!p0 $0x0, s1;
	[sflag:s0] =	ssyncset.done @!p0 $0x0  }
0x48: {  	[sflag:s0] =	ssyncadd.s32 @!p0 s1  }
0x49: {  	[bflag:$0x3] =	sbarrier.arrive $0xFFFF  }
0x4a: {  	_ =	shalt  }

// kernel: kernel.26.cloned.1.call-start
scs
__scs_entry_jumppad:
0x0: {  	(pc) =	sbr.rel $0x88, $3  }
0x1: {  	(tag) =	ssettag $0x0;
	lr =	simm.s32 $0x1  }
0x2: {  	[smem:$0x3F91] =	sst lr;
	_ =	strace $0xD0000000  }
0x3: {  	_ = 	snop  }
0x4: {  	_ = 	snop  }
0x5: {  	_ = 	snop  }
0x6: {  	_ = 	snop  }
0x7: {  	_ = 	snop  }
__scs_overlays_trampoline_lowered:
0x8: {  	[smem:$0x3FA0] =	sst s0  }
0x9: {  	[smem:$0x3FA1] =	sst s1  }
0xa: {  	[smem:$0x3FA2] =	sst s2  }
0xb: {  	[smem:$0x3FA3] =	sst s3  }
0xc: {  	[smem:$0x3FA4] =	sst s4  }
0xd: {  	[smem:$0x3FA5] =	sst s5  }
0xe: {  	[smem:$0x3FA6] =	sst s6  }
0xf: {  	[smem:$0x3FA7] =	sst s7  }
0x10: {  	[smem:$0x3FA8] =	sst s8  }
0x11: {  	[smem:$0x3FA9] =	sst s9;
	s0 =	simm.s32 @!p0 $0x0  }
0x12: {  	s1 =	sld [smem:$0x3F8F];
	s0 =	simm.s32 @p0 $0x1  }
0x13: {  	[smem:$0x3FAA] =	sst s0;
	s0 =	simm.s32 @!p1 $0x0  }
0x14: {  	s2 =	sld [smem:$0x3F8E];
	s0 =	simm.s32 @p1 $0x1  }
0x15: {  	[smem:$0x3FAB] =	sst s0;
	s0 =	simm.s32 @!p2 $0x0  }
0x16: {  	s3 =	sld [smem:$0x3FDB];
	s0 =	simm.s32 @p2 $0x1  }
0x17: {  	s4 =	simm.s32 $0x1BF5;
	[smem:$0x3FAD] =	sst s0  }
0x18: {  	s0 =	sld [smem:$0x3F90];
	_ =	swait.ge [sflag:s4], $0x0  }
0x19: {  	s7 =	sld [smem:$0x3F91]  }
0x1a: {  	s8 =	sadd.s32 $0xFFFFE003, lr  }
0x1b: {  	s9 =	sadd.s32 $0xFFFFFEF7, lr;
	s5 =	simm.s32 $0xFFFFFFFF;
	p2 =	slt.u32 s8, $0xFFFFF086  }
0x1c: {  	p1 =	slt.u32 s9, $0xF7A;
	s5 =	simm.s32 @!p2 $0x0  }
0x1d: {  	s5 =	simm.s32 @p1 $0x1;
	p0 =	seq.s32 s7, s2  }
0x1e: {  	s7 =	smul.u32 @!p0 $0xF7A, s2;
	p2 =	seq.s32 @!p0 s5, $0x0  }
0x1f: {  	s9 =	smul.u32 $0xF7A, s1;
	s8 =	simm.s32 @!p0 $0x1BF5;
	p2 =	por !p2, p0  }
0x20: {  	[sflag:s8] =	ssyncset.s32 @!p0 $0xFFFFF086;
	s6 =	sadd.s32 @!p0 s3, s7;
	s7 =	simm.s32 @!p0 $0x108  }
0x21: {  	s3 =	sadd.s32 s3, s9;
	s6 =	sadd.s32 @!p0 $0x88, s6;
	s7 =	simm.s32 @p2 $0x1082  }
0x22: {  	[simem:s7], [sflag:s8] =	dma.local @!p0 [hbm:s6], $0xF7A  }
0x23: {  	s9 =	sor.u32 $0xD0000000, s2;
	s6 =	simm.s32 $0x108;
	_ =	swait.ge @!p0 [sflag:s8], $0x0  }
0x24: {  	s3 =	sadd.s32 $0x88, s3;
	s6 =	simm.s32 @!p1 $0x1082;
	[sflag:s4] =	ssyncset.s32 $0xFFFFF086  }
0x25: {  	[simem:s6], [sflag:s4] =	dma.local [hbm:s3], $0xF7A  }
0x26: {  	[smem:$0x3F91] =	sst s1;
	(tag) =	ssettag s2;
	_ =	strace s9  }
0x27: {  	s1 =	sld [smem:$0x3FA1]  }
0x28: {  	s2 =	sld [smem:$0x3FA2]  }
0x29: {  	s4 =	sld [smem:$0x3FA4]  }
0x2a: {  	p0 =	seq.s32 s5, $0x0;
	s5 =	sld [smem:$0x3FA5]  }
0x2b: {  	s6 =	sld [smem:$0x3FA6]  }
0x2c: {  	s7 =	sld [smem:$0x3FA7]  }
0x2d: {  	s3 =	simm.s32 $0x108;
	s8 =	sld [smem:$0x3FA8]  }
0x2e: {  	s3 =	simm.s32 @!p0 $0x1082;
	s9 =	sld [smem:$0x3FA9]  }
0x2f: {  	lr =	sadd.s32 s0, s3;
	s0 =	sld [smem:$0x3FA0]  }
0x30: {  	s3 =	sld [smem:$0x3FA3]  }
0x31: {  	[smem:$0x3FAC] =	sst s10  }
0x32: {  	s10 =	sld [smem:$0x3FAA];
	_ =	sdelay $0x3  }
0x33: {  	p0 =	seq.s32 s10, $0x1;
	s10 =	sld [smem:$0x3FAC];
	_ =	sdelay $0x3  }
0x34: {  	[smem:$0x3FAC] =	sst s10  }
0x35: {  	s10 =	sld [smem:$0x3FAB];
	_ =	sdelay $0x3  }
0x36: {  	p1 =	seq.s32 s10, $0x1;
	s10 =	sld [smem:$0x3FAC];
	_ =	sdelay $0x3  }
0x37: {  	[smem:$0x3FAC] =	sst s10  }
0x38: {  	s10 =	sld [smem:$0x3FAD]  }
0x39: {  	_ = 	snop;
	(pc) =	sbr.ind lr, $3  }
0x3a: {  	_ = 	snop  }
0x3b: {  	_ = 	snop  }
0x3c: {  	p2 =	seq.s32 s10, $0x1;
	s10 =	sld [smem:$0x3FAC]  }
0x3d: {  	_ =	shalt  }
0x3e: {  	_ =	shalt  }
0x3f: {  	_ =	shalt  }
0x40: {  	_ =	shalt  }
0x41: {  	_ =	shalt  }
0x42: {  	_ =	shalt  }
0x43: {  	_ =	shalt  }
0x44: {  	_ =	shalt  }
0x45: {  	_ =	shalt  }
0x46: {  	_ =	shalt  }
0x47: {  	_ =	shalt  }
0x48: {  	_ =	shalt  }
0x49: {  	_ =	shalt  }
0x4a: {  	_ =	shalt  }
0x4b: {  	_ =	shalt  }
0x4c: {  	_ =	shalt  }
0x4d: {  	_ =	shalt  }
0x4e: {  	_ =	shalt  }
0x4f: {  	_ =	shalt  }
0x50: {  	_ =	shalt  }
0x51: {  	_ =	shalt  }
0x52: {  	_ =	shalt  }
0x53: {  	_ =	shalt  }
0x54: {  	_ =	shalt  }
0x55: {  	_ =	shalt  }
0x56: {  	_ =	shalt  }
0x57: {  	_ =	shalt  }
0x58: {  	_ =	shalt  }
0x59: {  	_ =	shalt  }
0x5a: {  	_ =	shalt  }
0x5b: {  	_ =	shalt  }
0x5c: {  	_ =	shalt  }
0x5d: {  	_ =	shalt  }
0x5e: {  	_ =	shalt  }
0x5f: {  	_ =	shalt  }
0x60: {  	_ =	shalt  }
0x61: {  	_ =	shalt  }
0x62: {  	_ =	shalt  }
0x63: {  	_ =	shalt  }
0x64: {  	_ =	shalt  }
0x65: {  	_ =	shalt  }
0x66: {  	_ =	shalt  }
0x67: {  	_ =	shalt  }
0x68: {  	_ =	shalt  }
0x69: {  	_ =	shalt  }
0x6a: {  	_ =	shalt  }
0x6b: {  	_ =	shalt  }
0x6c: {  	_ =	shalt  }
0x6d: {  	_ =	shalt  }
0x6e: {  	_ =	shalt  }
0x6f: {  	_ =	shalt  }
0x70: {  	_ =	shalt  }
0x71: {  	_ =	shalt  }
0x72: {  	_ =	shalt  }
0x73: {  	_ =	shalt  }
0x74: {  	_ =	shalt  }
0x75: {  	_ =	shalt  }
0x76: {  	_ =	shalt  }
0x77: {  	_ =	shalt  }
0x78: {  	_ =	shalt  }
0x79: {  	_ =	shalt  }
0x7a: {  	_ =	shalt  }
0x7b: {  	_ =	shalt  }
0x7c: {  	_ =	shalt  }
0x7d: {  	_ =	shalt  }
0x7e: {  	_ =	shalt  }
0x7f: {  	_ =	shalt  }
0x80: {  	_ =	shalt  }
0x81: {  	_ =	shalt  }
0x82: {  	_ =	shalt  }
0x83: {  	_ =	shalt  }
0x84: {  	_ =	shalt  }
0x85: {  	_ =	shalt  }
0x86: {  	_ =	shalt  }
0x87: {  	_ =	shalt  }
.Lfunc_end0:
.L_simem_size_0:
called_computation.4_lowered:
.L_overlay_start_0:
0x88: {  	s2 =	sld [smem:$0x3FD9]  }
0x89: {  	s3 =	sld [smem:$0x3FFE];
	_ =	sdelay $0x1  }
0x8a: {  	s1 =	srdreg.scid  }
0x8b: {  	s0 =	sand.u32 $0x1, s1  }
0x8c: {  	s16 =	sshll.u32 s0, $0xA;
	s2 =	sadd.s32 s3, s2  }
0x8d: {  	s2 =	sadd.s32 s2, s16  }
0x8e: {  	[smem:$0x3FB8] =	sst s2  }
0x8f: {  	_ = 	snop  }
0x90: {  	(tm) =	ssettm $0x1  }
0x91: {  	s17 =	sld [smem:$0x3FFB];
	_ =	sdelay $0x3  }
0x92: {  	_ =	strace s17  }
0x93: {  	s2 =	sld [smem:$0x3FFC];
	_ =	sdelay $0x3  }
0x94: {  	_ =	strace s2  }
0x95: {  	s2 =	sld [smem:$0x3FFD];
	_ =	sdelay $0x3  }
0x96: {  	_ =	strace s2  }
0x97: {  	_ =	strace $0x8FFFFFFF  }
0x98: {  	s18 =	sld [smem:$0x3FDB];
	_ =	sdelay $0x1  }
0x99: {  	s19 =	simm.s32 $_scs_section_size  }
0x9a: {  	s4 =	simm.s32 $_size__tile_overlayer_lowered;
	s5 =	simm.s32 $_tile_overlayer_lowered  }
0x9b: {  	s22 =	simm.s32 $0x1BFF;
	s21 =	sshll.u32 s5, $0x1;
	s2 =	sadd.s32 s19, s18  }
0x9c: {  	s6 =	simm.s32 $0x0;
	s20 =	sshll.u32 s4, $0x1;
	s4 =	sadd.s32 s21, s2  }
0x9d: {  	[timem:s6], [sflag:s22] =	dma.local [hbm:s4], s20  }
0x9e: {  	_ =	swait.ge [sflag:s22], s20  }
0x9f: {  	s3 =	ssub.s32 $0x0, s20;
	[sflag:s22] =	ssyncset.done $0x0  }
0xa0: {  	[sflag:s22] =	ssyncadd.s32 s3;
	_ =	sdelay $0x1  }
0xa1: {  	s23 =	simm.s32 $0x1B8B  }
0xa2: {  	_ =	swait.ge [sflag:s23], $0x1  }
0xa3: {  	[sflag:s23] =	ssyncset.done $0x0  }
0xa4: {  	s25 =	simm.s32 $0x1B8E;
	s24 =	sld [smem:$0x3FFE];
	[sflag:s23] =	ssyncadd.s32 $0xFFFFFFFF  }
0xa5: {  	s26 =	simm.s32 $execute0_lowered;
	[smem:$0x3FD2] =	sst s25  }
0xa6: {  	s4 =	sshll.u32 s26, $0x1;
	_ =	strace $0x80000052;
	[dreg:$0x1] =	wrdreg $0xFFFFFFFF  }
0xa7: {  	s28 =	simm.s32 $_size_execute0_lowered;
	s2 =	sadd.s32 s2, s4;
	[dreg:$0x0] =	wrdreg $0x0  }
0xa8: {  	s4 =	sshll.u32 s28, $0x1;
	[dreg:$0x2] =	wrdreg s2  }
0xa9: {  	[dreg:$0x3] =	wrdreg s4  }
0xaa: {  	[dreg:$0x4] =	wrdreg $0xC0  }
0xab: {  	_ =	task [dreg:s6], $0x5FFFF  }
0xac: {  	[dreg:$0x1] =	wrdreg $0xFFFFFFFF  }
0xad: {  	[dreg:$0x0] =	wrdreg $0x60  }
0xae: {  	[dreg:$0x2] =	wrdreg s24  }
0xaf: {  	[dreg:$0x3] =	wrdreg $0x50A00  }
0xb0: {  	[dreg:$0x4] =	wrdreg $0x9  }
0xb1: {  	_ =	task.clear_ibuf [dreg:s6], $0x5FFFF;
	_ =	strace $0x90000052  }
0xb2: {  	s29 =	simm.s32 $0x9;
	_ =	strace $0x80000054  }
0xb3: {  	_ =	swait.ge [sflag:s29], $0x1  }
0xb4: {  	[sflag:s29] =	ssyncadd.s32 $0xFFFFFFFF  }
0xb5: {  	_ =	strace $0x90000054  }
0xb6: {  	_ =	sfence  }
0xb7: {  	s30 =	sld [smem:$0x0];
	_ =	sdelay $0x2  }
0xb8: {  	s31 =	sshll.u32 s1, $0xD;
	s1 =	sshrl.u32 s1, $0x2  }
0xb9: {  	s3 =	sand.u32 $0x4000, s31;
	s1 =	sadd.s32 s1, s30  }
0xba: {  	s0 =	sor.u32 s3, s0;
	s1 =	sshll.u32 s1, $0x11  }
0xbb: {  	s0 =	sor.u32 s1, s0  }
0xbc: {  	s0 =	sadd.s32 $0x8F2B, s0  }
0xbd: {  	[sflag:s0] =	ssyncadd.remote.s32 $0x1  }
0xbe: {  	_ =	sfence.sel $0xFFFF  }
0xbf: {  	[dreg:$0x0] =	wrdreg $0xFFFFFFFF;
	(pc) =	sbr.abs _section_cstart, $3  }
0xc0: {  	[dreg:$0x1] =	wrdreg $0xFFFFFFFF  }
0xc1: {  	_ =	task.clear_ibuf [dreg:s6], $0x2FFFF;
	_ =	strace $0x9FFFFFFF  }
0xc2: {  	(tm) =	ssettm $0x7FFFFFFF  }
0xc3: {  	_ =	shalt  }
tec
execute0_lowered:
.L_overlay_start_1:
0x0: {  	(tag) =	ssettag $0x1  }
0x1: {  	s6 =	rddreg [dreg:$0x0]  }
0x2: {  	s0 =	srdreg.scid;
	s2 =	rddreg [dreg:$0x1]  }
0x3: {  	s3 =	simm.s32 $0x0;
	s14 =	simm.s32 $0x50;
	s15 =	simm.s32 $0x4E20  }
0x4: {  	s16 =	simm.s32 $0x1;
	s5 =	sand.u32 $0x1, s0;
	s0 =	stileid.u32  }
0x5: {  	s17 =	simm.s32 $0x0;
	[smem:$0x7FF] =	sst s3;
	s8 =	smul.u32 $0x1400, s0  }
0x6: {  	s4 =	sadd.s32 $0x19800, s6;
	s1 =	sshll.u32 s5, $0x4;
	s9 =	smul.u32 $0x14000, s5  }
0x7: {  	s5 =	ssub.s32 $0x2, s5;
	s31 =	sshll.u32 s0, $0x6;
	s1 =	sor.u32 s0, s1  }
0x8: {  	s11 =	sshrl.u32 s5, $0x1;
	s7 =	smul.u32 $0x4E2, s1;
	s1 =	rddreg [dreg:$0x2]  }
0x9: {  	_ =	strace $0x80000053;
	s29 =	sadd.s32 s8, s9;
	s30 =	sshrl.u32 s8, $0x3  }
0xa: {  	s11 =	ssub.s32 s5, s11;
	s13 =	sadd.s32 s8, s2;
	s9 =	sadd.s32 s30, s6  }
0xb: {  	s10 =	sadd.s32 s7, s6;
	s7 =	sshrl.u32 s29, $0x3;
	s5 =	sadd.s32 $0x17000, s9  }
0xc: {  	s12 =	sadd.s32 s7, s6;
	s6 =	sor.u32 $0x1C02, s31;
	s7 =	sadd.s32 $0xD000, s10  }
0xd: {  	s8 =	sadd.s32 $0x3200, s10;
	s10 =	smax.u32 s11, $0x1;
	s11 =	sshrl.u32 s13, $0x3  }
0xe: {  	s13 =	simm.s32 $0x2710;
	s9 =	sadd.s32 $0x1C000, s12;
	s12 =	simm.s32 $0x2  }
.LBB2_1:
0xf: {  	[spmem:s11], [sflag:s6] =	dma.local [hbm:s5], $0x280  }
0x10: {  	_ =	swait.ge [sflag:s12], $0x280  }
0x11: {  	[sflag:s12] =	ssyncset.done $0x0  }
0x12: {  	[sflag:s12] =	ssyncadd.s32 $0xFFFFFD80  }
0x13: {  	[tilespmem:s3], [sflag:$0x2] =	stream.linear.gather [hbm4b:s7+s3], $0x2710, $0x38;
	[tilespmem:$0x64A0] =	vst v63  }
0x14: {  	_ =	swait.ge [sflag:s12], $0x2710  }
0x15: {  	[sflag:s12] =	ssyncset.done $0x0  }
0x16: {  	[sflag:s12] =	ssyncadd.s32 $0xFFFFD8F0  }
0x17: {  	[tilespmem:s13], [sflag:$0x2] =	stream.linear.gather [hbm4b:s8+s3], $0x2710, $0x38;
	[tilespmem:$0x64A0] =	vst v63  }
0x18: {  	_ =	swait.ge [sflag:s12], $0x2710  }
0x19: {  	[sflag:s12] =	ssyncset.done $0x0  }
0x1a: {  	[sflag:s12] =	ssyncadd.s32 $0xFFFFD8F0  }
0x1b: {  	s18 =	simm.s32 $0x0;
	[bflag:$0x0] =	sbarrier.arrive $0xFFFF  }
0x1c: {  	[tilespmem:s15], [sflag:$0x1] =	stream.indirect.gather [hbm4b:s4+s14], $0x8, s18, s14, $0xb8;
	[tilespmem:$0x64A0] =	vst v63  }
0x1d: {  	_ =	swait.ge [sflag:s16], $0x280  }
0x1e: {  	[sflag:s16] =	ssyncset.done $0x0  }
0x1f: {  	s31 =	simm.s32 $0x2710;
	[sflag:s16] =	ssyncadd.s32 $0xFFFFFD80  }
0x20: {  	[spmem:s2] =	stream.indirect.scatter.add.f32 [tilespmem:s15], [sflag:$0x2], $0x8, s31, s14, $0xb8;
	[tilespmem:$0x64A0] =	vst v63  }
0x21: {  	_ =	swait.ge [sflag:s12], $0x280  }
0x22: {  	s19 =	simm.s32 $0x280;
	s18 =	simm.s32 $0x140;
	[sflag:s12] =	ssyncset.done $0x0  }
.LBB2_2:
0x23: {  	s20 =	sshra.s32 s18, $0x2  }
0x24: {  	[sflag:s12] =	ssyncadd.s32 $0xFFFFFD80;
	s18 =	smov.u32 s19;
	s21 =	sadd.s32 $0x140, s19  }
0x25: {  	[tilespmem:s15], [sflag:$0x1] =	stream.indirect.gather [hbm4b:s4+s14], $0x8, s20, s14, $0xb8;
	[tilespmem:$0x64A0] =	vst v63  }
0x26: {  	p0 =	sne.s32 s19, $0x9B00;
	_ =	swait.ge [sflag:s16], $0x280  }
.Ltmp0:
0x27: {  	[sflag:s16] =	ssyncset.done $0x0;
	(pc) =	sbr.rel @p0 .LBB2_2-.Ltmp0, $4  }
0x28: {  	s19 =	sadd.s32 $0x2710, s20;
	[sflag:s16] =	ssyncadd.s32 $0xFFFFFD80  }
0x29: {  	[spmem:s2] =	stream.indirect.scatter.add.f32 [tilespmem:s15], [sflag:$0x2], $0x8, s19, s14, $0xb8;
	[tilespmem:$0x64A0] =	vst v63  }
0x2a: {  	_ =	swait.ge [sflag:s12], $0x280  }
0x2b: {  	s19 =	smov.u32 s21;
	[sflag:s12] =	ssyncset.done $0x0  }
0x2c: {  	s18 =	sshra.s32 s18, $0x2;
	[sflag:s12] =	ssyncadd.s32 $0xFFFFFD80  }
0x2d: {  	[tilespmem:s15], [sflag:$0x1] =	stream.indirect.gather [hbm4b:s4+s14], $0x8, s18, s14, $0xb8;
	[tilespmem:$0x64A0] =	vst v63  }
0x2e: {  	_ =	swait.ge [sflag:s16], $0x280  }
0x2f: {  	[sflag:s16] =	ssyncset.done $0x0  }
0x30: {  	s18 =	sadd.s32 $0x2710, s18;
	[sflag:s16] =	ssyncadd.s32 $0xFFFFFD80  }
0x31: {  	[spmem:s2] =	stream.indirect.scatter.add.f32 [tilespmem:s15], [sflag:$0x2], $0x8, s18, s14, $0xb8;
	[tilespmem:$0x64A0] =	vst v63  }
0x32: {  	_ =	swait.ge [sflag:s12], $0x280  }
0x33: {  	s17 =	sadd.s32 $0x1, s17;
	[sflag:s12] =	ssyncset.done $0x0  }
0x34: {  	p0 =	sne.s32 s17, s10;
	[sflag:s12] =	ssyncadd.s32 $0xFFFFFD80  }
.Ltmp1:
0x35: {  	[bflag:$0x0] =	sbarrier.arrive $0xFFFF;
	(pc) =	sbr.rel @p0 .LBB2_1-.Ltmp1, $4  }
0x36: {  	[hbm:s9], [sflag:s6] =	dma.local [spmem:s11], $0x280  }
0x37: {  	_ =	swait.ge [sflag:s12], $0x280  }
0x38: {  	[sflag:s12] =	ssyncset.done $0x0  }
0x39: {  	[sflag:s12] =	ssyncadd.s32 $0xFFFFFD80  }
0x3a: {  	_ =	sfence.sel $0x180000  }
0x3b: {  	[bflag:$0x0] =	sbarrier.arrive $0xFFFF  }
0x3c: {  	p0 =	sne.s32 s0, $0x0;
	_ =	strace $0x90000053  }
0x3d: {  	s0 =	sadd.s32 @!p0 $0x100000, s1;
	[bflag:$0x2] =	sbarrier.arrive $0xFFFF  }
0x3e: {  	[sflag:s0] =	ssyncadd.tile.s32 @!p0 $0x1;
	_ =	shalt  }
.Lfunc_end2:
_tile_overlayer_lowered:
.L_overlay_start_2:
0x3f: {  	(tag) =	ssettag $0x2  }
0x40: {  	s0 =	rddreg [dreg:$0x0];
	s2 =	stileid.u32  }
0x41: {  	s1 =	rddreg [dreg:$0x1];
	p0 =	sne.s32 s2, $0x0  }
0x42: {  	s3 =	rddreg [dreg:$0x2];
	[bflag:$0x3] =	sbarrier.arrive $0xFFFF;
	s2 =	simm.s32 @!p0 $0x1C02  }
0x43: {  	[timem:s3], [sflag:s2] =	dma.local @!p0 [hbm:s0], s1  }
0x44: {  	s0 =	simm.s32 @!p0 $0x2  }
0x45: {  	_ =	swait.ge @!p0 [sflag:s0], s1  }
0x46: {  	s1 =	ssub.s32 @!p0 $0x0, s1;
	[sflag:s0] =	ssyncset.done @!p0 $0x0  }
0x47: {  	[sflag:s0] =	ssyncadd.s32 @!p0 s1  }
0x48: {  	[bflag:$0x3] =	sbarrier.arrive $0xFFFF  }
0x49: {  	_ =	shalt  }

</sc_bundles>
